<compile_context>
chip_gen: v7x
topology: tpu7x:2x2x1
jax: 0.10.2.dev20260603
libtpu: 0.0.44.dev20260713+nightly
codegen_flags: <defaults>
</compile_context>

<pallas_src>
import functools

import jax
import jax.numpy as jnp
from jax import lax
from jax.experimental import pallas as pl
from jax.experimental.pallas import tpu as pltpu
from jax.experimental.pallas import tpu_sc as plsc

N = 10000
E = 320000
D = 128
NC = 2
NS = 16
NW = NC * NS

EPW = E // NW
CHUNK = 80
NCHUNK = EPW // CHUNK

NP = 10240
NPT = NP // NS
ZR = 128
NZ = NPT // ZR


@functools.cache
def _make_deg_kernel():
    mesh = plsc.VectorSubcoreMesh(core_axis_name="c", subcore_axis_name="s")
    return functools.partial(
        pl.kernel, mesh=mesh,
        out_type=jax.ShapeDtypeStruct((NC, NP), jnp.float32),
        scratch_types=[
            pltpu.VMEM((EPW,), jnp.int32),
            pltpu.VMEM((NP,), jnp.float32),
            pltpu.VMEM((NPT,), jnp.float32),
            pltpu.VMEM((NPT,), jnp.float32),
            pltpu.VMEM_SHARED((NS * NP,), jnp.float32),
        ],
        compiler_params=pltpu.CompilerParams(needs_layout_passes=False),
    )(_deg_body)


def _deg_body(dst_hbm, out_hbm, didx, ldeg, accv, tmpv, deg_sh):
    c = lax.axis_index("c")
    s = lax.axis_index("s")
    wid = c * NS + s
    zf = jnp.zeros((16,), jnp.float32)

    def zero_ldeg(i, _):
        ldeg[pl.ds(i * 16, 16)] = zf
        return 0
    lax.fori_loop(0, NP // 16, zero_ldeg, 0)

    pltpu.sync_copy(dst_hbm.at[pl.ds(wid * EPW, EPW)], didx)
    ones = jnp.ones((16,), jnp.float32)

    def count(i, _):
        idx = didx[pl.ds(i * 16, 16)]
        plsc.addupdate_scatter(ldeg, [idx], ones)
        return 0
    lax.fori_loop(0, EPW // 16, count, 0)

    pltpu.sync_copy(ldeg, deg_sh.at[pl.ds(s * NP, NP)])
    plsc.subcore_barrier()

    def zero_acc(i, _):
        accv[pl.ds(i * 16, 16)] = zf
        return 0
    lax.fori_loop(0, NPT // 16, zero_acc, 0)

    for k in range(NS):
        pltpu.sync_copy(deg_sh.at[pl.ds(k * NP + s * NPT, NPT)], tmpv)

        def addk(i, _):
            accv[pl.ds(i * 16, 16)] = accv[pl.ds(i * 16, 16)] + tmpv[pl.ds(i * 16, 16)]
            return 0
        lax.fori_loop(0, NPT // 16, addk, 0)

    pltpu.sync_copy(accv, out_hbm.at[c].at[pl.ds(s * NPT, NPT)])


@functools.cache
def _make_agg_kernel():
    mesh = plsc.VectorSubcoreMesh(core_axis_name="c", subcore_axis_name="s")
    return functools.partial(
        pl.kernel, mesh=mesh,
        out_type=jax.ShapeDtypeStruct((NC, NP, D), jnp.float32),
        scratch_types=[
            pltpu.VMEM((CHUNK,), jnp.int32),
            pltpu.VMEM((CHUNK,), jnp.int32),
            pltpu.VMEM((CHUNK, D), jnp.float32),
            pltpu.VMEM((ZR, D), jnp.float32),
            pltpu.VMEM_SHARED((NP, D), jnp.float32),
            pltpu.SemaphoreType.DMA,
        ],
        compiler_params=pltpu.CompilerParams(needs_layout_passes=False),
    )(_agg_body)


def _agg_body(h_hbm, src_hbm, dst_hbm, out_hbm, sidx, didx, rows, zbuf, agg_sh, sem):
    c = lax.axis_index("c")
    s = lax.axis_index("s")
    wid = c * NS + s
    zf = jnp.zeros((16,), jnp.float32)

    def zero_zbuf(i, _):
        zbuf[i // 8, pl.ds((i % 8) * 16, 16)] = zf
        return 0
    lax.fori_loop(0, ZR * 8, zero_zbuf, 0)

    def zero_sh(j, _):
        pltpu.sync_copy(zbuf, agg_sh.at[pl.ds(s * NPT + j * ZR, ZR)])
        return 0
    lax.fori_loop(0, NZ, zero_sh, 0)
    plsc.subcore_barrier()

    base = wid * EPW

    def chunk_body(i, _):
        off = base + i * CHUNK
        pltpu.sync_copy(src_hbm.at[pl.ds(off, CHUNK)], sidx)
        pltpu.sync_copy(dst_hbm.at[pl.ds(off, CHUNK)], didx)
        pltpu.async_copy(h_hbm.at[sidx], rows, sem).wait()
        pltpu.sync_copy(rows, agg_sh.at[didx], add=True)
        return 0
    lax.fori_loop(0, NCHUNK, chunk_body, 0)
    plsc.subcore_barrier()

    def writeout(j, _):
        r0 = s * NPT + j * ZR
        pltpu.sync_copy(agg_sh.at[pl.ds(r0, ZR)], out_hbm.at[c].at[pl.ds(r0, ZR)])
        return 0
    lax.fori_loop(0, NZ, writeout, 0)



_DN = (((1,), (1,)), ((), ()))


def _tc1_body(x_ref, w_ref, degp_ref, hp_ref, dcol_ref):
    deg = degp_ref[0] + degp_ref[1] + 1.0
    dcol = lax.rsqrt(deg)[:N]
    m = lax.dot_general(x_ref[...], w_ref[...], _DN,
                        preferred_element_type=jnp.float32)
    hp_ref[...] = m * dcol
    dcol_ref[...] = dcol


_tc1 = pl.pallas_call(
    _tc1_body,
    out_shape=[jax.ShapeDtypeStruct((N, D), jnp.float32),
               jax.ShapeDtypeStruct((N, 1), jnp.float32)],
)


def _bn_relu(u, g, beta):
    mean = jnp.mean(u, axis=0)
    var = jnp.mean((u - mean) ** 2, axis=0)
    return jnp.maximum((u - mean) * lax.rsqrt(var + 1e-5) * g + beta, 0.0)


def _tc_mid_body(aggp_ref, hp_ref, dcol_ref, b_ref, g_ref, beta_ref, w_ref,
                 h_ref, hpn_ref):
    dcol = dcol_ref[...]
    u = (aggp_ref[0, :N] + aggp_ref[1, :N] + hp_ref[...]) * dcol + b_ref[...]
    h = _bn_relu(u, g_ref[...], beta_ref[...])
    h_ref[...] = h
    m = lax.dot_general(h, w_ref[...], _DN, preferred_element_type=jnp.float32)
    hpn_ref[...] = m * dcol


_tc_mid = pl.pallas_call(
    _tc_mid_body,
    out_shape=[jax.ShapeDtypeStruct((N, D), jnp.float32),
               jax.ShapeDtypeStruct((N, D), jnp.float32)],
)


def _tc_out_body(aggp_ref, hp_ref, dcol_ref, b_ref, g_ref, beta_ref,
                 h1_ref, h2_ref, wf_ref, bf_ref, out_ref):
    dcol = dcol_ref[...]
    u = (aggp_ref[0, :N] + aggp_ref[1, :N] + hp_ref[...]) * dcol + b_ref[...]
    h3 = _bn_relu(u, g_ref[...], beta_ref[...])
    wf = wf_ref[...]
    acc = lax.dot_general(h1_ref[...], wf[:, 0:D], _DN,
                          preferred_element_type=jnp.float32)
    acc = acc + lax.dot_general(h2_ref[...], wf[:, D:2 * D], _DN,
                                preferred_element_type=jnp.float32)
    acc = acc + lax.dot_general(h3, wf[:, 2 * D:3 * D], _DN,
                                preferred_element_type=jnp.float32)
    out_ref[...] = acc + bf_ref[...]


_tc_out = pl.pallas_call(
    _tc_out_body,
    out_shape=jax.ShapeDtypeStruct((N, 64), jnp.float32),
)



def kernel(x, edge_index, W1, b1, W2, b2, W3, b3, g1, beta1, g2, beta2,
           g3, beta3, Wf, bf):
    src = edge_index[0]
    dst = edge_index[1]
    deg_k = _make_deg_kernel()
    agg_k = _make_agg_kernel()
    degp = deg_k(dst).reshape(NC, NP, 1)
    h1p, dcol = _tc1(x, W1, degp)
    agg1 = agg_k(h1p, src, dst)
    h1, h2p = _tc_mid(agg1, h1p, dcol, b1, g1, beta1, W2)
    agg2 = agg_k(h2p, src, dst)
    h2, h3p = _tc_mid(agg2, h2p, dcol, b2, g2, beta2, W3)
    agg3 = agg_k(h3p, src, dst)
    out = _tc_out(agg3, h3p, dcol, b3, g3, beta3, h1, h2, Wf, bf)
    return out

# --- scband reference (transcript-rebuilt; emitter-appended) ---
"""Pipeline reference for scband-gcn-3l-agg-37787122270452 (READ-ONLY COPY).

The authoritative reference and input builder live on the scoring server;
editing this copy changes nothing except your own understanding.
"""

import jax, jax.numpy as jnp
import numpy as np

N = 10000
E = 320000
D_NODE = 128
D_HID = 128
N_CLS = 64


def _glorot(k, shape):
    fan_out, fan_in = shape[0], shape[1]
    lim = float(np.sqrt(6.0 / (fan_in + fan_out)))
    return jax.random.uniform(k, shape, minval=-lim, maxval=lim, dtype=jnp.float32)


def setup_inputs(seed: int = 0) -> dict:
    key = jax.random.key(seed)
    ks = jax.random.split(key, 8)
    inp = {}
    inp['x'] = jax.random.normal(ks[0], (N, D_NODE), dtype=jnp.float32)
    inp['edge_index'] = jax.random.randint(ks[1], (2, E), 0, N, dtype=jnp.int32)
    # GCNConv weights (PyG Linear weight layout: [out, in], bias separate)
    inp['W1'] = _glorot(ks[2], (D_HID, D_NODE)); inp['b1'] = jnp.zeros((D_HID,), jnp.float32)
    inp['W2'] = _glorot(ks[3], (D_HID, D_HID)); inp['b2'] = jnp.zeros((D_HID,), jnp.float32)
    inp['W3'] = _glorot(ks[4], (D_HID, D_HID)); inp['b3'] = jnp.zeros((D_HID,), jnp.float32)
    # BatchNorm affine params
    inp['g1'] = jnp.ones((D_HID,), jnp.float32); inp['beta1'] = jnp.zeros((D_HID,), jnp.float32)
    inp['g2'] = jnp.ones((D_HID,), jnp.float32); inp['beta2'] = jnp.zeros((D_HID,), jnp.float32)
    inp['g3'] = jnp.ones((D_HID,), jnp.float32); inp['beta3'] = jnp.zeros((D_HID,), jnp.float32)
    # ffn linear
    inp['Wf'] = _glorot(ks[5], (N_CLS, 3 * D_HID)); inp['bf'] = jnp.zeros((N_CLS,), jnp.float32)
    return inp


def _gcn_conv(x, src, dst, norm, W, b, n):
    h = x @ W.T
    msg = h[src] * norm[:, None]
    out = jnp.zeros((n, h.shape[1]), dtype=h.dtype).at[dst].add(msg)
    return out + b


def _bn(h, g, b):
    m = jnp.mean(h, axis=0)
    v = jnp.var(h, axis=0)
    return (h - m) * jax.lax.rsqrt(v + 1e-5) * g + b


def reference(x, edge_index, W1, b1, W2, b2, W3, b3, g1, beta1, g2, beta2, g3, beta3, Wf, bf):
    n = x.shape[0]
    loop = jnp.arange(n, dtype=edge_index.dtype)
    src = jnp.concatenate([edge_index[0], loop])
    dst = jnp.concatenate([edge_index[1], loop])
    deg = jnp.zeros((n,), jnp.float32).at[dst].add(1.0)
    dinv = jnp.where(deg > 0, jax.lax.rsqrt(deg), 0.0)
    norm = dinv[src] * dinv[dst]
    h1 = jax.nn.relu(_bn(_gcn_conv(x, src, dst, norm, W1, b1, n), g1, beta1))
    h2 = jax.nn.relu(_bn(_gcn_conv(h1, src, dst, norm, W2, b2, n), g2, beta2))
    h3 = jax.nn.relu(_bn(_gcn_conv(h2, src, dst, norm, W3, b3, n), g3, beta3))
    cat = jnp.concatenate([h1, h2, h3], axis=1)
    # Dropout(p=0.2) is identity at inference
    out = cat @ Wf.T + bf
    return out

if __name__ == "__main__":
    import jax
    _d = setup_inputs()
    print(jax.jit(kernel)(*tuple(_d.values())))

</pallas_src>

<mosaic_0001>
#map = affine_map<(d0, d1) -> (0, 0)>
#map1 = affine_map<(d0, d1) -> (0)>
#map2 = affine_map<(d0, d1) -> (0, 0, 0)>
module attributes {stable_mosaic.version = 14 : i64} {
  func.func @_agg_body(%arg0: i32, %arg1: i32, %arg2: memref<10000x128xf32, #tpu.memory_space<hbm>>, %arg3: memref<320000xi32, #tpu.memory_space<hbm>>, %arg4: memref<320000xi32, #tpu.memory_space<hbm>>, %arg5: memref<2x10240x128xf32, #tpu.memory_space<hbm>>, %arg6: memref<80xi32, #tpu.memory_space<vmem>>, %arg7: memref<80xi32, #tpu.memory_space<vmem>>, %arg8: memref<80x128xf32, #tpu.memory_space<vmem>>, %arg9: memref<128x128xf32, #tpu.memory_space<vmem>>, %arg10: memref<10240x128xf32, #tpu.memory_space<vmem_shared>>, %arg11: memref<!tpu.dma_semaphore, #tpu.memory_space<semaphore_mem>>) attributes {dimension_semantics = [#tpu.dimension_semantics<core_parallel>, #tpu.dimension_semantics<subcore_parallel>], iteration_bounds = array<i64: 2, 16>, scalar_prefetch = 0 : i64, scratch_operands = 6 : i64, tpu.core_type = #tpu.core_type<sc_vector_subcore>, window_params = [{transform_indices = #map}, {transform_indices = #map1}, {transform_indices = #map1}, {transform_indices = #map2}]} {
    %mul3A = arith.constant 16 : i32
    %mul3A_0 = arith.muli %arg0, %mul3A : i32
    %add3A = arith.addi %mul3A_0, %arg1 : i32
    %broadcast_in_dim3A = arith.constant 0.000000e+00 : f32
    %broadcast_in_dim3A_1 = vector.broadcast %broadcast_in_dim3A : f32 to vector<16xf32>
    %scan3A = arith.constant 0 : i32
    %scan3A_2 = arith.constant 0 : i32
    %scan3A_3 = arith.constant 1024 : i32
    %scan3A_4 = arith.addi %scan3A_2, %scan3A_3 : i32
    %scan3A_5 = arith.constant 1 : i32
    %scan3A_6 = scf.for %scan3A_32 = %scan3A_2 to %scan3A_4 step %scan3A_5 iter_args(%scan3A_33 = %scan3A) -> (i32)  : i32 {
      %jit3A = arith.constant 8 : i32
      %div3A = arith.divsi %scan3A_32, %jit3A : i32
      %sign3A = arith.constant 0 : i32
      %sign3A_34 = arith.cmpi sgt, %scan3A_32, %sign3A : i32
      %sign3A_35 = arith.extui %sign3A_34 : i1 to i32
      %sign3A_36 = arith.constant 0 : i32
      %sign3A_37 = arith.cmpi slt, %scan3A_32, %sign3A_36 : i32
      %sign3A_38 = arith.extui %sign3A_37 : i1 to i32
      %sign3A_39 = arith.subi %sign3A_35, %sign3A_38 : i32
      %sign3A_40 = arith.constant 0 : i32
      %sign3A_41 = arith.cmpi sgt, %jit3A, %sign3A_40 : i32
      %sign3A_42 = arith.extui %sign3A_41 : i1 to i32
      %sign3A_43 = arith.constant 0 : i32
      %sign3A_44 = arith.cmpi slt, %jit3A, %sign3A_43 : i32
      %sign3A_45 = arith.extui %sign3A_44 : i1 to i32
      %sign3A_46 = arith.subi %sign3A_42, %sign3A_45 : i32
      %ne3A = arith.cmpi ne, %sign3A_39, %sign3A_46 : i32
      %rem3A = arith.remsi %scan3A_32, %jit3A : i32
      %ne3A_47 = arith.constant 0 : i32
      %ne3A_48 = arith.cmpi ne, %rem3A, %ne3A_47 : i32
      %and3A = arith.andi %ne3A, %ne3A_48 : i1
      %sub3A = arith.constant 1 : i32
      %sub3A_49 = arith.subi %div3A, %sub3A : i32
      %select_n3A = arith.select %and3A, %sub3A_49, %div3A : i32
      %jit3A_50 = arith.constant 8 : i32
      %eq3A = arith.constant 0 : i32
      %eq3A_51 = arith.cmpi eq, %jit3A_50, %eq3A : i32
      %jit3A_52 = arith.constant 1 : i32
      %select_n3A_53 = arith.select %eq3A_51, %jit3A_52, %jit3A_50 : i32
      %rem3A_54 = arith.remsi %scan3A_32, %select_n3A_53 : i32
      %ne3A_55 = arith.constant 0 : i32
      %ne3A_56 = arith.cmpi ne, %rem3A_54, %ne3A_55 : i32
      %lt3A = arith.constant 0 : i32
      %lt3A_57 = arith.cmpi slt, %rem3A_54, %lt3A : i32
      %lt3A_58 = arith.constant 0 : i32
      %lt3A_59 = arith.cmpi slt, %select_n3A_53, %lt3A_58 : i32
      %ne3A_60 = arith.xori %lt3A_57, %lt3A_59 : i1
      %and3A_61 = arith.andi %ne3A_60, %ne3A_56 : i1
      %add3A_62 = arith.addi %rem3A_54, %select_n3A_53 : i32
      %select_n3A_63 = arith.select %and3A_61, %add3A_62, %rem3A_54 : i32
      %mul3A_64 = arith.constant 16 : i32
      %mul3A_65 = arith.muli %select_n3A_63, %mul3A_64 : i32
      %swap3A = arith.index_cast %select_n3A : i32 to index
      %swap3A_66 = arith.index_cast %mul3A_65 : i32 to index
      %swap3A_67 = tpu.vector_load %arg9[%swap3A, %swap3A_66] {strides = array<i32>} : memref<128x128xf32, #tpu.memory_space<vmem>>, vector<16xf32>,
      tpu.vector_store %arg9[%swap3A, %swap3A_66], %broadcast_in_dim3A_1 {strides = array<i32>} : memref<128x128xf32, #tpu.memory_space<vmem>>, vector<16xf32>,
      %scan3A_68 = arith.constant 0 : i32
      scf.yield %scan3A_68 : i32
    }
    %scan3A_7 = arith.constant 1024 : i32
    %scan3A_8 = arith.constant 0 : i32
    %scan3A_9 = arith.constant 0 : i32
    %scan3A_10 = arith.constant 5 : i32
    %scan3A_11 = arith.addi %scan3A_9, %scan3A_10 : i32
    %scan3A_12 = arith.constant 1 : i32
    %scan3A_13 = scf.for %scan3A_32 = %scan3A_9 to %scan3A_11 step %scan3A_12 iter_args(%scan3A_33 = %scan3A_8) -> (i32)  : i32 {
      %mul3A_34 = arith.constant 640 : i32
      %mul3A_35 = arith.muli %arg1, %mul3A_34 : i32
      %mul3A_36 = arith.constant 128 : i32
      %mul3A_37 = arith.muli %scan3A_32, %mul3A_36 : i32
      %add3A_38 = arith.addi %mul3A_35, %mul3A_37 : i32
      "tpu.region"() ({
        %run_scoped3A = tpu.sem_alloc : memref<!tpu.dma_semaphore, #tpu.memory_space<semaphore_mem>>
        %dma_start3A = arith.constant 0 : i32
        %dma_start3A_40 = tpu.memref_slice %arg10[%add3A_38, %dma_start3A] : memref<10240x128xf32, #tpu.memory_space<vmem_shared>> -> memref<128x128xf32, #tpu.memory_space<vmem_shared>>
        %dma_start3A_41 = arith.constant 0 : i32
        %dma_start3A_42 = tpu.memref_slice %arg10[%add3A_38, %dma_start3A_41] : memref<10240x128xf32, #tpu.memory_space<vmem_shared>> -> memref<128x128xf32, #tpu.memory_space<vmem_shared>>
        tpu.enqueue_dma source(%arg9 : memref<128x128xf32, #tpu.memory_space<vmem>>) target(%dma_start3A_42 : memref<128x128xf32, #tpu.memory_space<vmem_shared>>) target_semaphore(%run_scoped3A : memref<!tpu.dma_semaphore, #tpu.memory_space<semaphore_mem>>)
        %dma_wait3A = arith.constant 0 : i32
        %dma_wait3A_43 = tpu.memref_slice %arg10[%add3A_38, %dma_wait3A] : memref<10240x128xf32, #tpu.memory_space<vmem_shared>> -> memref<128x128xf32, #tpu.memory_space<vmem_shared>>
        %dma_wait3A_44 = arith.constant 0 : i32
        %dma_wait3A_45 = tpu.memref_slice %arg10[%add3A_38, %dma_wait3A_44] : memref<10240x128xf32, #tpu.memory_space<vmem_shared>> -> memref<128x128xf32, #tpu.memory_space<vmem_shared>>
        tpu.wait_dma2 semaphore(%run_scoped3A : memref<!tpu.dma_semaphore, #tpu.memory_space<semaphore_mem>>) src(%arg9 : memref<128x128xf32, #tpu.memory_space<vmem>>) dst(%dma_wait3A_45 : memref<128x128xf32, #tpu.memory_space<vmem_shared>>)
        tpu.yield
      }) : () -> ()
      %scan3A_39 = arith.constant 0 : i32
      scf.yield %scan3A_39 : i32
    }
    %scan3A_14 = arith.constant 5 : i32
    %barrier3A = arith.constant 0 : index
    tpu.barrier barrier_id(%barrier3A)
    %mul3A_15 = arith.constant 10000 : i32
    %mul3A_16 = arith.muli %add3A, %mul3A_15 : i32
    %scan3A_17 = arith.constant 0 : i32
    %scan3A_18 = arith.constant 0 : i32
    %scan3A_19 = arith.constant 125 : i32
    %scan3A_20 = arith.addi %scan3A_18, %scan3A_19 : i32
    %scan3A_21 = arith.constant 1 : i32
    %scan3A_22 = scf.for %scan3A_32 = %scan3A_18 to %scan3A_20 step %scan3A_21 iter_args(%scan3A_33 = %scan3A_17) -> (i32)  : i32 {
      %mul3A_34 = arith.constant 80 : i32
      %mul3A_35 = arith.muli %scan3A_32, %mul3A_34 : i32
      %add3A_36 = arith.addi %mul3A_16, %mul3A_35 : i32
      "tpu.region"() ({
        %run_scoped3A = tpu.sem_alloc : memref<!tpu.dma_semaphore, #tpu.memory_space<semaphore_mem>>
        %dma_start3A_42 = tpu.memref_slice %arg3[%add3A_36] : memref<320000xi32, #tpu.memory_space<hbm>> -> memref<80xi32, #tpu.memory_space<hbm>>
        %dma_start3A_43 = tpu.memref_slice %arg3[%add3A_36] : memref<320000xi32, #tpu.memory_space<hbm>> -> memref<80xi32, #tpu.memory_space<hbm>>
        tpu.enqueue_dma source(%dma_start3A_43 : memref<80xi32, #tpu.memory_space<hbm>>) target(%arg6 : memref<80xi32, #tpu.memory_space<vmem>>) target_semaphore(%run_scoped3A : memref<!tpu.dma_semaphore, #tpu.memory_space<semaphore_mem>>)
        %dma_wait3A_44 = tpu.memref_slice %arg3[%add3A_36] : memref<320000xi32, #tpu.memory_space<hbm>> -> memref<80xi32, #tpu.memory_space<hbm>>
        %dma_wait3A_45 = tpu.memref_slice %arg3[%add3A_36] : memref<320000xi32, #tpu.memory_space<hbm>> -> memref<80xi32, #tpu.memory_space<hbm>>
        tpu.wait_dma2 semaphore(%run_scoped3A : memref<!tpu.dma_semaphore, #tpu.memory_space<semaphore_mem>>) src(%dma_wait3A_45 : memref<80xi32, #tpu.memory_space<hbm>>) dst(%arg6 : memref<80xi32, #tpu.memory_space<vmem>>)
        tpu.yield
      }) : () -> ()
      "tpu.region"() ({
        %run_scoped3A = tpu.sem_alloc : memref<!tpu.dma_semaphore, #tpu.memory_space<semaphore_mem>>
        %dma_start3A_42 = tpu.memref_slice %arg4[%add3A_36] : memref<320000xi32, #tpu.memory_space<hbm>> -> memref<80xi32, #tpu.memory_space<hbm>>
        %dma_start3A_43 = tpu.memref_slice %arg4[%add3A_36] : memref<320000xi32, #tpu.memory_space<hbm>> -> memref<80xi32, #tpu.memory_space<hbm>>
        tpu.enqueue_dma source(%dma_start3A_43 : memref<80xi32, #tpu.memory_space<hbm>>) target(%arg7 : memref<80xi32, #tpu.memory_space<vmem>>) target_semaphore(%run_scoped3A : memref<!tpu.dma_semaphore, #tpu.memory_space<semaphore_mem>>)
        %dma_wait3A_44 = tpu.memref_slice %arg4[%add3A_36] : memref<320000xi32, #tpu.memory_space<hbm>> -> memref<80xi32, #tpu.memory_space<hbm>>
        %dma_wait3A_45 = tpu.memref_slice %arg4[%add3A_36] : memref<320000xi32, #tpu.memory_space<hbm>> -> memref<80xi32, #tpu.memory_space<hbm>>
        tpu.wait_dma2 semaphore(%run_scoped3A : memref<!tpu.dma_semaphore, #tpu.memory_space<semaphore_mem>>) src(%dma_wait3A_45 : memref<80xi32, #tpu.memory_space<hbm>>) dst(%arg7 : memref<80xi32, #tpu.memory_space<vmem>>)
        tpu.yield
      }) : () -> ()
      %dma_start3A = arith.constant 0 : i32
      %dma_start3A_37 = arith.constant 0 : i32
      %dma_start3A_38 = tpu.memref_slice %arg2[%dma_start3A, %dma_start3A_37] : memref<10000x128xf32, #tpu.memory_space<hbm>> -> memref<10000x128xf32, #tpu.memory_space<hbm>>
      tpu.enqueue_indirect_dma source(%dma_start3A_38 : memref<10000x128xf32, #tpu.memory_space<hbm>>) target(%arg8 : memref<80x128xf32, #tpu.memory_space<vmem>>) offsets(%arg6 : memref<80xi32, #tpu.memory_space<vmem>>) semaphore(%arg11 : memref<!tpu.dma_semaphore, #tpu.memory_space<semaphore_mem>>)
      %dma_wait3A = arith.constant 0 : i32
      %dma_wait3A_39 = arith.constant 0 : i32
      %dma_wait3A_40 = tpu.memref_slice %arg2[%dma_wait3A, %dma_wait3A_39] : memref<10000x128xf32, #tpu.memory_space<hbm>> -> memref<10000x128xf32, #tpu.memory_space<hbm>>
      tpu.wait_indirect_dma semaphore(%arg11 : memref<!tpu.dma_semaphore, #tpu.memory_space<semaphore_mem>>) src(%dma_wait3A_40 : memref<10000x128xf32, #tpu.memory_space<hbm>>) dst(%arg8 : memref<80x128xf32, #tpu.memory_space<vmem>>)
      "tpu.region"() ({
        %run_scoped3A = tpu.sem_alloc : memref<!tpu.dma_semaphore, #tpu.memory_space<semaphore_mem>>
        %dma_start3A_42 = arith.constant 0 : i32
        %dma_start3A_43 = arith.constant 0 : i32
        %dma_start3A_44 = tpu.memref_slice %arg10[%dma_start3A_42, %dma_start3A_43] : memref<10240x128xf32, #tpu.memory_space<vmem_shared>> -> memref<10240x128xf32, #tpu.memory_space<vmem_shared>>
        tpu.enqueue_indirect_dma source(%arg8 : memref<80x128xf32, #tpu.memory_space<vmem>>) target(%dma_start3A_44 : memref<10240x128xf32, #tpu.memory_space<vmem_shared>>) offsets(%arg7 : memref<80xi32, #tpu.memory_space<vmem>>) semaphore(%run_scoped3A : memref<!tpu.dma_semaphore, #tpu.memory_space<semaphore_mem>>) {add = true}
        %dma_wait3A_45 = arith.constant 0 : i32
        %dma_wait3A_46 = arith.constant 0 : i32
        %dma_wait3A_47 = tpu.memref_slice %arg10[%dma_wait3A_45, %dma_wait3A_46] : memref<10240x128xf32, #tpu.memory_space<vmem_shared>> -> memref<10240x128xf32, #tpu.memory_space<vmem_shared>>
        tpu.wait_indirect_dma semaphore(%run_scoped3A : memref<!tpu.dma_semaphore, #tpu.memory_space<semaphore_mem>>) src(%arg8 : memref<80x128xf32, #tpu.memory_space<vmem>>) dst(%dma_wait3A_47 : memref<10240x128xf32, #tpu.memory_space<vmem_shared>>)
        tpu.yield
      }) : () -> ()
      %scan3A_41 = arith.constant 0 : i32
      scf.yield %scan3A_41 : i32
    }
    %scan3A_23 = arith.constant 125 : i32
    %barrier3A_24 = arith.constant 0 : index
    tpu.barrier barrier_id(%barrier3A_24)
    %scan3A_25 = arith.constant 0 : i32
    %scan3A_26 = arith.constant 0 : i32
    %scan3A_27 = arith.constant 5 : i32
    %scan3A_28 = arith.addi %scan3A_26, %scan3A_27 : i32
    %scan3A_29 = arith.constant 1 : i32
    %scan3A_30 = scf.for %scan3A_32 = %scan3A_26 to %scan3A_28 step %scan3A_29 iter_args(%scan3A_33 = %scan3A_25) -> (i32)  : i32 {
      %mul3A_34 = arith.constant 640 : i32
      %mul3A_35 = arith.muli %arg1, %mul3A_34 : i32
      %mul3A_36 = arith.constant 128 : i32
      %mul3A_37 = arith.muli %scan3A_32, %mul3A_36 : i32
      %add3A_38 = arith.addi %mul3A_35, %mul3A_37 : i32
      "tpu.region"() ({
        %run_scoped3A = tpu.sem_alloc : memref<!tpu.dma_semaphore, #tpu.memory_space<semaphore_mem>>
        %dma_start3A = arith.constant 0 : i32
        %dma_start3A_40 = arith.constant 0 : i32
        %dma_start3A_41 = tpu.memref_slice %arg5[%arg0, %dma_start3A, %dma_start3A_40] : memref<2x10240x128xf32, #tpu.memory_space<hbm>> -> memref<1x10240x128xf32, #tpu.memory_space<hbm>>
        %dma_start3A_42 = tpu.memref_squeeze %dma_start3A_41 : memref<1x10240x128xf32, #tpu.memory_space<hbm>> -> memref<10240x128xf32, #tpu.memory_space<hbm>>
        %dma_start3A_43 = arith.constant 0 : i32
        %dma_start3A_44 = tpu.memref_slice %dma_start3A_42[%add3A_38, %dma_start3A_43] : memref<10240x128xf32, #tpu.memory_space<hbm>> -> memref<128x128xf32, #tpu.memory_space<hbm>>
        %dma_start3A_45 = arith.constant 0 : i32
        %dma_start3A_46 = tpu.memref_slice %arg10[%add3A_38, %dma_start3A_45] : memref<10240x128xf32, #tpu.memory_space<vmem_shared>> -> memref<128x128xf32, #tpu.memory_space<vmem_shared>>
        tpu.enqueue_dma source(%dma_start3A_46 : memref<128x128xf32, #tpu.memory_space<vmem_shared>>) target(%dma_start3A_44 : memref<128x128xf32, #tpu.memory_space<hbm>>) target_semaphore(%run_scoped3A : memref<!tpu.dma_semaphore, #tpu.memory_space<semaphore_mem>>)
        %dma_wait3A = arith.constant 0 : i32
        %dma_wait3A_47 = arith.constant 0 : i32
        %dma_wait3A_48 = tpu.memref_slice %arg5[%arg0, %dma_wait3A, %dma_wait3A_47] : memref<2x10240x128xf32, #tpu.memory_space<hbm>> -> memref<1x10240x128xf32, #tpu.memory_space<hbm>>
        %dma_wait3A_49 = tpu.memref_squeeze %dma_wait3A_48 : memref<1x10240x128xf32, #tpu.memory_space<hbm>> -> memref<10240x128xf32, #tpu.memory_space<hbm>>
        %dma_wait3A_50 = arith.constant 0 : i32
        %dma_wait3A_51 = tpu.memref_slice %dma_wait3A_49[%add3A_38, %dma_wait3A_50] : memref<10240x128xf32, #tpu.memory_space<hbm>> -> memref<128x128xf32, #tpu.memory_space<hbm>>
        %dma_wait3A_52 = arith.constant 0 : i32
        %dma_wait3A_53 = tpu.memref_slice %arg10[%add3A_38, %dma_wait3A_52] : memref<10240x128xf32, #tpu.memory_space<vmem_shared>> -> memref<128x128xf32, #tpu.memory_space<vmem_shared>>
        tpu.wait_dma2 semaphore(%run_scoped3A : memref<!tpu.dma_semaphore, #tpu.memory_space<semaphore_mem>>) src(%dma_wait3A_53 : memref<128x128xf32, #tpu.memory_space<vmem_shared>>) dst(%dma_wait3A_51 : memref<128x128xf32, #tpu.memory_space<hbm>>)
        tpu.yield
      }) : () -> ()
      %scan3A_39 = arith.constant 0 : i32
      scf.yield %scan3A_39 : i32
    }
    %scan3A_31 = arith.constant 5 : i32
    return
  }
}

#map = affine_map<(d0, d1) -> (0, 0)>
#map1 = affine_map<(d0, d1) -> (0)>
#map2 = affine_map<(d0, d1) -> (0, 0, 0)>
module attributes {stable_mosaic.version = 14 : i64} {
  func.func @_agg_body(%arg0: i32, %arg1: i32, %arg2: memref<10000x128xf32, #tpu.memory_space<hbm>>, %arg3: memref<320000xi32, #tpu.memory_space<hbm>>, %arg4: memref<320000xi32, #tpu.memory_space<hbm>>, %arg5: memref<2x10240x128xf32, #tpu.memory_space<hbm>>, %arg6: memref<80xi32, #tpu.memory_space<vmem>>, %arg7: memref<80xi32, #tpu.memory_space<vmem>>, %arg8: memref<80x128xf32, #tpu.memory_space<vmem>>, %arg9: memref<128x128xf32, #tpu.memory_space<vmem>>, %arg10: memref<10240x128xf32, #tpu.memory_space<vmem_shared>>, %arg11: memref<!tpu.dma_semaphore, #tpu.memory_space<semaphore_mem>>) attributes {dimension_semantics = [#tpu.dimension_semantics<core_parallel>, #tpu.dimension_semantics<subcore_parallel>], iteration_bounds = array<i64: 2, 16>, scalar_prefetch = 0 : i64, scratch_operands = 6 : i64, tpu.core_type = #tpu.core_type<sc_vector_subcore>, window_params = [{transform_indices = #map}, {transform_indices = #map1}, {transform_indices = #map1}, {transform_indices = #map2}]} {
    %mul3A = arith.constant 16 : i32
    %mul3A_0 = arith.muli %arg0, %mul3A : i32
    %add3A = arith.addi %mul3A_0, %arg1 : i32
    %broadcast_in_dim3A = arith.constant 0.000000e+00 : f32
    %broadcast_in_dim3A_1 = vector.broadcast %broadcast_in_dim3A : f32 to vector<16xf32>
    %scan3A = arith.constant 0 : i32
    %scan3A_2 = arith.constant 0 : i32
    %scan3A_3 = arith.constant 1024 : i32
    %scan3A_4 = arith.addi %scan3A_2, %scan3A_3 : i32
    %scan3A_5 = arith.constant 1 : i32
    %scan3A_6 = scf.for %scan3A_32 = %scan3A_2 to %scan3A_4 step %scan3A_5 iter_args(%scan3A_33 = %scan3A) -> (i32)  : i32 {
      %jit3A = arith.constant 8 : i32
      %div3A = arith.divsi %scan3A_32, %jit3A : i32
      %sign3A = arith.constant 0 : i32
      %sign3A_34 = arith.cmpi sgt, %scan3A_32, %sign3A : i32
      %sign3A_35 = arith.extui %sign3A_34 : i1 to i32
      %sign3A_36 = arith.constant 0 : i32
      %sign3A_37 = arith.cmpi slt, %scan3A_32, %sign3A_36 : i32
      %sign3A_38 = arith.extui %sign3A_37 : i1 to i32
      %sign3A_39 = arith.subi %sign3A_35, %sign3A_38 : i32
      %sign3A_40 = arith.constant 0 : i32
      %sign3A_41 = arith.cmpi sgt, %jit3A, %sign3A_40 : i32
      %sign3A_42 = arith.extui %sign3A_41 : i1 to i32
      %sign3A_43 = arith.constant 0 : i32
      %sign3A_44 = arith.cmpi slt, %jit3A, %sign3A_43 : i32
      %sign3A_45 = arith.extui %sign3A_44 : i1 to i32
      %sign3A_46 = arith.subi %sign3A_42, %sign3A_45 : i32
      %ne3A = arith.cmpi ne, %sign3A_39, %sign3A_46 : i32
      %rem3A = arith.remsi %scan3A_32, %jit3A : i32
      %ne3A_47 = arith.constant 0 : i32
      %ne3A_48 = arith.cmpi ne, %rem3A, %ne3A_47 : i32
      %and3A = arith.andi %ne3A, %ne3A_48 : i1
      %sub3A = arith.constant 1 : i32
      %sub3A_49 = arith.subi %div3A, %sub3A : i32
      %select_n3A = arith.select %and3A, %sub3A_49, %div3A : i32
      %jit3A_50 = arith.constant 8 : i32
      %eq3A = arith.constant 0 : i32
      %eq3A_51 = arith.cmpi eq, %jit3A_50, %eq3A : i32
      %jit3A_52 = arith.constant 1 : i32
      %select_n3A_53 = arith.select %eq3A_51, %jit3A_52, %jit3A_50 : i32
      %rem3A_54 = arith.remsi %scan3A_32, %select_n3A_53 : i32
      %ne3A_55 = arith.constant 0 : i32
      %ne3A_56 = arith.cmpi ne, %rem3A_54, %ne3A_55 : i32
      %lt3A = arith.constant 0 : i32
      %lt3A_57 = arith.cmpi slt, %rem3A_54, %lt3A : i32
      %lt3A_58 = arith.constant 0 : i32
      %lt3A_59 = arith.cmpi slt, %select_n3A_53, %lt3A_58 : i32
      %ne3A_60 = arith.xori %lt3A_57, %lt3A_59 : i1
      %and3A_61 = arith.andi %ne3A_60, %ne3A_56 : i1
      %add3A_62 = arith.addi %rem3A_54, %select_n3A_53 : i32
      %select_n3A_63 = arith.select %and3A_61, %add3A_62, %rem3A_54 : i32
      %mul3A_64 = arith.constant 16 : i32
      %mul3A_65 = arith.muli %select_n3A_63, %mul3A_64 : i32
      %swap3A = arith.index_cast %select_n3A : i32 to index
      %swap3A_66 = arith.index_cast %mul3A_65 : i32 to index
      %swap3A_67 = tpu.vector_load %arg9[%swap3A, %swap3A_66] {strides = array<i32>} : memref<128x128xf32, #tpu.memory_space<vmem>>, vector<16xf32>,
      tpu.vector_store %arg9[%swap3A, %swap3A_66], %broadcast_in_dim3A_1 {strides = array<i32>} : memref<128x128xf32, #tpu.memory_space<vmem>>, vector<16xf32>,
      %scan3A_68 = arith.constant 0 : i32
      scf.yield %scan3A_68 : i32
    }
    %scan3A_7 = arith.constant 1024 : i32
    %scan3A_8 = arith.constant 0 : i32
    %scan3A_9 = arith.constant 0 : i32
    %scan3A_10 = arith.constant 5 : i32
    %scan3A_11 = arith.addi %scan3A_9, %scan3A_10 : i32
    %scan3A_12 = arith.constant 1 : i32
    %scan3A_13 = scf.for %scan3A_32 = %scan3A_9 to %scan3A_11 step %scan3A_12 iter_args(%scan3A_33 = %scan3A_8) -> (i32)  : i32 {
      %mul3A_34 = arith.constant 640 : i32
      %mul3A_35 = arith.muli %arg1, %mul3A_34 : i32
      %mul3A_36 = arith.constant 128 : i32
      %mul3A_37 = arith.muli %scan3A_32, %mul3A_36 : i32
      %add3A_38 = arith.addi %mul3A_35, %mul3A_37 : i32
      "tpu.region"() ({
        %run_scoped3A = tpu.sem_alloc : memref<!tpu.dma_semaphore, #tpu.memory_space<semaphore_mem>>
        %dma_start3A = arith.constant 0 : i32
        %dma_start3A_40 = tpu.memref_slice %arg10[%add3A_38, %dma_start3A] : memref<10240x128xf32, #tpu.memory_space<vmem_shared>> -> memref<128x128xf32, #tpu.memory_space<vmem_shared>>
        %dma_start3A_41 = arith.constant 0 : i32
        %dma_start3A_42 = tpu.memref_slice %arg10[%add3A_38, %dma_start3A_41] : memref<10240x128xf32, #tpu.memory_space<vmem_shared>> -> memref<128x128xf32, #tpu.memory_space<vmem_shared>>
        tpu.enqueue_dma source(%arg9 : memref<128x128xf32, #tpu.memory_space<vmem>>) target(%dma_start3A_42 : memref<128x128xf32, #tpu.memory_space<vmem_shared>>) target_semaphore(%run_scoped3A : memref<!tpu.dma_semaphore, #tpu.memory_space<semaphore_mem>>)
        %dma_wait3A = arith.constant 0 : i32
        %dma_wait3A_43 = tpu.memref_slice %arg10[%add3A_38, %dma_wait3A] : memref<10240x128xf32, #tpu.memory_space<vmem_shared>> -> memref<128x128xf32, #tpu.memory_space<vmem_shared>>
        %dma_wait3A_44 = arith.constant 0 : i32
        %dma_wait3A_45 = tpu.memref_slice %arg10[%add3A_38, %dma_wait3A_44] : memref<10240x128xf32, #tpu.memory_space<vmem_shared>> -> memref<128x128xf32, #tpu.memory_space<vmem_shared>>
        tpu.wait_dma2 semaphore(%run_scoped3A : memref<!tpu.dma_semaphore, #tpu.memory_space<semaphore_mem>>) src(%arg9 : memref<128x128xf32, #tpu.memory_space<vmem>>) dst(%dma_wait3A_45 : memref<128x128xf32, #tpu.memory_space<vmem_shared>>)
        tpu.yield
      }) : () -> ()
      %scan3A_39 = arith.constant 0 : i32
      scf.yield %scan3A_39 : i32
    }
    %scan3A_14 = arith.constant 5 : i32
    %barrier3A = arith.constant 0 : index
    tpu.barrier barrier_id(%barrier3A)
    %mul3A_15 = arith.constant 10000 : i32
    %mul3A_16 = arith.muli %add3A, %mul3A_15 : i32
    %scan3A_17 = arith.constant 0 : i32
    %scan3A_18 = arith.constant 0 : i32
    %scan3A_19 = arith.constant 125 : i32
    %scan3A_20 = arith.addi %scan3A_18, %scan3A_19 : i32
    %scan3A_21 = arith.constant 1 : i32
    %scan3A_22 = scf.for %scan3A_32 = %scan3A_18 to %scan3A_20 step %scan3A_21 iter_args(%scan3A_33 = %scan3A_17) -> (i32)  : i32 {
      %mul3A_34 = arith.constant 80 : i32
      %mul3A_35 = arith.muli %scan3A_32, %mul3A_34 : i32
      %add3A_36 = arith.addi %mul3A_16, %mul3A_35 : i32
      "tpu.region"() ({
        %run_scoped3A = tpu.sem_alloc : memref<!tpu.dma_semaphore, #tpu.memory_space<semaphore_mem>>
        %dma_start3A_42 = tpu.memref_slice %arg3[%add3A_36] : memref<320000xi32, #tpu.memory_space<hbm>> -> memref<80xi32, #tpu.memory_space<hbm>>
        %dma_start3A_43 = tpu.memref_slice %arg3[%add3A_36] : memref<320000xi32, #tpu.memory_space<hbm>> -> memref<80xi32, #tpu.memory_space<hbm>>
        tpu.enqueue_dma source(%dma_start3A_43 : memref<80xi32, #tpu.memory_space<hbm>>) target(%arg6 : memref<80xi32, #tpu.memory_space<vmem>>) target_semaphore(%run_scoped3A : memref<!tpu.dma_semaphore, #tpu.memory_space<semaphore_mem>>)
        %dma_wait3A_44 = tpu.memref_slice %arg3[%add3A_36] : memref<320000xi32, #tpu.memory_space<hbm>> -> memref<80xi32, #tpu.memory_space<hbm>>
        %dma_wait3A_45 = tpu.memref_slice %arg3[%add3A_36] : memref<320000xi32, #tpu.memory_space<hbm>> -> memref<80xi32, #tpu.memory_space<hbm>>
        tpu.wait_dma2 semaphore(%run_scoped3A : memref<!tpu.dma_semaphore, #tpu.memory_space<semaphore_mem>>) src(%dma_wait3A_45 : memref<80xi32, #tpu.memory_space<hbm>>) dst(%arg6 : memref<80xi32, #tpu.memory_space<vmem>>)
        tpu.yield
      }) : () -> ()
      "tpu.region"() ({
        %run_scoped3A = tpu.sem_alloc : memref<!tpu.dma_semaphore, #tpu.memory_space<semaphore_mem>>
        %dma_start3A_42 = tpu.memref_slice %arg4[%add3A_36] : memref<320000xi32, #tpu.memory_space<hbm>> -> memref<80xi32, #tpu.memory_space<hbm>>
        %dma_start3A_43 = tpu.memref_slice %arg4[%add3A_36] : memref<320000xi32, #tpu.memory_space<hbm>> -> memref<80xi32, #tpu.memory_space<hbm>>
        tpu.enqueue_dma source(%dma_start3A_43 : memref<80xi32, #tpu.memory_space<hbm>>) target(%arg7 : memref<80xi32, #tpu.memory_space<vmem>>) target_semaphore(%run_scoped3A : memref<!tpu.dma_semaphore, #tpu.memory_space<semaphore_mem>>)
        %dma_wait3A_44 = tpu.memref_slice %arg4[%add3A_36] : memref<320000xi32, #tpu.memory_space<hbm>> -> memref<80xi32, #tpu.memory_space<hbm>>
        %dma_wait3A_45 = tpu.memref_slice %arg4[%add3A_36] : memref<320000xi32, #tpu.memory_space<hbm>> -> memref<80xi32, #tpu.memory_space<hbm>>
        tpu.wait_dma2 semaphore(%run_scoped3A : memref<!tpu.dma_semaphore, #tpu.memory_space<semaphore_mem>>) src(%dma_wait3A_45 : memref<80xi32, #tpu.memory_space<hbm>>) dst(%arg7 : memref<80xi32, #tpu.memory_space<vmem>>)
        tpu.yield
      }) : () -> ()
      %dma_start3A = arith.constant 0 : i32
      %dma_start3A_37 = arith.constant 0 : i32
      %dma_start3A_38 = tpu.memref_slice %arg2[%dma_start3A, %dma_start3A_37] : memref<10000x128xf32, #tpu.memory_space<hbm>> -> memref<10000x128xf32, #tpu.memory_space<hbm>>
      tpu.enqueue_indirect_dma source(%dma_start3A_38 : memref<10000x128xf32, #tpu.memory_space<hbm>>) target(%arg8 : memref<80x128xf32, #tpu.memory_space<vmem>>) offsets(%arg6 : memref<80xi32, #tpu.memory_space<vmem>>) semaphore(%arg11 : memref<!tpu.dma_semaphore, #tpu.memory_space<semaphore_mem>>)
      %dma_wait3A = arith.constant 0 : i32
      %dma_wait3A_39 = arith.constant 0 : i32
      %dma_wait3A_40 = tpu.memref_slice %arg2[%dma_wait3A, %dma_wait3A_39] : memref<10000x128xf32, #tpu.memory_space<hbm>> -> memref<10000x128xf32, #tpu.memory_space<hbm>>
      tpu.wait_indirect_dma semaphore(%arg11 : memref<!tpu.dma_semaphore, #tpu.memory_space<semaphore_mem>>) src(%dma_wait3A_40 : memref<10000x128xf32, #tpu.memory_space<hbm>>) dst(%arg8 : memref<80x128xf32, #tpu.memory_space<vmem>>)
      "tpu.region"() ({
        %run_scoped3A = tpu.sem_alloc : memref<!tpu.dma_semaphore, #tpu.memory_space<semaphore_mem>>
        %dma_start3A_42 = arith.constant 0 : i32
        %dma_start3A_43 = arith.constant 0 : i32
        %dma_start3A_44 = tpu.memref_slice %arg10[%dma_start3A_42, %dma_start3A_43] : memref<10240x128xf32, #tpu.memory_space<vmem_shared>> -> memref<10240x128xf32, #tpu.memory_space<vmem_shared>>
        tpu.enqueue_indirect_dma source(%arg8 : memref<80x128xf32, #tpu.memory_space<vmem>>) target(%dma_start3A_44 : memref<10240x128xf32, #tpu.memory_space<vmem_shared>>) offsets(%arg7 : memref<80xi32, #tpu.memory_space<vmem>>) semaphore(%run_scoped3A : memref<!tpu.dma_semaphore, #tpu.memory_space<semaphore_mem>>) {add = true}
        %dma_wait3A_45 = arith.constant 0 : i32
        %dma_wait3A_46 = arith.constant 0 : i32
        %dma_wait3A_47 = tpu.memref_slice %arg10[%dma_wait3A_45, %dma_wait3A_46] : memref<10240x128xf32, #tpu.memory_space<vmem_shared>> -> memref<10240x128xf32, #tpu.memory_space<vmem_shared>>
        tpu.wait_indirect_dma semaphore(%run_scoped3A : memref<!tpu.dma_semaphore, #tpu.memory_space<semaphore_mem>>) src(%arg8 : memref<80x128xf32, #tpu.memory_space<vmem>>) dst(%dma_wait3A_47 : memref<10240x128xf32, #tpu.memory_space<vmem_shared>>)
        tpu.yield
      }) : () -> ()
      %scan3A_41 = arith.constant 0 : i32
      scf.yield %scan3A_41 : i32
    }
    %scan3A_23 = arith.constant 125 : i32
    %barrier3A_24 = arith.constant 0 : index
    tpu.barrier barrier_id(%barrier3A_24)
    %scan3A_25 = arith.constant 0 : i32
    %scan3A_26 = arith.constant 0 : i32
    %scan3A_27 = arith.constant 5 : i32
    %scan3A_28 = arith.addi %scan3A_26, %scan3A_27 : i32
    %scan3A_29 = arith.constant 1 : i32
    %scan3A_30 = scf.for %scan3A_32 = %scan3A_26 to %scan3A_28 step %scan3A_29 iter_args(%scan3A_33 = %scan3A_25) -> (i32)  : i32 {
      %mul3A_34 = arith.constant 640 : i32
      %mul3A_35 = arith.muli %arg1, %mul3A_34 : i32
      %mul3A_36 = arith.constant 128 : i32
      %mul3A_37 = arith.muli %scan3A_32, %mul3A_36 : i32
      %add3A_38 = arith.addi %mul3A_35, %mul3A_37 : i32
      "tpu.region"() ({
        %run_scoped3A = tpu.sem_alloc : memref<!tpu.dma_semaphore, #tpu.memory_space<semaphore_mem>>
        %dma_start3A = arith.constant 0 : i32
        %dma_start3A_40 = arith.constant 0 : i32
        %dma_start3A_41 = tpu.memref_slice %arg5[%arg0, %dma_start3A, %dma_start3A_40] : memref<2x10240x128xf32, #tpu.memory_space<hbm>> -> memref<1x10240x128xf32, #tpu.memory_space<hbm>>
        %dma_start3A_42 = tpu.memref_squeeze %dma_start3A_41 : memref<1x10240x128xf32, #tpu.memory_space<hbm>> -> memref<10240x128xf32, #tpu.memory_space<hbm>>
        %dma_start3A_43 = arith.constant 0 : i32
        %dma_start3A_44 = tpu.memref_slice %dma_start3A_42[%add3A_38, %dma_start3A_43] : memref<10240x128xf32, #tpu.memory_space<hbm>> -> memref<128x128xf32, #tpu.memory_space<hbm>>
        %dma_start3A_45 = arith.constant 0 : i32
        %dma_start3A_46 = tpu.memref_slice %arg10[%add3A_38, %dma_start3A_45] : memref<10240x128xf32, #tpu.memory_space<vmem_shared>> -> memref<128x128xf32, #tpu.memory_space<vmem_shared>>
        tpu.enqueue_dma source(%dma_start3A_46 : memref<128x128xf32, #tpu.memory_space<vmem_shared>>) target(%dma_start3A_44 : memref<128x128xf32, #tpu.memory_space<hbm>>) target_semaphore(%run_scoped3A : memref<!tpu.dma_semaphore, #tpu.memory_space<semaphore_mem>>)
        %dma_wait3A = arith.constant 0 : i32
        %dma_wait3A_47 = arith.constant 0 : i32
        %dma_wait3A_48 = tpu.memref_slice %arg5[%arg0, %dma_wait3A, %dma_wait3A_47] : memref<2x10240x128xf32, #tpu.memory_space<hbm>> -> memref<1x10240x128xf32, #tpu.memory_space<hbm>>
        %dma_wait3A_49 = tpu.memref_squeeze %dma_wait3A_48 : memref<1x10240x128xf32, #tpu.memory_space<hbm>> -> memref<10240x128xf32, #tpu.memory_space<hbm>>
        %dma_wait3A_50 = arith.constant 0 : i32
        %dma_wait3A_51 = tpu.memref_slice %dma_wait3A_49[%add3A_38, %dma_wait3A_50] : memref<10240x128xf32, #tpu.memory_space<hbm>> -> memref<128x128xf32, #tpu.memory_space<hbm>>
        %dma_wait3A_52 = arith.constant 0 : i32
        %dma_wait3A_53 = tpu.memref_slice %arg10[%add3A_38, %dma_wait3A_52] : memref<10240x128xf32, #tpu.memory_space<vmem_shared>> -> memref<128x128xf32, #tpu.memory_space<vmem_shared>>
        tpu.wait_dma2 semaphore(%run_scoped3A : memref<!tpu.dma_semaphore, #tpu.memory_space<semaphore_mem>>) src(%dma_wait3A_53 : memref<128x128xf32, #tpu.memory_space<vmem_shared>>) dst(%dma_wait3A_51 : memref<128x128xf32, #tpu.memory_space<hbm>>)
        tpu.yield
      }) : () -> ()
      %scan3A_39 = arith.constant 0 : i32
      scf.yield %scan3A_39 : i32
    }
    %scan3A_31 = arith.constant 5 : i32
    return
  }
}

#map = affine_map<(d0, d1) -> (0, 0)>
#map1 = affine_map<(d0, d1) -> (0)>
#map2 = affine_map<(d0, d1) -> (0, 0, 0)>
module attributes {stable_mosaic.version = 14 : i64} {
  func.func @_agg_body(%arg0: i32, %arg1: i32, %arg2: memref<10000x128xf32, #tpu.memory_space<hbm>>, %arg3: memref<320000xi32, #tpu.memory_space<hbm>>, %arg4: memref<320000xi32, #tpu.memory_space<hbm>>, %arg5: memref<2x10240x128xf32, #tpu.memory_space<hbm>>, %arg6: memref<80xi32, #tpu.memory_space<vmem>>, %arg7: memref<80xi32, #tpu.memory_space<vmem>>, %arg8: memref<80x128xf32, #tpu.memory_space<vmem>>, %arg9: memref<128x128xf32, #tpu.memory_space<vmem>>, %arg10: memref<10240x128xf32, #tpu.memory_space<vmem_shared>>, %arg11: memref<!tpu.dma_semaphore, #tpu.memory_space<semaphore_mem>>) attributes {dimension_semantics = [#tpu.dimension_semantics<core_parallel>, #tpu.dimension_semantics<subcore_parallel>], iteration_bounds = array<i64: 2, 16>, scalar_prefetch = 0 : i64, scratch_operands = 6 : i64, tpu.core_type = #tpu.core_type<sc_vector_subcore>, window_params = [{transform_indices = #map}, {transform_indices = #map1}, {transform_indices = #map1}, {transform_indices = #map2}]} {
    %mul3A = arith.constant 16 : i32
    %mul3A_0 = arith.muli %arg0, %mul3A : i32
    %add3A = arith.addi %mul3A_0, %arg1 : i32
    %broadcast_in_dim3A = arith.constant 0.000000e+00 : f32
    %broadcast_in_dim3A_1 = vector.broadcast %broadcast_in_dim3A : f32 to vector<16xf32>
    %scan3A = arith.constant 0 : i32
    %scan3A_2 = arith.constant 0 : i32
    %scan3A_3 = arith.constant 1024 : i32
    %scan3A_4 = arith.addi %scan3A_2, %scan3A_3 : i32
    %scan3A_5 = arith.constant 1 : i32
    %scan3A_6 = scf.for %scan3A_32 = %scan3A_2 to %scan3A_4 step %scan3A_5 iter_args(%scan3A_33 = %scan3A) -> (i32)  : i32 {
      %jit3A = arith.constant 8 : i32
      %div3A = arith.divsi %scan3A_32, %jit3A : i32
      %sign3A = arith.constant 0 : i32
      %sign3A_34 = arith.cmpi sgt, %scan3A_32, %sign3A : i32
      %sign3A_35 = arith.extui %sign3A_34 : i1 to i32
      %sign3A_36 = arith.constant 0 : i32
      %sign3A_37 = arith.cmpi slt, %scan3A_32, %sign3A_36 : i32
      %sign3A_38 = arith.extui %sign3A_37 : i1 to i32
      %sign3A_39 = arith.subi %sign3A_35, %sign3A_38 : i32
      %sign3A_40 = arith.constant 0 : i32
      %sign3A_41 = arith.cmpi sgt, %jit3A, %sign3A_40 : i32
      %sign3A_42 = arith.extui %sign3A_41 : i1 to i32
      %sign3A_43 = arith.constant 0 : i32
      %sign3A_44 = arith.cmpi slt, %jit3A, %sign3A_43 : i32
      %sign3A_45 = arith.extui %sign3A_44 : i1 to i32
      %sign3A_46 = arith.subi %sign3A_42, %sign3A_45 : i32
      %ne3A = arith.cmpi ne, %sign3A_39, %sign3A_46 : i32
      %rem3A = arith.remsi %scan3A_32, %jit3A : i32
      %ne3A_47 = arith.constant 0 : i32
      %ne3A_48 = arith.cmpi ne, %rem3A, %ne3A_47 : i32
      %and3A = arith.andi %ne3A, %ne3A_48 : i1
      %sub3A = arith.constant 1 : i32
      %sub3A_49 = arith.subi %div3A, %sub3A : i32
      %select_n3A = arith.select %and3A, %sub3A_49, %div3A : i32
      %jit3A_50 = arith.constant 8 : i32
      %eq3A = arith.constant 0 : i32
      %eq3A_51 = arith.cmpi eq, %jit3A_50, %eq3A : i32
      %jit3A_52 = arith.constant 1 : i32
      %select_n3A_53 = arith.select %eq3A_51, %jit3A_52, %jit3A_50 : i32
      %rem3A_54 = arith.remsi %scan3A_32, %select_n3A_53 : i32
      %ne3A_55 = arith.constant 0 : i32
      %ne3A_56 = arith.cmpi ne, %rem3A_54, %ne3A_55 : i32
      %lt3A = arith.constant 0 : i32
      %lt3A_57 = arith.cmpi slt, %rem3A_54, %lt3A : i32
      %lt3A_58 = arith.constant 0 : i32
      %lt3A_59 = arith.cmpi slt, %select_n3A_53, %lt3A_58 : i32
      %ne3A_60 = arith.xori %lt3A_57, %lt3A_59 : i1
      %and3A_61 = arith.andi %ne3A_60, %ne3A_56 : i1
      %add3A_62 = arith.addi %rem3A_54, %select_n3A_53 : i32
      %select_n3A_63 = arith.select %and3A_61, %add3A_62, %rem3A_54 : i32
      %mul3A_64 = arith.constant 16 : i32
      %mul3A_65 = arith.muli %select_n3A_63, %mul3A_64 : i32
      %swap3A = arith.index_cast %select_n3A : i32 to index
      %swap3A_66 = arith.index_cast %mul3A_65 : i32 to index
      %swap3A_67 = tpu.vector_load %arg9[%swap3A, %swap3A_66] {strides = array<i32>} : memref<128x128xf32, #tpu.memory_space<vmem>>, vector<16xf32>,
      tpu.vector_store %arg9[%swap3A, %swap3A_66], %broadcast_in_dim3A_1 {strides = array<i32>} : memref<128x128xf32, #tpu.memory_space<vmem>>, vector<16xf32>,
      %scan3A_68 = arith.constant 0 : i32
      scf.yield %scan3A_68 : i32
    }
    %scan3A_7 = arith.constant 1024 : i32
    %scan3A_8 = arith.constant 0 : i32
    %scan3A_9 = arith.constant 0 : i32
    %scan3A_10 = arith.constant 5 : i32
    %scan3A_11 = arith.addi %scan3A_9, %scan3A_10 : i32
    %scan3A_12 = arith.constant 1 : i32
    %scan3A_13 = scf.for %scan3A_32 = %scan3A_9 to %scan3A_11 step %scan3A_12 iter_args(%scan3A_33 = %scan3A_8) -> (i32)  : i32 {
      %mul3A_34 = arith.constant 640 : i32
      %mul3A_35 = arith.muli %arg1, %mul3A_34 : i32
      %mul3A_36 = arith.constant 128 : i32
      %mul3A_37 = arith.muli %scan3A_32, %mul3A_36 : i32
      %add3A_38 = arith.addi %mul3A_35, %mul3A_37 : i32
      "tpu.region"() ({
        %run_scoped3A = tpu.sem_alloc : memref<!tpu.dma_semaphore, #tpu.memory_space<semaphore_mem>>
        %dma_start3A = arith.constant 0 : i32
        %dma_start3A_40 = tpu.memref_slice %arg10[%add3A_38, %dma_start3A] : memref<10240x128xf32, #tpu.memory_space<vmem_shared>> -> memref<128x128xf32, #tpu.memory_space<vmem_shared>>
        %dma_start3A_41 = arith.constant 0 : i32
        %dma_start3A_42 = tpu.memref_slice %arg10[%add3A_38, %dma_start3A_41] : memref<10240x128xf32, #tpu.memory_space<vmem_shared>> -> memref<128x128xf32, #tpu.memory_space<vmem_shared>>
        tpu.enqueue_dma source(%arg9 : memref<128x128xf32, #tpu.memory_space<vmem>>) target(%dma_start3A_42 : memref<128x128xf32, #tpu.memory_space<vmem_shared>>) target_semaphore(%run_scoped3A : memref<!tpu.dma_semaphore, #tpu.memory_space<semaphore_mem>>)
        %dma_wait3A = arith.constant 0 : i32
        %dma_wait3A_43 = tpu.memref_slice %arg10[%add3A_38, %dma_wait3A] : memref<10240x128xf32, #tpu.memory_space<vmem_shared>> -> memref<128x128xf32, #tpu.memory_space<vmem_shared>>
        %dma_wait3A_44 = arith.constant 0 : i32
        %dma_wait3A_45 = tpu.memref_slice %arg10[%add3A_38, %dma_wait3A_44] : memref<10240x128xf32, #tpu.memory_space<vmem_shared>> -> memref<128x128xf32, #tpu.memory_space<vmem_shared>>
        tpu.wait_dma2 semaphore(%run_scoped3A : memref<!tpu.dma_semaphore, #tpu.memory_space<semaphore_mem>>) src(%arg9 : memref<128x128xf32, #tpu.memory_space<vmem>>) dst(%dma_wait3A_45 : memref<128x128xf32, #tpu.memory_space<vmem_shared>>)
        tpu.yield
      }) : () -> ()
      %scan3A_39 = arith.constant 0 : i32
      scf.yield %scan3A_39 : i32
    }
    %scan3A_14 = arith.constant 5 : i32
    %barrier3A = arith.constant 0 : index
    tpu.barrier barrier_id(%barrier3A)
    %mul3A_15 = arith.constant 10000 : i32
    %mul3A_16 = arith.muli %add3A, %mul3A_15 : i32
    %scan3A_17 = arith.constant 0 : i32
    %scan3A_18 = arith.constant 0 : i32
    %scan3A_19 = arith.constant 125 : i32
    %scan3A_20 = arith.addi %scan3A_18, %scan3A_19 : i32
    %scan3A_21 = arith.constant 1 : i32
    %scan3A_22 = scf.for %scan3A_32 = %scan3A_18 to %scan3A_20 step %scan3A_21 iter_args(%scan3A_33 = %scan3A_17) -> (i32)  : i32 {
      %mul3A_34 = arith.constant 80 : i32
      %mul3A_35 = arith.muli %scan3A_32, %mul3A_34 : i32
      %add3A_36 = arith.addi %mul3A_16, %mul3A_35 : i32
      "tpu.region"() ({
        %run_scoped3A = tpu.sem_alloc : memref<!tpu.dma_semaphore, #tpu.memory_space<semaphore_mem>>
        %dma_start3A_42 = tpu.memref_slice %arg3[%add3A_36] : memref<320000xi32, #tpu.memory_space<hbm>> -> memref<80xi32, #tpu.memory_space<hbm>>
        %dma_start3A_43 = tpu.memref_slice %arg3[%add3A_36] : memref<320000xi32, #tpu.memory_space<hbm>> -> memref<80xi32, #tpu.memory_space<hbm>>
        tpu.enqueue_dma source(%dma_start3A_43 : memref<80xi32, #tpu.memory_space<hbm>>) target(%arg6 : memref<80xi32, #tpu.memory_space<vmem>>) target_semaphore(%run_scoped3A : memref<!tpu.dma_semaphore, #tpu.memory_space<semaphore_mem>>)
        %dma_wait3A_44 = tpu.memref_slice %arg3[%add3A_36] : memref<320000xi32, #tpu.memory_space<hbm>> -> memref<80xi32, #tpu.memory_space<hbm>>
        %dma_wait3A_45 = tpu.memref_slice %arg3[%add3A_36] : memref<320000xi32, #tpu.memory_space<hbm>> -> memref<80xi32, #tpu.memory_space<hbm>>
        tpu.wait_dma2 semaphore(%run_scoped3A : memref<!tpu.dma_semaphore, #tpu.memory_space<semaphore_mem>>) src(%dma_wait3A_45 : memref<80xi32, #tpu.memory_space<hbm>>) dst(%arg6 : memref<80xi32, #tpu.memory_space<vmem>>)
        tpu.yield
      }) : () -> ()
      "tpu.region"() ({
        %run_scoped3A = tpu.sem_alloc : memref<!tpu.dma_semaphore, #tpu.memory_space<semaphore_mem>>
        %dma_start3A_42 = tpu.memref_slice %arg4[%add3A_36] : memref<320000xi32, #tpu.memory_space<hbm>> -> memref<80xi32, #tpu.memory_space<hbm>>
        %dma_start3A_43 = tpu.memref_slice %arg4[%add3A_36] : memref<320000xi32, #tpu.memory_space<hbm>> -> memref<80xi32, #tpu.memory_space<hbm>>
        tpu.enqueue_dma source(%dma_start3A_43 : memref<80xi32, #tpu.memory_space<hbm>>) target(%arg7 : memref<80xi32, #tpu.memory_space<vmem>>) target_semaphore(%run_scoped3A : memref<!tpu.dma_semaphore, #tpu.memory_space<semaphore_mem>>)
        %dma_wait3A_44 = tpu.memref_slice %arg4[%add3A_36] : memref<320000xi32, #tpu.memory_space<hbm>> -> memref<80xi32, #tpu.memory_space<hbm>>
        %dma_wait3A_45 = tpu.memref_slice %arg4[%add3A_36] : memref<320000xi32, #tpu.memory_space<hbm>> -> memref<80xi32, #tpu.memory_space<hbm>>
        tpu.wait_dma2 semaphore(%run_scoped3A : memref<!tpu.dma_semaphore, #tpu.memory_space<semaphore_mem>>) src(%dma_wait3A_45 : memref<80xi32, #tpu.memory_space<hbm>>) dst(%arg7 : memref<80xi32, #tpu.memory_space<vmem>>)
        tpu.yield
      }) : () -> ()
      %dma_start3A = arith.constant 0 : i32
      %dma_start3A_37 = arith.constant 0 : i32
      %dma_start3A_38 = tpu.memref_slice %arg2[%dma_start3A, %dma_start3A_37] : memref<10000x128xf32, #tpu.memory_space<hbm>> -> memref<10000x128xf32, #tpu.memory_space<hbm>>
      tpu.enqueue_indirect_dma source(%dma_start3A_38 : memref<10000x128xf32, #tpu.memory_space<hbm>>) target(%arg8 : memref<80x128xf32, #tpu.memory_space<vmem>>) offsets(%arg6 : memref<80xi32, #tpu.memory_space<vmem>>) semaphore(%arg11 : memref<!tpu.dma_semaphore, #tpu.memory_space<semaphore_mem>>)
      %dma_wait3A = arith.constant 0 : i32
      %dma_wait3A_39 = arith.constant 0 : i32
      %dma_wait3A_40 = tpu.memref_slice %arg2[%dma_wait3A, %dma_wait3A_39] : memref<10000x128xf32, #tpu.memory_space<hbm>> -> memref<10000x128xf32, #tpu.memory_space<hbm>>
      tpu.wait_indirect_dma semaphore(%arg11 : memref<!tpu.dma_semaphore, #tpu.memory_space<semaphore_mem>>) src(%dma_wait3A_40 : memref<10000x128xf32, #tpu.memory_space<hbm>>) dst(%arg8 : memref<80x128xf32, #tpu.memory_space<vmem>>)
      "tpu.region"() ({
        %run_scoped3A = tpu.sem_alloc : memref<!tpu.dma_semaphore, #tpu.memory_space<semaphore_mem>>
        %dma_start3A_42 = arith.constant 0 : i32
        %dma_start3A_43 = arith.constant 0 : i32
        %dma_start3A_44 = tpu.memref_slice %arg10[%dma_start3A_42, %dma_start3A_43] : memref<10240x128xf32, #tpu.memory_space<vmem_shared>> -> memref<10240x128xf32, #tpu.memory_space<vmem_shared>>
        tpu.enqueue_indirect_dma source(%arg8 : memref<80x128xf32, #tpu.memory_space<vmem>>) target(%dma_start3A_44 : memref<10240x128xf32, #tpu.memory_space<vmem_shared>>) offsets(%arg7 : memref<80xi32, #tpu.memory_space<vmem>>) semaphore(%run_scoped3A : memref<!tpu.dma_semaphore, #tpu.memory_space<semaphore_mem>>) {add = true}
        %dma_wait3A_45 = arith.constant 0 : i32
        %dma_wait3A_46 = arith.constant 0 : i32
        %dma_wait3A_47 = tpu.memref_slice %arg10[%dma_wait3A_45, %dma_wait3A_46] : memref<10240x128xf32, #tpu.memory_space<vmem_shared>> -> memref<10240x128xf32, #tpu.memory_space<vmem_shared>>
        tpu.wait_indirect_dma semaphore(%run_scoped3A : memref<!tpu.dma_semaphore, #tpu.memory_space<semaphore_mem>>) src(%arg8 : memref<80x128xf32, #tpu.memory_space<vmem>>) dst(%dma_wait3A_47 : memref<10240x128xf32, #tpu.memory_space<vmem_shared>>)
        tpu.yield
      }) : () -> ()
      %scan3A_41 = arith.constant 0 : i32
      scf.yield %scan3A_41 : i32
    }
    %scan3A_23 = arith.constant 125 : i32
    %barrier3A_24 = arith.constant 0 : index
    tpu.barrier barrier_id(%barrier3A_24)
    %scan3A_25 = arith.constant 0 : i32
    %scan3A_26 = arith.constant 0 : i32
    %scan3A_27 = arith.constant 5 : i32
    %scan3A_28 = arith.addi %scan3A_26, %scan3A_27 : i32
    %scan3A_29 = arith.constant 1 : i32
    %scan3A_30 = scf.for %scan3A_32 = %scan3A_26 to %scan3A_28 step %scan3A_29 iter_args(%scan3A_33 = %scan3A_25) -> (i32)  : i32 {
      %mul3A_34 = arith.constant 640 : i32
      %mul3A_35 = arith.muli %arg1, %mul3A_34 : i32
      %mul3A_36 = arith.constant 128 : i32
      %mul3A_37 = arith.muli %scan3A_32, %mul3A_36 : i32
      %add3A_38 = arith.addi %mul3A_35, %mul3A_37 : i32
      "tpu.region"() ({
        %run_scoped3A = tpu.sem_alloc : memref<!tpu.dma_semaphore, #tpu.memory_space<semaphore_mem>>
        %dma_start3A = arith.constant 0 : i32
        %dma_start3A_40 = arith.constant 0 : i32
        %dma_start3A_41 = tpu.memref_slice %arg5[%arg0, %dma_start3A, %dma_start3A_40] : memref<2x10240x128xf32, #tpu.memory_space<hbm>> -> memref<1x10240x128xf32, #tpu.memory_space<hbm>>
        %dma_start3A_42 = tpu.memref_squeeze %dma_start3A_41 : memref<1x10240x128xf32, #tpu.memory_space<hbm>> -> memref<10240x128xf32, #tpu.memory_space<hbm>>
        %dma_start3A_43 = arith.constant 0 : i32
        %dma_start3A_44 = tpu.memref_slice %dma_start3A_42[%add3A_38, %dma_start3A_43] : memref<10240x128xf32, #tpu.memory_space<hbm>> -> memref<128x128xf32, #tpu.memory_space<hbm>>
        %dma_start3A_45 = arith.constant 0 : i32
        %dma_start3A_46 = tpu.memref_slice %arg10[%add3A_38, %dma_start3A_45] : memref<10240x128xf32, #tpu.memory_space<vmem_shared>> -> memref<128x128xf32, #tpu.memory_space<vmem_shared>>
        tpu.enqueue_dma source(%dma_start3A_46 : memref<128x128xf32, #tpu.memory_space<vmem_shared>>) target(%dma_start3A_44 : memref<128x128xf32, #tpu.memory_space<hbm>>) target_semaphore(%run_scoped3A : memref<!tpu.dma_semaphore, #tpu.memory_space<semaphore_mem>>)
        %dma_wait3A = arith.constant 0 : i32
        %dma_wait3A_47 = arith.constant 0 : i32
        %dma_wait3A_48 = tpu.memref_slice %arg5[%arg0, %dma_wait3A, %dma_wait3A_47] : memref<2x10240x128xf32, #tpu.memory_space<hbm>> -> memref<1x10240x128xf32, #tpu.memory_space<hbm>>
        %dma_wait3A_49 = tpu.memref_squeeze %dma_wait3A_48 : memref<1x10240x128xf32, #tpu.memory_space<hbm>> -> memref<10240x128xf32, #tpu.memory_space<hbm>>
        %dma_wait3A_50 = arith.constant 0 : i32
        %dma_wait3A_51 = tpu.memref_slice %dma_wait3A_49[%add3A_38, %dma_wait3A_50] : memref<10240x128xf32, #tpu.memory_space<hbm>> -> memref<128x128xf32, #tpu.memory_space<hbm>>
        %dma_wait3A_52 = arith.constant 0 : i32
        %dma_wait3A_53 = tpu.memref_slice %arg10[%add3A_38, %dma_wait3A_52] : memref<10240x128xf32, #tpu.memory_space<vmem_shared>> -> memref<128x128xf32, #tpu.memory_space<vmem_shared>>
        tpu.wait_dma2 semaphore(%run_scoped3A : memref<!tpu.dma_semaphore, #tpu.memory_space<semaphore_mem>>) src(%dma_wait3A_53 : memref<128x128xf32, #tpu.memory_space<vmem_shared>>) dst(%dma_wait3A_51 : memref<128x128xf32, #tpu.memory_space<hbm>>)
        tpu.yield
      }) : () -> ()
      %scan3A_39 = arith.constant 0 : i32
      scf.yield %scan3A_39 : i32
    }
    %scan3A_31 = arith.constant 5 : i32
    return
  }
}

#map = affine_map<(d0, d1) -> (0)>
#map1 = affine_map<(d0, d1) -> (0, 0)>
module attributes {stable_mosaic.version = 14 : i64} {
  func.func @_deg_body(%arg0: i32, %arg1: i32, %arg2: memref<320000xi32, #tpu.memory_space<hbm>>, %arg3: memref<2x10240xf32, #tpu.memory_space<hbm>>, %arg4: memref<10000xi32, #tpu.memory_space<vmem>>, %arg5: memref<10240xf32, #tpu.memory_space<vmem>>, %arg6: memref<640xf32, #tpu.memory_space<vmem>>, %arg7: memref<640xf32, #tpu.memory_space<vmem>>, %arg8: memref<163840xf32, #tpu.memory_space<vmem_shared>>) attributes {dimension_semantics = [#tpu.dimension_semantics<core_parallel>, #tpu.dimension_semantics<subcore_parallel>], iteration_bounds = array<i64: 2, 16>, scalar_prefetch = 0 : i64, scratch_operands = 5 : i64, tpu.core_type = #tpu.core_type<sc_vector_subcore>, window_params = [{transform_indices = #map}, {transform_indices = #map1}]} {
    %mul3A = arith.constant 16 : i32
    %mul3A_0 = arith.muli %arg0, %mul3A : i32
    %add3A = arith.addi %mul3A_0, %arg1 : i32
    %broadcast_in_dim3A = arith.constant 0.000000e+00 : f32
    %broadcast_in_dim3A_1 = vector.broadcast %broadcast_in_dim3A : f32 to vector<16xf32>
    %scan3A = arith.constant 0 : i32
    %scan3A_2 = arith.constant 0 : i32
    %scan3A_3 = arith.constant 640 : i32
    %scan3A_4 = arith.addi %scan3A_2, %scan3A_3 : i32
    %scan3A_5 = arith.constant 1 : i32
    %scan3A_6 = scf.for %scan3A_206 = %scan3A_2 to %scan3A_4 step %scan3A_5 iter_args(%scan3A_207 = %scan3A) -> (i32)  : i32 {
      %mul3A_208 = arith.constant 16 : i32
      %mul3A_209 = arith.muli %scan3A_206, %mul3A_208 : i32
      %swap3A = arith.index_cast %mul3A_209 : i32 to index
      %swap3A_210 = tpu.vector_load %arg5[%swap3A] {strides = array<i32>} : memref<10240xf32, #tpu.memory_space<vmem>>, vector<16xf32>,
      tpu.vector_store %arg5[%swap3A], %broadcast_in_dim3A_1 {strides = array<i32>} : memref<10240xf32, #tpu.memory_space<vmem>>, vector<16xf32>,
      %scan3A_211 = arith.constant 0 : i32
      scf.yield %scan3A_211 : i32
    }
    %scan3A_7 = arith.constant 640 : i32
    %mul3A_8 = arith.constant 10000 : i32
    %mul3A_9 = arith.muli %add3A, %mul3A_8 : i32
    "tpu.region"() ({
      %run_scoped3A = tpu.sem_alloc : memref<!tpu.dma_semaphore, #tpu.memory_space<semaphore_mem>>
      %dma_start3A = tpu.memref_slice %arg2[%mul3A_9] : memref<320000xi32, #tpu.memory_space<hbm>> -> memref<10000xi32, #tpu.memory_space<hbm>>
      %dma_start3A_206 = tpu.memref_slice %arg2[%mul3A_9] : memref<320000xi32, #tpu.memory_space<hbm>> -> memref<10000xi32, #tpu.memory_space<hbm>>
      tpu.enqueue_dma source(%dma_start3A_206 : memref<10000xi32, #tpu.memory_space<hbm>>) target(%arg4 : memref<10000xi32, #tpu.memory_space<vmem>>) target_semaphore(%run_scoped3A : memref<!tpu.dma_semaphore, #tpu.memory_space<semaphore_mem>>)
      %dma_wait3A = tpu.memref_slice %arg2[%mul3A_9] : memref<320000xi32, #tpu.memory_space<hbm>> -> memref<10000xi32, #tpu.memory_space<hbm>>
      %dma_wait3A_207 = tpu.memref_slice %arg2[%mul3A_9] : memref<320000xi32, #tpu.memory_space<hbm>> -> memref<10000xi32, #tpu.memory_space<hbm>>
      tpu.wait_dma2 semaphore(%run_scoped3A : memref<!tpu.dma_semaphore, #tpu.memory_space<semaphore_mem>>) src(%dma_wait3A_207 : memref<10000xi32, #tpu.memory_space<hbm>>) dst(%arg4 : memref<10000xi32, #tpu.memory_space<vmem>>)
      tpu.yield
    }) : () -> ()
    %broadcast_in_dim3A_10 = arith.constant 1.000000e+00 : f32
    %broadcast_in_dim3A_11 = vector.broadcast %broadcast_in_dim3A_10 : f32 to vector<16xf32>
    %scan3A_12 = arith.constant 0 : i32
    %scan3A_13 = arith.constant 0 : i32
    %scan3A_14 = arith.constant 625 : i32
    %scan3A_15 = arith.addi %scan3A_13, %scan3A_14 : i32
    %scan3A_16 = arith.constant 1 : i32
    %scan3A_17 = scf.for %scan3A_206 = %scan3A_13 to %scan3A_15 step %scan3A_16 iter_args(%scan3A_207 = %scan3A_12) -> (i32)  : i32 {
      %mul3A_208 = arith.constant 16 : i32
      %mul3A_209 = arith.muli %scan3A_206, %mul3A_208 : i32
      %get3A = arith.index_cast %mul3A_209 : i32 to index
      %get3A_210 = tpu.vector_load %arg4[%get3A] {strides = array<i32>} : memref<10000xi32, #tpu.memory_space<vmem>>, vector<16xi32>,
      tpu.vector_store_idx %arg5[%get3A_210], %broadcast_in_dim3A_11 {add = true} : memref<10240xf32, #tpu.memory_space<vmem>>[vector<16xi32>], vector<16xf32>,
      %scan3A_211 = arith.constant 0 : i32
      scf.yield %scan3A_211 : i32
    }
    %scan3A_18 = arith.constant 625 : i32
    %mul3A_19 = arith.constant 10240 : i32
    %mul3A_20 = arith.muli %arg1, %mul3A_19 : i32
    "tpu.region"() ({
      %run_scoped3A = tpu.sem_alloc : memref<!tpu.dma_semaphore, #tpu.memory_space<semaphore_mem>>
      %dma_start3A = tpu.memref_slice %arg8[%mul3A_20] : memref<163840xf32, #tpu.memory_space<vmem_shared>> -> memref<10240xf32, #tpu.memory_space<vmem_shared>>
      %dma_start3A_206 = tpu.memref_slice %arg8[%mul3A_20] : memref<163840xf32, #tpu.memory_space<vmem_shared>> -> memref<10240xf32, #tpu.memory_space<vmem_shared>>
      tpu.enqueue_dma source(%arg5 : memref<10240xf32, #tpu.memory_space<vmem>>) target(%dma_start3A_206 : memref<10240xf32, #tpu.memory_space<vmem_shared>>) target_semaphore(%run_scoped3A : memref<!tpu.dma_semaphore, #tpu.memory_space<semaphore_mem>>)
      %dma_wait3A = tpu.memref_slice %arg8[%mul3A_20] : memref<163840xf32, #tpu.memory_space<vmem_shared>> -> memref<10240xf32, #tpu.memory_space<vmem_shared>>
      %dma_wait3A_207 = tpu.memref_slice %arg8[%mul3A_20] : memref<163840xf32, #tpu.memory_space<vmem_shared>> -> memref<10240xf32, #tpu.memory_space<vmem_shared>>
      tpu.wait_dma2 semaphore(%run_scoped3A : memref<!tpu.dma_semaphore, #tpu.memory_space<semaphore_mem>>) src(%arg5 : memref<10240xf32, #tpu.memory_space<vmem>>) dst(%dma_wait3A_207 : memref<10240xf32, #tpu.memory_space<vmem_shared>>)
      tpu.yield
    }) : () -> ()
    %barrier3A = arith.constant 0 : index
    tpu.barrier barrier_id(%barrier3A)
    %scan3A_21 = arith.constant 0 : i32
    %scan3A_22 = arith.constant 0 : i32
    %scan3A_23 = arith.constant 40 : i32
    %scan3A_24 = arith.addi %scan3A_22, %scan3A_23 : i32
    %scan3A_25 = arith.constant 1 : i32
    %scan3A_26 = scf.for %scan3A_206 = %scan3A_22 to %scan3A_24 step %scan3A_25 iter_args(%scan3A_207 = %scan3A_21) -> (i32)  : i32 {
      %mul3A_208 = arith.constant 16 : i32
      %mul3A_209 = arith.muli %scan3A_206, %mul3A_208 : i32
      %swap3A = arith.index_cast %mul3A_209 : i32 to index
      %swap3A_210 = tpu.vector_load %arg6[%swap3A] {strides = array<i32>} : memref<640xf32, #tpu.memory_space<vmem>>, vector<16xf32>,
      tpu.vector_store %arg6[%swap3A], %broadcast_in_dim3A_1 {strides = array<i32>} : memref<640xf32, #tpu.memory_space<vmem>>, vector<16xf32>,
      %scan3A_211 = arith.constant 0 : i32
      scf.yield %scan3A_211 : i32
    }
    %scan3A_27 = arith.constant 40 : i32
    %mul3A_28 = arith.constant 640 : i32
    %mul3A_29 = arith.muli %arg1, %mul3A_28 : i32
    %add3A_30 = arith.constant 0 : i32
    %add3A_31 = arith.addi %add3A_30, %mul3A_29 : i32
    "tpu.region"() ({
      %run_scoped3A = tpu.sem_alloc : memref<!tpu.dma_semaphore, #tpu.memory_space<semaphore_mem>>
      %dma_start3A = tpu.memref_slice %arg8[%add3A_31] : memref<163840xf32, #tpu.memory_space<vmem_shared>> -> memref<640xf32, #tpu.memory_space<vmem_shared>>
      %dma_start3A_206 = tpu.memref_slice %arg8[%add3A_31] : memref<163840xf32, #tpu.memory_space<vmem_shared>> -> memref<640xf32, #tpu.memory_space<vmem_shared>>
      tpu.enqueue_dma source(%dma_start3A_206 : memref<640xf32, #tpu.memory_space<vmem_shared>>) target(%arg7 : memref<640xf32, #tpu.memory_space<vmem>>) target_semaphore(%run_scoped3A : memref<!tpu.dma_semaphore, #tpu.memory_space<semaphore_mem>>)
      %dma_wait3A = tpu.memref_slice %arg8[%add3A_31] : memref<163840xf32, #tpu.memory_space<vmem_shared>> -> memref<640xf32, #tpu.memory_space<vmem_shared>>
      %dma_wait3A_207 = tpu.memref_slice %arg8[%add3A_31] : memref<163840xf32, #tpu.memory_space<vmem_shared>> -> memref<640xf32, #tpu.memory_space<vmem_shared>>
      tpu.wait_dma2 semaphore(%run_scoped3A : memref<!tpu.dma_semaphore, #tpu.memory_space<semaphore_mem>>) src(%dma_wait3A_207 : memref<640xf32, #tpu.memory_space<vmem_shared>>) dst(%arg7 : memref<640xf32, #tpu.memory_space<vmem>>)
      tpu.yield
    }) : () -> ()
    %scan3A_32 = arith.constant 0 : i32
    %scan3A_33 = arith.constant 0 : i32
    %scan3A_34 = arith.constant 40 : i32
    %scan3A_35 = arith.addi %scan3A_33, %scan3A_34 : i32
    %scan3A_36 = arith.constant 1 : i32
    %scan3A_37 = scf.for %scan3A_206 = %scan3A_33 to %scan3A_35 step %scan3A_36 iter_args(%scan3A_207 = %scan3A_32) -> (i32)  : i32 {
      %mul3A_208 = arith.constant 16 : i32
      %mul3A_209 = arith.muli %scan3A_206, %mul3A_208 : i32
      %get3A = arith.index_cast %mul3A_209 : i32 to index
      %get3A_210 = tpu.vector_load %arg6[%get3A] {strides = array<i32>} : memref<640xf32, #tpu.memory_space<vmem>>, vector<16xf32>,
      %mul3A_211 = arith.constant 16 : i32
      %mul3A_212 = arith.muli %scan3A_206, %mul3A_211 : i32
      %get3A_213 = arith.index_cast %mul3A_212 : i32 to index
      %get3A_214 = tpu.vector_load %arg7[%get3A_213] {strides = array<i32>} : memref<640xf32, #tpu.memory_space<vmem>>, vector<16xf32>,
      %add3A_215 = arith.addf %get3A_210, %get3A_214 : vector<16xf32>
      %mul3A_216 = arith.constant 16 : i32
      %mul3A_217 = arith.muli %scan3A_206, %mul3A_216 : i32
      %swap3A = arith.index_cast %mul3A_217 : i32 to index
      %swap3A_218 = tpu.vector_load %arg6[%swap3A] {strides = array<i32>} : memref<640xf32, #tpu.memory_space<vmem>>, vector<16xf32>,
      tpu.vector_store %arg6[%swap3A], %add3A_215 {strides = array<i32>} : memref<640xf32, #tpu.memory_space<vmem>>, vector<16xf32>,
      %scan3A_219 = arith.constant 0 : i32
      scf.yield %scan3A_219 : i32
    }
    %scan3A_38 = arith.constant 40 : i32
    %mul3A_39 = arith.constant 640 : i32
    %mul3A_40 = arith.muli %arg1, %mul3A_39 : i32
    %add3A_41 = arith.constant 10240 : i32
    %add3A_42 = arith.addi %add3A_41, %mul3A_40 : i32
    "tpu.region"() ({
      %run_scoped3A = tpu.sem_alloc : memref<!tpu.dma_semaphore, #tpu.memory_space<semaphore_mem>>
      %dma_start3A = tpu.memref_slice %arg8[%add3A_42] : memref<163840xf32, #tpu.memory_space<vmem_shared>> -> memref<640xf32, #tpu.memory_space<vmem_shared>>
      %dma_start3A_206 = tpu.memref_slice %arg8[%add3A_42] : memref<163840xf32, #tpu.memory_space<vmem_shared>> -> memref<640xf32, #tpu.memory_space<vmem_shared>>
      tpu.enqueue_dma source(%dma_start3A_206 : memref<640xf32, #tpu.memory_space<vmem_shared>>) target(%arg7 : memref<640xf32, #tpu.memory_space<vmem>>) target_semaphore(%run_scoped3A : memref<!tpu.dma_semaphore, #tpu.memory_space<semaphore_mem>>)
      %dma_wait3A = tpu.memref_slice %arg8[%add3A_42] : memref<163840xf32, #tpu.memory_space<vmem_shared>> -> memref<640xf32, #tpu.memory_space<vmem_shared>>
      %dma_wait3A_207 = tpu.memref_slice %arg8[%add3A_42] : memref<163840xf32, #tpu.memory_space<vmem_shared>> -> memref<640xf32, #tpu.memory_space<vmem_shared>>
      tpu.wait_dma2 semaphore(%run_scoped3A : memref<!tpu.dma_semaphore, #tpu.memory_space<semaphore_mem>>) src(%dma_wait3A_207 : memref<640xf32, #tpu.memory_space<vmem_shared>>) dst(%arg7 : memref<640xf32, #tpu.memory_space<vmem>>)
      tpu.yield
    }) : () -> ()
    %scan3A_43 = arith.constant 0 : i32
    %scan3A_44 = arith.constant 0 : i32
    %scan3A_45 = arith.constant 40 : i32
    %scan3A_46 = arith.addi %scan3A_44, %scan3A_45 : i32
    %scan3A_47 = arith.constant 1 : i32
    %scan3A_48 = scf.for %scan3A_206 = %scan3A_44 to %scan3A_46 step %scan3A_47 iter_args(%scan3A_207 = %scan3A_43) -> (i32)  : i32 {
      %mul3A_208 = arith.constant 16 : i32
      %mul3A_209 = arith.muli %scan3A_206, %mul3A_208 : i32
      %get3A = arith.index_cast %mul3A_209 : i32 to index
      %get3A_210 = tpu.vector_load %arg6[%get3A] {strides = array<i32>} : memref<640xf32, #tpu.memory_space<vmem>>, vector<16xf32>,
      %mul3A_211 = arith.constant 16 : i32
      %mul3A_212 = arith.muli %scan3A_206, %mul3A_211 : i32
      %get3A_213 = arith.index_cast %mul3A_212 : i32 to index
      %get3A_214 = tpu.vector_load %arg7[%get3A_213] {strides = array<i32>} : memref<640xf32, #tpu.memory_space<vmem>>, vector<16xf32>,
      %add3A_215 = arith.addf %get3A_210, %get3A_214 : vector<16xf32>
      %mul3A_216 = arith.constant 16 : i32
      %mul3A_217 = arith.muli %scan3A_206, %mul3A_216 : i32
      %swap3A = arith.index_cast %mul3A_217 : i32 to index
      %swap3A_218 = tpu.vector_load %arg6[%swap3A] {strides = array<i32>} : memref<640xf32, #tpu.memory_space<vmem>>, vector<16xf32>,
      tpu.vector_store %arg6[%swap3A], %add3A_215 {strides = array<i32>} : memref<640xf32, #tpu.memory_space<vmem>>, vector<16xf32>,
      %scan3A_219 = arith.constant 0 : i32
      scf.yield %scan3A_219 : i32
    }
    %scan3A_49 = arith.constant 40 : i32
    %mul3A_50 = arith.constant 640 : i32
    %mul3A_51 = arith.muli %arg1, %mul3A_50 : i32
    %add3A_52 = arith.constant 20480 : i32
    %add3A_53 = arith.addi %add3A_52, %mul3A_51 : i32
    "tpu.region"() ({
      %run_scoped3A = tpu.sem_alloc : memref<!tpu.dma_semaphore, #tpu.memory_space<semaphore_mem>>
      %dma_start3A = tpu.memref_slice %arg8[%add3A_53] : memref<163840xf32, #tpu.memory_space<vmem_shared>> -> memref<640xf32, #tpu.memory_space<vmem_shared>>
      %dma_start3A_206 = tpu.memref_slice %arg8[%add3A_53] : memref<163840xf32, #tpu.memory_space<vmem_shared>> -> memref<640xf32, #tpu.memory_space<vmem_shared>>
      tpu.enqueue_dma source(%dma_start3A_206 : memref<640xf32, #tpu.memory_space<vmem_shared>>) target(%arg7 : memref<640xf32, #tpu.memory_space<vmem>>) target_semaphore(%run_scoped3A : memref<!tpu.dma_semaphore, #tpu.memory_space<semaphore_mem>>)
      %dma_wait3A = tpu.memref_slice %arg8[%add3A_53] : memref<163840xf32, #tpu.memory_space<vmem_shared>> -> memref<640xf32, #tpu.memory_space<vmem_shared>>
      %dma_wait3A_207 = tpu.memref_slice %arg8[%add3A_53] : memref<163840xf32, #tpu.memory_space<vmem_shared>> -> memref<640xf32, #tpu.memory_space<vmem_shared>>
      tpu.wait_dma2 semaphore(%run_scoped3A : memref<!tpu.dma_semaphore, #tpu.memory_space<semaphore_mem>>) src(%dma_wait3A_207 : memref<640xf32, #tpu.memory_space<vmem_shared>>) dst(%arg7 : memref<640xf32, #tpu.memory_space<vmem>>)
      tpu.yield
    }) : () -> ()
    %scan3A_54 = arith.constant 0 : i32
    %scan3A_55 = arith.constant 0 : i32
    %scan3A_56 = arith.constant 40 : i32
    %scan3A_57 = arith.addi %scan3A_55, %scan3A_56 : i32
    %scan3A_58 = arith.constant 1 : i32
    %scan3A_59 = scf.for %scan3A_206 = %scan3A_55 to %scan3A_57 step %scan3A_58 iter_args(%scan3A_207 = %scan3A_54) -> (i32)  : i32 {
      %mul3A_208 = arith.constant 16 : i32
      %mul3A_209 = arith.muli %scan3A_206, %mul3A_208 : i32
      %get3A = arith.index_cast %mul3A_209 : i32 to index
      %get3A_210 = tpu.vector_load %arg6[%get3A] {strides = array<i32>} : memref<640xf32, #tpu.memory_space<vmem>>, vector<16xf32>,
      %mul3A_211 = arith.constant 16 : i32
      %mul3A_212 = arith.muli %scan3A_206, %mul3A_211 : i32
      %get3A_213 = arith.index_cast %mul3A_212 : i32 to index
      %get3A_214 = tpu.vector_load %arg7[%get3A_213] {strides = array<i32>} : memref<640xf32, #tpu.memory_space<vmem>>, vector<16xf32>,
      %add3A_215 = arith.addf %get3A_210, %get3A_214 : vector<16xf32>
      %mul3A_216 = arith.constant 16 : i32
      %mul3A_217 = arith.muli %scan3A_206, %mul3A_216 : i32
      %swap3A = arith.index_cast %mul3A_217 : i32 to index
      %swap3A_218 = tpu.vector_load %arg6[%swap3A] {strides = array<i32>} : memref<640xf32, #tpu.memory_space<vmem>>, vector<16xf32>,
      tpu.vector_store %arg6[%swap3A], %add3A_215 {strides = array<i32>} : memref<640xf32, #tpu.memory_space<vmem>>, vector<16xf32>,
      %scan3A_219 = arith.constant 0 : i32
      scf.yield %scan3A_219 : i32
    }
    %scan3A_60 = arith.constant 40 : i32
    %mul3A_61 = arith.constant 640 : i32
    %mul3A_62 = arith.muli %arg1, %mul3A_61 : i32
    %add3A_63 = arith.constant 30720 : i32
    %add3A_64 = arith.addi %add3A_63, %mul3A_62 : i32
    "tpu.region"() ({
      %run_scoped3A = tpu.sem_alloc : memref<!tpu.dma_semaphore, #tpu.memory_space<semaphore_mem>>
      %dma_start3A = tpu.memref_slice %arg8[%add3A_64] : memref<163840xf32, #tpu.memory_space<vmem_shared>> -> memref<640xf32, #tpu.memory_space<vmem_shared>>
      %dma_start3A_206 = tpu.memref_slice %arg8[%add3A_64] : memref<163840xf32, #tpu.memory_space<vmem_shared>> -> memref<640xf32, #tpu.memory_space<vmem_shared>>
      tpu.enqueue_dma source(%dma_start3A_206 : memref<640xf32, #tpu.memory_space<vmem_shared>>) target(%arg7 : memref<640xf32, #tpu.memory_space<vmem>>) target_semaphore(%run_scoped3A : memref<!tpu.dma_semaphore, #tpu.memory_space<semaphore_mem>>)
      %dma_wait3A = tpu.memref_slice %arg8[%add3A_64] : memref<163840xf32, #tpu.memory_space<vmem_shared>> -> memref<640xf32, #tpu.memory_space<vmem_shared>>
      %dma_wait3A_207 = tpu.memref_slice %arg8[%add3A_64] : memref<163840xf32, #tpu.memory_space<vmem_shared>> -> memref<640xf32, #tpu.memory_space<vmem_shared>>
      tpu.wait_dma2 semaphore(%run_scoped3A : memref<!tpu.dma_semaphore, #tpu.memory_space<semaphore_mem>>) src(%dma_wait3A_207 : memref<640xf32, #tpu.memory_space<vmem_shared>>) dst(%arg7 : memref<640xf32, #tpu.memory_space<vmem>>)
      tpu.yield
    }) : () -> ()
    %scan3A_65 = arith.constant 0 : i32
    %scan3A_66 = arith.constant 0 : i32
    %scan3A_67 = arith.constant 40 : i32
    %scan3A_68 = arith.addi %scan3A_66, %scan3A_67 : i32
    %scan3A_69 = arith.constant 1 : i32
    %scan3A_70 = scf.for %scan3A_206 = %scan3A_66 to %scan3A_68 step %scan3A_69 iter_args(%scan3A_207 = %scan3A_65) -> (i32)  : i32 {
      %mul3A_208 = arith.constant 16 : i32
      %mul3A_209 = arith.muli %scan3A_206, %mul3A_208 : i32
      %get3A = arith.index_cast %mul3A_209 : i32 to index
      %get3A_210 = tpu.vector_load %arg6[%get3A] {strides = array<i32>} : memref<640xf32, #tpu.memory_space<vmem>>, vector<16xf32>,
      %mul3A_211 = arith.constant 16 : i32
      %mul3A_212 = arith.muli %scan3A_206, %mul3A_211 : i32
      %get3A_213 = arith.index_cast %mul3A_212 : i32 to index
      %get3A_214 = tpu.vector_load %arg7[%get3A_213] {strides = array<i32>} : memref<640xf32, #tpu.memory_space<vmem>>, vector<16xf32>,
      %add3A_215 = arith.addf %get3A_210, %get3A_214 : vector<16xf32>
      %mul3A_216 = arith.constant 16 : i32
      %mul3A_217 = arith.muli %scan3A_206, %mul3A_216 : i32
      %swap3A = arith.index_cast %mul3A_217 : i32 to index
      %swap3A_218 = tpu.vector_load %arg6[%swap3A] {strides = array<i32>} : memref<640xf32, #tpu.memory_space<vmem>>, vector<16xf32>,
      tpu.vector_store %arg6[%swap3A], %add3A_215 {strides = array<i32>} : memref<640xf32, #tpu.memory_space<vmem>>, vector<16xf32>,
      %scan3A_219 = arith.constant 0 : i32
      scf.yield %scan3A_219 : i32
    }
    %scan3A_71 = arith.constant 40 : i32
    %mul3A_72 = arith.constant 640 : i32
    %mul3A_73 = arith.muli %arg1, %mul3A_72 : i32
    %add3A_74 = arith.constant 40960 : i32
    %add3A_75 = arith.addi %add3A_74, %mul3A_73 : i32
    "tpu.region"() ({
      %run_scoped3A = tpu.sem_alloc : memref<!tpu.dma_semaphore, #tpu.memory_space<semaphore_mem>>
      %dma_start3A = tpu.memref_slice %arg8[%add3A_75] : memref<163840xf32, #tpu.memory_space<vmem_shared>> -> memref<640xf32, #tpu.memory_space<vmem_shared>>
      %dma_start3A_206 = tpu.memref_slice %arg8[%add3A_75] : memref<163840xf32, #tpu.memory_space<vmem_shared>> -> memref<640xf32, #tpu.memory_space<vmem_shared>>
      tpu.enqueue_dma source(%dma_start3A_206 : memref<640xf32, #tpu.memory_space<vmem_shared>>) target(%arg7 : memref<640xf32, #tpu.memory_space<vmem>>) target_semaphore(%run_scoped3A : memref<!tpu.dma_semaphore, #tpu.memory_space<semaphore_mem>>)
      %dma_wait3A = tpu.memref_slice %arg8[%add3A_75] : memref<163840xf32, #tpu.memory_space<vmem_shared>> -> memref<640xf32, #tpu.memory_space<vmem_shared>>
      %dma_wait3A_207 = tpu.memref_slice %arg8[%add3A_75] : memref<163840xf32, #tpu.memory_space<vmem_shared>> -> memref<640xf32, #tpu.memory_space<vmem_shared>>
      tpu.wait_dma2 semaphore(%run_scoped3A : memref<!tpu.dma_semaphore, #tpu.memory_space<semaphore_mem>>) src(%dma_wait3A_207 : memref<640xf32, #tpu.memory_space<vmem_shared>>) dst(%arg7 : memref<640xf32, #tpu.memory_space<vmem>>)
      tpu.yield
    }) : () -> ()
    %scan3A_76 = arith.constant 0 : i32
    %scan3A_77 = arith.constant 0 : i32
    %scan3A_78 = arith.constant 40 : i32
    %scan3A_79 = arith.addi %scan3A_77, %scan3A_78 : i32
    %scan3A_80 = arith.constant 1 : i32
    %scan3A_81 = scf.for %scan3A_206 = %scan3A_77 to %scan3A_79 step %scan3A_80 iter_args(%scan3A_207 = %scan3A_76) -> (i32)  : i32 {
      %mul3A_208 = arith.constant 16 : i32
      %mul3A_209 = arith.muli %scan3A_206, %mul3A_208 : i32
      %get3A = arith.index_cast %mul3A_209 : i32 to index
      %get3A_210 = tpu.vector_load %arg6[%get3A] {strides = array<i32>} : memref<640xf32, #tpu.memory_space<vmem>>, vector<16xf32>,
      %mul3A_211 = arith.constant 16 : i32
      %mul3A_212 = arith.muli %scan3A_206, %mul3A_211 : i32
      %get3A_213 = arith.index_cast %mul3A_212 : i32 to index
      %get3A_214 = tpu.vector_load %arg7[%get3A_213] {strides = array<i32>} : memref<640xf32, #tpu.memory_space<vmem>>, vector<16xf32>,
      %add3A_215 = arith.addf %get3A_210, %get3A_214 : vector<16xf32>
      %mul3A_216 = arith.constant 16 : i32
      %mul3A_217 = arith.muli %scan3A_206, %mul3A_216 : i32
      %swap3A = arith.index_cast %mul3A_217 : i32 to index
      %swap3A_218 = tpu.vector_load %arg6[%swap3A] {strides = array<i32>} : memref<640xf32, #tpu.memory_space<vmem>>, vector<16xf32>,
      tpu.vector_store %arg6[%swap3A], %add3A_215 {strides = array<i32>} : memref<640xf32, #tpu.memory_space<vmem>>, vector<16xf32>,
      %scan3A_219 = arith.constant 0 : i32
      scf.yield %scan3A_219 : i32
    }
    %scan3A_82 = arith.constant 40 : i32
    %mul3A_83 = arith.constant 640 : i32
    %mul3A_84 = arith.muli %arg1, %mul3A_83 : i32
    %add3A_85 = arith.constant 51200 : i32
    %add3A_86 = arith.addi %add3A_85, %mul3A_84 : i32
    "tpu.region"() ({
      %run_scoped3A = tpu.sem_alloc : memref<!tpu.dma_semaphore, #tpu.memory_space<semaphore_mem>>
      %dma_start3A = tpu.memref_slice %arg8[%add3A_86] : memref<163840xf32, #tpu.memory_space<vmem_shared>> -> memref<640xf32, #tpu.memory_space<vmem_shared>>
      %dma_start3A_206 = tpu.memref_slice %arg8[%add3A_86] : memref<163840xf32, #tpu.memory_space<vmem_shared>> -> memref<640xf32, #tpu.memory_space<vmem_shared>>
      tpu.enqueue_dma source(%dma_start3A_206 : memref<640xf32, #tpu.memory_space<vmem_shared>>) target(%arg7 : memref<640xf32, #tpu.memory_space<vmem>>) target_semaphore(%run_scoped3A : memref<!tpu.dma_semaphore, #tpu.memory_space<semaphore_mem>>)
      %dma_wait3A = tpu.memref_slice %arg8[%add3A_86] : memref<163840xf32, #tpu.memory_space<vmem_shared>> -> memref<640xf32, #tpu.memory_space<vmem_shared>>
      %dma_wait3A_207 = tpu.memref_slice %arg8[%add3A_86] : memref<163840xf32, #tpu.memory_space<vmem_shared>> -> memref<640xf32, #tpu.memory_space<vmem_shared>>
      tpu.wait_dma2 semaphore(%run_scoped3A : memref<!tpu.dma_semaphore, #tpu.memory_space<semaphore_mem>>) src(%dma_wait3A_207 : memref<640xf32, #tpu.memory_space<vmem_shared>>) dst(%arg7 : memref<640xf32, #tpu.memory_space<vmem>>)
      tpu.yield
    }) : () -> ()
    %scan3A_87 = arith.constant 0 : i32
    %scan3A_88 = arith.constant 0 : i32
    %scan3A_89 = arith.constant 40 : i32
    %scan3A_90 = arith.addi %scan3A_88, %scan3A_89 : i32
    %scan3A_91 = arith.constant 1 : i32
    %scan3A_92 = scf.for %scan3A_206 = %scan3A_88 to %scan3A_90 step %scan3A_91 iter_args(%scan3A_207 = %scan3A_87) -> (i32)  : i32 {
      %mul3A_208 = arith.constant 16 : i32
      %mul3A_209 = arith.muli %scan3A_206, %mul3A_208 : i32
      %get3A = arith.index_cast %mul3A_209 : i32 to index
      %get3A_210 = tpu.vector_load %arg6[%get3A] {strides = array<i32>} : memref<640xf32, #tpu.memory_space<vmem>>, vector<16xf32>,
      %mul3A_211 = arith.constant 16 : i32
      %mul3A_212 = arith.muli %scan3A_206, %mul3A_211 : i32
      %get3A_213 = arith.index_cast %mul3A_212 : i32 to index
      %get3A_214 = tpu.vector_load %arg7[%get3A_213] {strides = array<i32>} : memref<640xf32, #tpu.memory_space<vmem>>, vector<16xf32>,
      %add3A_215 = arith.addf %get3A_210, %get3A_214 : vector<16xf32>
      %mul3A_216 = arith.constant 16 : i32
      %mul3A_217 = arith.muli %scan3A_206, %mul3A_216 : i32
      %swap3A = arith.index_cast %mul3A_217 : i32 to index
      %swap3A_218 = tpu.vector_load %arg6[%swap3A] {strides = array<i32>} : memref<640xf32, #tpu.memory_space<vmem>>, vector<16xf32>,
      tpu.vector_store %arg6[%swap3A], %add3A_215 {strides = array<i32>} : memref<640xf32, #tpu.memory_space<vmem>>, vector<16xf32>,
      %scan3A_219 = arith.constant 0 : i32
      scf.yield %scan3A_219 : i32
    }
    %scan3A_93 = arith.constant 40 : i32
    %mul3A_94 = arith.constant 640 : i32
    %mul3A_95 = arith.muli %arg1, %mul3A_94 : i32
    %add3A_96 = arith.constant 61440 : i32
    %add3A_97 = arith.addi %add3A_96, %mul3A_95 : i32
    "tpu.region"() ({
      %run_scoped3A = tpu.sem_alloc : memref<!tpu.dma_semaphore, #tpu.memory_space<semaphore_mem>>
      %dma_start3A = tpu.memref_slice %arg8[%add3A_97] : memref<163840xf32, #tpu.memory_space<vmem_shared>> -> memref<640xf32, #tpu.memory_space<vmem_shared>>
      %dma_start3A_206 = tpu.memref_slice %arg8[%add3A_97] : memref<163840xf32, #tpu.memory_space<vmem_shared>> -> memref<640xf32, #tpu.memory_space<vmem_shared>>
      tpu.enqueue_dma source(%dma_start3A_206 : memref<640xf32, #tpu.memory_space<vmem_shared>>) target(%arg7 : memref<640xf32, #tpu.memory_space<vmem>>) target_semaphore(%run_scoped3A : memref<!tpu.dma_semaphore, #tpu.memory_space<semaphore_mem>>)
      %dma_wait3A = tpu.memref_slice %arg8[%add3A_97] : memref<163840xf32, #tpu.memory_space<vmem_shared>> -> memref<640xf32, #tpu.memory_space<vmem_shared>>
      %dma_wait3A_207 = tpu.memref_slice %arg8[%add3A_97] : memref<163840xf32, #tpu.memory_space<vmem_shared>> -> memref<640xf32, #tpu.memory_space<vmem_shared>>
      tpu.wait_dma2 semaphore(%run_scoped3A : memref<!tpu.dma_semaphore, #tpu.memory_space<semaphore_mem>>) src(%dma_wait3A_207 : memref<640xf32, #tpu.memory_space<vmem_shared>>) dst(%arg7 : memref<640xf32, #tpu.memory_space<vmem>>)
      tpu.yield
    }) : () -> ()
    %scan3A_98 = arith.constant 0 : i32
    %scan3A_99 = arith.constant 0 : i32
    %scan3A_100 = arith.constant 40 : i32
    %scan3A_101 = arith.addi %scan3A_99, %scan3A_100 : i32
    %scan3A_102 = arith.constant 1 : i32
    %scan3A_103 = scf.for %scan3A_206 = %scan3A_99 to %scan3A_101 step %scan3A_102 iter_args(%scan3A_207 = %scan3A_98) -> (i32)  : i32 {
      %mul3A_208 = arith.constant 16 : i32
      %mul3A_209 = arith.muli %scan3A_206, %mul3A_208 : i32
      %get3A = arith.index_cast %mul3A_209 : i32 to index
      %get3A_210 = tpu.vector_load %arg6[%get3A] {strides = array<i32>} : memref<640xf32, #tpu.memory_space<vmem>>, vector<16xf32>,
      %mul3A_211 = arith.constant 16 : i32
      %mul3A_212 = arith.muli %scan3A_206, %mul3A_211 : i32
      %get3A_213 = arith.index_cast %mul3A_212 : i32 to index
      %get3A_214 = tpu.vector_load %arg7[%get3A_213] {strides = array<i32>} : memref<640xf32, #tpu.memory_space<vmem>>, vector<16xf32>,
      %add3A_215 = arith.addf %get3A_210, %get3A_214 : vector<16xf32>
      %mul3A_216 = arith.constant 16 : i32
      %mul3A_217 = arith.muli %scan3A_206, %mul3A_216 : i32
      %swap3A = arith.index_cast %mul3A_217 : i32 to index
      %swap3A_218 = tpu.vector_load %arg6[%swap3A] {strides = array<i32>} : memref<640xf32, #tpu.memory_space<vmem>>, vector<16xf32>,
      tpu.vector_store %arg6[%swap3A], %add3A_215 {strides = array<i32>} : memref<640xf32, #tpu.memory_space<vmem>>, vector<16xf32>,
      %scan3A_219 = arith.constant 0 : i32
      scf.yield %scan3A_219 : i32
    }
    %scan3A_104 = arith.constant 40 : i32
    %mul3A_105 = arith.constant 640 : i32
    %mul3A_106 = arith.muli %arg1, %mul3A_105 : i32
    %add3A_107 = arith.constant 71680 : i32
    %add3A_108 = arith.addi %add3A_107, %mul3A_106 : i32
    "tpu.region"() ({
      %run_scoped3A = tpu.sem_alloc : memref<!tpu.dma_semaphore, #tpu.memory_space<semaphore_mem>>
      %dma_start3A = tpu.memref_slice %arg8[%add3A_108] : memref<163840xf32, #tpu.memory_space<vmem_shared>> -> memref<640xf32, #tpu.memory_space<vmem_shared>>
      %dma_start3A_206 = tpu.memref_slice %arg8[%add3A_108] : memref<163840xf32, #tpu.memory_space<vmem_shared>> -> memref<640xf32, #tpu.memory_space<vmem_shared>>
      tpu.enqueue_dma source(%dma_start3A_206 : memref<640xf32, #tpu.memory_space<vmem_shared>>) target(%arg7 : memref<640xf32, #tpu.memory_space<vmem>>) target_semaphore(%run_scoped3A : memref<!tpu.dma_semaphore, #tpu.memory_space<semaphore_mem>>)
      %dma_wait3A = tpu.memref_slice %arg8[%add3A_108] : memref<163840xf32, #tpu.memory_space<vmem_shared>> -> memref<640xf32, #tpu.memory_space<vmem_shared>>
      %dma_wait3A_207 = tpu.memref_slice %arg8[%add3A_108] : memref<163840xf32, #tpu.memory_space<vmem_shared>> -> memref<640xf32, #tpu.memory_space<vmem_shared>>
      tpu.wait_dma2 semaphore(%run_scoped3A : memref<!tpu.dma_semaphore, #tpu.memory_space<semaphore_mem>>) src(%dma_wait3A_207 : memref<640xf32, #tpu.memory_space<vmem_shared>>) dst(%arg7 : memref<640xf32, #tpu.memory_space<vmem>>)
      tpu.yield
    }) : () -> ()
    %scan3A_109 = arith.constant 0 : i32
    %scan3A_110 = arith.constant 0 : i32
    %scan3A_111 = arith.constant 40 : i32
    %scan3A_112 = arith.addi %scan3A_110, %scan3A_111 : i32
    %scan3A_113 = arith.constant 1 : i32
    %scan3A_114 = scf.for %scan3A_206 = %scan3A_110 to %scan3A_112 step %scan3A_113 iter_args(%scan3A_207 = %scan3A_109) -> (i32)  : i32 {
      %mul3A_208 = arith.constant 16 : i32
      %mul3A_209 = arith.muli %scan3A_206, %mul3A_208 : i32
      %get3A = arith.index_cast %mul3A_209 : i32 to index
      %get3A_210 = tpu.vector_load %arg6[%get3A] {strides = array<i32>} : memref<640xf32, #tpu.memory_space<vmem>>, vector<16xf32>,
      %mul3A_211 = arith.constant 16 : i32
      %mul3A_212 = arith.muli %scan3A_206, %mul3A_211 : i32
      %get3A_213 = arith.index_cast %mul3A_212 : i32 to index
      %get3A_214 = tpu.vector_load %arg7[%get3A_213] {strides = array<i32>} : memref<640xf32, #tpu.memory_space<vmem>>, vector<16xf32>,
      %add3A_215 = arith.addf %get3A_210, %get3A_214 : vector<16xf32>
      %mul3A_216 = arith.constant 16 : i32
      %mul3A_217 = arith.muli %scan3A_206, %mul3A_216 : i32
      %swap3A = arith.index_cast %mul3A_217 : i32 to index
      %swap3A_218 = tpu.vector_load %arg6[%swap3A] {strides = array<i32>} : memref<640xf32, #tpu.memory_space<vmem>>, vector<16xf32>,
      tpu.vector_store %arg6[%swap3A], %add3A_215 {strides = array<i32>} : memref<640xf32, #tpu.memory_space<vmem>>, vector<16xf32>,
      %scan3A_219 = arith.constant 0 : i32
      scf.yield %scan3A_219 : i32
    }
    %scan3A_115 = arith.constant 40 : i32
    %mul3A_116 = arith.constant 640 : i32
    %mul3A_117 = arith.muli %arg1, %mul3A_116 : i32
    %add3A_118 = arith.constant 81920 : i32
    %add3A_119 = arith.addi %add3A_118, %mul3A_117 : i32
    "tpu.region"() ({
      %run_scoped3A = tpu.sem_alloc : memref<!tpu.dma_semaphore, #tpu.memory_space<semaphore_mem>>
      %dma_start3A = tpu.memref_slice %arg8[%add3A_119] : memref<163840xf32, #tpu.memory_space<vmem_shared>> -> memref<640xf32, #tpu.memory_space<vmem_shared>>
      %dma_start3A_206 = tpu.memref_slice %arg8[%add3A_119] : memref<163840xf32, #tpu.memory_space<vmem_shared>> -> memref<640xf32, #tpu.memory_space<vmem_shared>>
      tpu.enqueue_dma source(%dma_start3A_206 : memref<640xf32, #tpu.memory_space<vmem_shared>>) target(%arg7 : memref<640xf32, #tpu.memory_space<vmem>>) target_semaphore(%run_scoped3A : memref<!tpu.dma_semaphore, #tpu.memory_space<semaphore_mem>>)
      %dma_wait3A = tpu.memref_slice %arg8[%add3A_119] : memref<163840xf32, #tpu.memory_space<vmem_shared>> -> memref<640xf32, #tpu.memory_space<vmem_shared>>
      %dma_wait3A_207 = tpu.memref_slice %arg8[%add3A_119] : memref<163840xf32, #tpu.memory_space<vmem_shared>> -> memref<640xf32, #tpu.memory_space<vmem_shared>>
      tpu.wait_dma2 semaphore(%run_scoped3A : memref<!tpu.dma_semaphore, #tpu.memory_space<semaphore_mem>>) src(%dma_wait3A_207 : memref<640xf32, #tpu.memory_space<vmem_shared>>) dst(%arg7 : memref<640xf32, #tpu.memory_space<vmem>>)
      tpu.yield
    }) : () -> ()
    %scan3A_120 = arith.constant 0 : i32
    %scan3A_121 = arith.constant 0 : i32
    %scan3A_122 = arith.constant 40 : i32
    %scan3A_123 = arith.addi %scan3A_121, %scan3A_122 : i32
    %scan3A_124 = arith.constant 1 : i32
    %scan3A_125 = scf.for %scan3A_206 = %scan3A_121 to %scan3A_123 step %scan3A_124 iter_args(%scan3A_207 = %scan3A_120) -> (i32)  : i32 {
      %mul3A_208 = arith.constant 16 : i32
      %mul3A_209 = arith.muli %scan3A_206, %mul3A_208 : i32
      %get3A = arith.index_cast %mul3A_209 : i32 to index
      %get3A_210 = tpu.vector_load %arg6[%get3A] {strides = array<i32>} : memref<640xf32, #tpu.memory_space<vmem>>, vector<16xf32>,
      %mul3A_211 = arith.constant 16 : i32
      %mul3A_212 = arith.muli %scan3A_206, %mul3A_211 : i32
      %get3A_213 = arith.index_cast %mul3A_212 : i32 to index
      %get3A_214 = tpu.vector_load %arg7[%get3A_213] {strides = array<i32>} : memref<640xf32, #tpu.memory_space<vmem>>, vector<16xf32>,
      %add3A_215 = arith.addf %get3A_210, %get3A_214 : vector<16xf32>
      %mul3A_216 = arith.constant 16 : i32
      %mul3A_217 = arith.muli %scan3A_206, %mul3A_216 : i32
      %swap3A = arith.index_cast %mul3A_217 : i32 to index
      %swap3A_218 = tpu.vector_load %arg6[%swap3A] {strides = array<i32>} : memref<640xf32, #tpu.memory_space<vmem>>, vector<16xf32>,
      tpu.vector_store %arg6[%swap3A], %add3A_215 {strides = array<i32>} : memref<640xf32, #tpu.memory_space<vmem>>, vector<16xf32>,
      %scan3A_219 = arith.constant 0 : i32
      scf.yield %scan3A_219 : i32
    }
    %scan3A_126 = arith.constant 40 : i32
    %mul3A_127 = arith.constant 640 : i32
    %mul3A_128 = arith.muli %arg1, %mul3A_127 : i32
    %add3A_129 = arith.constant 92160 : i32
    %add3A_130 = arith.addi %add3A_129, %mul3A_128 : i32
    "tpu.region"() ({
      %run_scoped3A = tpu.sem_alloc : memref<!tpu.dma_semaphore, #tpu.memory_space<semaphore_mem>>
      %dma_start3A = tpu.memref_slice %arg8[%add3A_130] : memref<163840xf32, #tpu.memory_space<vmem_shared>> -> memref<640xf32, #tpu.memory_space<vmem_shared>>
      %dma_start3A_206 = tpu.memref_slice %arg8[%add3A_130] : memref<163840xf32, #tpu.memory_space<vmem_shared>> -> memref<640xf32, #tpu.memory_space<vmem_shared>>
      tpu.enqueue_dma source(%dma_start3A_206 : memref<640xf32, #tpu.memory_space<vmem_shared>>) target(%arg7 : memref<640xf32, #tpu.memory_space<vmem>>) target_semaphore(%run_scoped3A : memref<!tpu.dma_semaphore, #tpu.memory_space<semaphore_mem>>)
      %dma_wait3A = tpu.memref_slice %arg8[%add3A_130] : memref<163840xf32, #tpu.memory_space<vmem_shared>> -> memref<640xf32, #tpu.memory_space<vmem_shared>>
      %dma_wait3A_207 = tpu.memref_slice %arg8[%add3A_130] : memref<163840xf32, #tpu.memory_space<vmem_shared>> -> memref<640xf32, #tpu.memory_space<vmem_shared>>
      tpu.wait_dma2 semaphore(%run_scoped3A : memref<!tpu.dma_semaphore, #tpu.memory_space<semaphore_mem>>) src(%dma_wait3A_207 : memref<640xf32, #tpu.memory_space<vmem_shared>>) dst(%arg7 : memref<640xf32, #tpu.memory_space<vmem>>)
      tpu.yield
    }) : () -> ()
    %scan3A_131 = arith.constant 0 : i32
    %scan3A_132 = arith.constant 0 : i32
    %scan3A_133 = arith.constant 40 : i32
    %scan3A_134 = arith.addi %scan3A_132, %scan3A_133 : i32
    %scan3A_135 = arith.constant 1 : i32
    %scan3A_136 = scf.for %scan3A_206 = %scan3A_132 to %scan3A_134 step %scan3A_135 iter_args(%scan3A_207 = %scan3A_131) -> (i32)  : i32 {
      %mul3A_208 = arith.constant 16 : i32
      %mul3A_209 = arith.muli %scan3A_206, %mul3A_208 : i32
      %get3A = arith.index_cast %mul3A_209 : i32 to index
      %get3A_210 = tpu.vector_load %arg6[%get3A] {strides = array<i32>} : memref<640xf32, #tpu.memory_space<vmem>>, vector<16xf32>,
      %mul3A_211 = arith.constant 16 : i32
      %mul3A_212 = arith.muli %scan3A_206, %mul3A_211 : i32
      %get3A_213 = arith.index_cast %mul3A_212 : i32 to index
      %get3A_214 = tpu.vector_load %arg7[%get3A_213] {strides = array<i32>} : memref<640xf32, #tpu.memory_space<vmem>>, vector<16xf32>,
      %add3A_215 = arith.addf %get3A_210, %get3A_214 : vector<16xf32>
      %mul3A_216 = arith.constant 16 : i32
      %mul3A_217 = arith.muli %scan3A_206, %mul3A_216 : i32
      %swap3A = arith.index_cast %mul3A_217 : i32 to index
      %swap3A_218 = tpu.vector_load %arg6[%swap3A] {strides = array<i32>} : memref<640xf32, #tpu.memory_space<vmem>>, vector<16xf32>,
      tpu.vector_store %arg6[%swap3A], %add3A_215 {strides = array<i32>} : memref<640xf32, #tpu.memory_space<vmem>>, vector<16xf32>,
      %scan3A_219 = arith.constant 0 : i32
      scf.yield %scan3A_219 : i32
    }
    %scan3A_137 = arith.constant 40 : i32
    %mul3A_138 = arith.constant 640 : i32
    %mul3A_139 = arith.muli %arg1, %mul3A_138 : i32
    %add3A_140 = arith.constant 102400 : i32
    %add3A_141 = arith.addi %add3A_140, %mul3A_139 : i32
    "tpu.region"() ({
      %run_scoped3A = tpu.sem_alloc : memref<!tpu.dma_semaphore, #tpu.memory_space<semaphore_mem>>
      %dma_start3A = tpu.memref_slice %arg8[%add3A_141] : memref<163840xf32, #tpu.memory_space<vmem_shared>> -> memref<640xf32, #tpu.memory_space<vmem_shared>>
      %dma_start3A_206 = tpu.memref_slice %arg8[%add3A_141] : memref<163840xf32, #tpu.memory_space<vmem_shared>> -> memref<640xf32, #tpu.memory_space<vmem_shared>>
      tpu.enqueue_dma source(%dma_start3A_206 : memref<640xf32, #tpu.memory_space<vmem_shared>>) target(%arg7 : memref<640xf32, #tpu.memory_space<vmem>>) target_semaphore(%run_scoped3A : memref<!tpu.dma_semaphore, #tpu.memory_space<semaphore_mem>>)
      %dma_wait3A = tpu.memref_slice %arg8[%add3A_141] : memref<163840xf32, #tpu.memory_space<vmem_shared>> -> memref<640xf32, #tpu.memory_space<vmem_shared>>
      %dma_wait3A_207 = tpu.memref_slice %arg8[%add3A_141] : memref<163840xf32, #tpu.memory_space<vmem_shared>> -> memref<640xf32, #tpu.memory_space<vmem_shared>>
      tpu.wait_dma2 semaphore(%run_scoped3A : memref<!tpu.dma_semaphore, #tpu.memory_space<semaphore_mem>>) src(%dma_wait3A_207 : memref<640xf32, #tpu.memory_space<vmem_shared>>) dst(%arg7 : memref<640xf32, #tpu.memory_space<vmem>>)
      tpu.yield
    }) : () -> ()
    %scan3A_142 = arith.constant 0 : i32
    %scan3A_143 = arith.constant 0 : i32
    %scan3A_144 = arith.constant 40 : i32
    %scan3A_145 = arith.addi %scan3A_143, %scan3A_144 : i32
    %scan3A_146 = arith.constant 1 : i32
    %scan3A_147 = scf.for %scan3A_206 = %scan3A_143 to %scan3A_145 step %scan3A_146 iter_args(%scan3A_207 = %scan3A_142) -> (i32)  : i32 {
      %mul3A_208 = arith.constant 16 : i32
      %mul3A_209 = arith.muli %scan3A_206, %mul3A_208 : i32
      %get3A = arith.index_cast %mul3A_209 : i32 to index
      %get3A_210 = tpu.vector_load %arg6[%get3A] {strides = array<i32>} : memref<640xf32, #tpu.memory_space<vmem>>, vector<16xf32>,
      %mul3A_211 = arith.constant 16 : i32
      %mul3A_212 = arith.muli %scan3A_206, %mul3A_211 : i32
      %get3A_213 = arith.index_cast %mul3A_212 : i32 to index
      %get3A_214 = tpu.vector_load %arg7[%get3A_213] {strides = array<i32>} : memref<640xf32, #tpu.memory_space<vmem>>, vector<16xf32>,
      %add3A_215 = arith.addf %get3A_210, %get3A_214 : vector<16xf32>
      %mul3A_216 = arith.constant 16 : i32
      %mul3A_217 = arith.muli %scan3A_206, %mul3A_216 : i32
      %swap3A = arith.index_cast %mul3A_217 : i32 to index
      %swap3A_218 = tpu.vector_load %arg6[%swap3A] {strides = array<i32>} : memref<640xf32, #tpu.memory_space<vmem>>, vector<16xf32>,
      tpu.vector_store %arg6[%swap3A], %add3A_215 {strides = array<i32>} : memref<640xf32, #tpu.memory_space<vmem>>, vector<16xf32>,
      %scan3A_219 = arith.constant 0 : i32
      scf.yield %scan3A_219 : i32
    }
    %scan3A_148 = arith.constant 40 : i32
    %mul3A_149 = arith.constant 640 : i32
    %mul3A_150 = arith.muli %arg1, %mul3A_149 : i32
    %add3A_151 = arith.constant 112640 : i32
    %add3A_152 = arith.addi %add3A_151, %mul3A_150 : i32
    "tpu.region"() ({
      %run_scoped3A = tpu.sem_alloc : memref<!tpu.dma_semaphore, #tpu.memory_space<semaphore_mem>>
      %dma_start3A = tpu.memref_slice %arg8[%add3A_152] : memref<163840xf32, #tpu.memory_space<vmem_shared>> -> memref<640xf32, #tpu.memory_space<vmem_shared>>
      %dma_start3A_206 = tpu.memref_slice %arg8[%add3A_152] : memref<163840xf32, #tpu.memory_space<vmem_shared>> -> memref<640xf32, #tpu.memory_space<vmem_shared>>
      tpu.enqueue_dma source(%dma_start3A_206 : memref<640xf32, #tpu.memory_space<vmem_shared>>) target(%arg7 : memref<640xf32, #tpu.memory_space<vmem>>) target_semaphore(%run_scoped3A : memref<!tpu.dma_semaphore, #tpu.memory_space<semaphore_mem>>)
      %dma_wait3A = tpu.memref_slice %arg8[%add3A_152] : memref<163840xf32, #tpu.memory_space<vmem_shared>> -> memref<640xf32, #tpu.memory_space<vmem_shared>>
      %dma_wait3A_207 = tpu.memref_slice %arg8[%add3A_152] : memref<163840xf32, #tpu.memory_space<vmem_shared>> -> memref<640xf32, #tpu.memory_space<vmem_shared>>
      tpu.wait_dma2 semaphore(%run_scoped3A : memref<!tpu.dma_semaphore, #tpu.memory_space<semaphore_mem>>) src(%dma_wait3A_207 : memref<640xf32, #tpu.memory_space<vmem_shared>>) dst(%arg7 : memref<640xf32, #tpu.memory_space<vmem>>)
      tpu.yield
    }) : () -> ()
    %scan3A_153 = arith.constant 0 : i32
    %scan3A_154 = arith.constant 0 : i32
    %scan3A_155 = arith.constant 40 : i32
    %scan3A_156 = arith.addi %scan3A_154, %scan3A_155 : i32
    %scan3A_157 = arith.constant 1 : i32
    %scan3A_158 = scf.for %scan3A_206 = %scan3A_154 to %scan3A_156 step %scan3A_157 iter_args(%scan3A_207 = %scan3A_153) -> (i32)  : i32 {
      %mul3A_208 = arith.constant 16 : i32
      %mul3A_209 = arith.muli %scan3A_206, %mul3A_208 : i32
      %get3A = arith.index_cast %mul3A_209 : i32 to index
      %get3A_210 = tpu.vector_load %arg6[%get3A] {strides = array<i32>} : memref<640xf32, #tpu.memory_space<vmem>>, vector<16xf32>,
      %mul3A_211 = arith.constant 16 : i32
      %mul3A_212 = arith.muli %scan3A_206, %mul3A_211 : i32
      %get3A_213 = arith.index_cast %mul3A_212 : i32 to index
      %get3A_214 = tpu.vector_load %arg7[%get3A_213] {strides = array<i32>} : memref<640xf32, #tpu.memory_space<vmem>>, vector<16xf32>,
      %add3A_215 = arith.addf %get3A_210, %get3A_214 : vector<16xf32>
      %mul3A_216 = arith.constant 16 : i32
      %mul3A_217 = arith.muli %scan3A_206, %mul3A_216 : i32
      %swap3A = arith.index_cast %mul3A_217 : i32 to index
      %swap3A_218 = tpu.vector_load %arg6[%swap3A] {strides = array<i32>} : memref<640xf32, #tpu.memory_space<vmem>>, vector<16xf32>,
      tpu.vector_store %arg6[%swap3A], %add3A_215 {strides = array<i32>} : memref<640xf32, #tpu.memory_space<vmem>>, vector<16xf32>,
      %scan3A_219 = arith.constant 0 : i32
      scf.yield %scan3A_219 : i32
    }
    %scan3A_159 = arith.constant 40 : i32
    %mul3A_160 = arith.constant 640 : i32
    %mul3A_161 = arith.muli %arg1, %mul3A_160 : i32
    %add3A_162 = arith.constant 122880 : i32
    %add3A_163 = arith.addi %add3A_162, %mul3A_161 : i32
    "tpu.region"() ({
      %run_scoped3A = tpu.sem_alloc : memref<!tpu.dma_semaphore, #tpu.memory_space<semaphore_mem>>
      %dma_start3A = tpu.memref_slice %arg8[%add3A_163] : memref<163840xf32, #tpu.memory_space<vmem_shared>> -> memref<640xf32, #tpu.memory_space<vmem_shared>>
      %dma_start3A_206 = tpu.memref_slice %arg8[%add3A_163] : memref<163840xf32, #tpu.memory_space<vmem_shared>> -> memref<640xf32, #tpu.memory_space<vmem_shared>>
      tpu.enqueue_dma source(%dma_start3A_206 : memref<640xf32, #tpu.memory_space<vmem_shared>>) target(%arg7 : memref<640xf32, #tpu.memory_space<vmem>>) target_semaphore(%run_scoped3A : memref<!tpu.dma_semaphore, #tpu.memory_space<semaphore_mem>>)
      %dma_wait3A = tpu.memref_slice %arg8[%add3A_163] : memref<163840xf32, #tpu.memory_space<vmem_shared>> -> memref<640xf32, #tpu.memory_space<vmem_shared>>
      %dma_wait3A_207 = tpu.memref_slice %arg8[%add3A_163] : memref<163840xf32, #tpu.memory_space<vmem_shared>> -> memref<640xf32, #tpu.memory_space<vmem_shared>>
      tpu.wait_dma2 semaphore(%run_scoped3A : memref<!tpu.dma_semaphore, #tpu.memory_space<semaphore_mem>>) src(%dma_wait3A_207 : memref<640xf32, #tpu.memory_space<vmem_shared>>) dst(%arg7 : memref<640xf32, #tpu.memory_space<vmem>>)
      tpu.yield
    }) : () -> ()
    %scan3A_164 = arith.constant 0 : i32
    %scan3A_165 = arith.constant 0 : i32
    %scan3A_166 = arith.constant 40 : i32
    %scan3A_167 = arith.addi %scan3A_165, %scan3A_166 : i32
    %scan3A_168 = arith.constant 1 : i32
    %scan3A_169 = scf.for %scan3A_206 = %scan3A_165 to %scan3A_167 step %scan3A_168 iter_args(%scan3A_207 = %scan3A_164) -> (i32)  : i32 {
      %mul3A_208 = arith.constant 16 : i32
      %mul3A_209 = arith.muli %scan3A_206, %mul3A_208 : i32
      %get3A = arith.index_cast %mul3A_209 : i32 to index
      %get3A_210 = tpu.vector_load %arg6[%get3A] {strides = array<i32>} : memref<640xf32, #tpu.memory_space<vmem>>, vector<16xf32>,
      %mul3A_211 = arith.constant 16 : i32
      %mul3A_212 = arith.muli %scan3A_206, %mul3A_211 : i32
      %get3A_213 = arith.index_cast %mul3A_212 : i32 to index
      %get3A_214 = tpu.vector_load %arg7[%get3A_213] {strides = array<i32>} : memref<640xf32, #tpu.memory_space<vmem>>, vector<16xf32>,
      %add3A_215 = arith.addf %get3A_210, %get3A_214 : vector<16xf32>
      %mul3A_216 = arith.constant 16 : i32
      %mul3A_217 = arith.muli %scan3A_206, %mul3A_216 : i32
      %swap3A = arith.index_cast %mul3A_217 : i32 to index
      %swap3A_218 = tpu.vector_load %arg6[%swap3A] {strides = array<i32>} : memref<640xf32, #tpu.memory_space<vmem>>, vector<16xf32>,
      tpu.vector_store %arg6[%swap3A], %add3A_215 {strides = array<i32>} : memref<640xf32, #tpu.memory_space<vmem>>, vector<16xf32>,
      %scan3A_219 = arith.constant 0 : i32
      scf.yield %scan3A_219 : i32
    }
    %scan3A_170 = arith.constant 40 : i32
    %mul3A_171 = arith.constant 640 : i32
    %mul3A_172 = arith.muli %arg1, %mul3A_171 : i32
    %add3A_173 = arith.constant 133120 : i32
    %add3A_174 = arith.addi %add3A_173, %mul3A_172 : i32
    "tpu.region"() ({
      %run_scoped3A = tpu.sem_alloc : memref<!tpu.dma_semaphore, #tpu.memory_space<semaphore_mem>>
      %dma_start3A = tpu.memref_slice %arg8[%add3A_174] : memref<163840xf32, #tpu.memory_space<vmem_shared>> -> memref<640xf32, #tpu.memory_space<vmem_shared>>
      %dma_start3A_206 = tpu.memref_slice %arg8[%add3A_174] : memref<163840xf32, #tpu.memory_space<vmem_shared>> -> memref<640xf32, #tpu.memory_space<vmem_shared>>
      tpu.enqueue_dma source(%dma_start3A_206 : memref<640xf32, #tpu.memory_space<vmem_shared>>) target(%arg7 : memref<640xf32, #tpu.memory_space<vmem>>) target_semaphore(%run_scoped3A : memref<!tpu.dma_semaphore, #tpu.memory_space<semaphore_mem>>)
      %dma_wait3A = tpu.memref_slice %arg8[%add3A_174] : memref<163840xf32, #tpu.memory_space<vmem_shared>> -> memref<640xf32, #tpu.memory_space<vmem_shared>>
      %dma_wait3A_207 = tpu.memref_slice %arg8[%add3A_174] : memref<163840xf32, #tpu.memory_space<vmem_shared>> -> memref<640xf32, #tpu.memory_space<vmem_shared>>
      tpu.wait_dma2 semaphore(%run_scoped3A : memref<!tpu.dma_semaphore, #tpu.memory_space<semaphore_mem>>) src(%dma_wait3A_207 : memref<640xf32, #tpu.memory_space<vmem_shared>>) dst(%arg7 : memref<640xf32, #tpu.memory_space<vmem>>)
      tpu.yield
    }) : () -> ()
    %scan3A_175 = arith.constant 0 : i32
    %scan3A_176 = arith.constant 0 : i32
    %scan3A_177 = arith.constant 40 : i32
    %scan3A_178 = arith.addi %scan3A_176, %scan3A_177 : i32
    %scan3A_179 = arith.constant 1 : i32
    %scan3A_180 = scf.for %scan3A_206 = %scan3A_176 to %scan3A_178 step %scan3A_179 iter_args(%scan3A_207 = %scan3A_175) -> (i32)  : i32 {
      %mul3A_208 = arith.constant 16 : i32
      %mul3A_209 = arith.muli %scan3A_206, %mul3A_208 : i32
      %get3A = arith.index_cast %mul3A_209 : i32 to index
      %get3A_210 = tpu.vector_load %arg6[%get3A] {strides = array<i32>} : memref<640xf32, #tpu.memory_space<vmem>>, vector<16xf32>,
      %mul3A_211 = arith.constant 16 : i32
      %mul3A_212 = arith.muli %scan3A_206, %mul3A_211 : i32
      %get3A_213 = arith.index_cast %mul3A_212 : i32 to index
      %get3A_214 = tpu.vector_load %arg7[%get3A_213] {strides = array<i32>} : memref<640xf32, #tpu.memory_space<vmem>>, vector<16xf32>,
      %add3A_215 = arith.addf %get3A_210, %get3A_214 : vector<16xf32>
      %mul3A_216 = arith.constant 16 : i32
      %mul3A_217 = arith.muli %scan3A_206, %mul3A_216 : i32
      %swap3A = arith.index_cast %mul3A_217 : i32 to index
      %swap3A_218 = tpu.vector_load %arg6[%swap3A] {strides = array<i32>} : memref<640xf32, #tpu.memory_space<vmem>>, vector<16xf32>,
      tpu.vector_store %arg6[%swap3A], %add3A_215 {strides = array<i32>} : memref<640xf32, #tpu.memory_space<vmem>>, vector<16xf32>,
      %scan3A_219 = arith.constant 0 : i32
      scf.yield %scan3A_219 : i32
    }
    %scan3A_181 = arith.constant 40 : i32
    %mul3A_182 = arith.constant 640 : i32
    %mul3A_183 = arith.muli %arg1, %mul3A_182 : i32
    %add3A_184 = arith.constant 143360 : i32
    %add3A_185 = arith.addi %add3A_184, %mul3A_183 : i32
    "tpu.region"() ({
      %run_scoped3A = tpu.sem_alloc : memref<!tpu.dma_semaphore, #tpu.memory_space<semaphore_mem>>
      %dma_start3A = tpu.memref_slice %arg8[%add3A_185] : memref<163840xf32, #tpu.memory_space<vmem_shared>> -> memref<640xf32, #tpu.memory_space<vmem_shared>>
      %dma_start3A_206 = tpu.memref_slice %arg8[%add3A_185] : memref<163840xf32, #tpu.memory_space<vmem_shared>> -> memref<640xf32, #tpu.memory_space<vmem_shared>>
      tpu.enqueue_dma source(%dma_start3A_206 : memref<640xf32, #tpu.memory_space<vmem_shared>>) target(%arg7 : memref<640xf32, #tpu.memory_space<vmem>>) target_semaphore(%run_scoped3A : memref<!tpu.dma_semaphore, #tpu.memory_space<semaphore_mem>>)
      %dma_wait3A = tpu.memref_slice %arg8[%add3A_185] : memref<163840xf32, #tpu.memory_space<vmem_shared>> -> memref<640xf32, #tpu.memory_space<vmem_shared>>
      %dma_wait3A_207 = tpu.memref_slice %arg8[%add3A_185] : memref<163840xf32, #tpu.memory_space<vmem_shared>> -> memref<640xf32, #tpu.memory_space<vmem_shared>>
      tpu.wait_dma2 semaphore(%run_scoped3A : memref<!tpu.dma_semaphore, #tpu.memory_space<semaphore_mem>>) src(%dma_wait3A_207 : memref<640xf32, #tpu.memory_space<vmem_shared>>) dst(%arg7 : memref<640xf32, #tpu.memory_space<vmem>>)
      tpu.yield
    }) : () -> ()
    %scan3A_186 = arith.constant 0 : i32
    %scan3A_187 = arith.constant 0 : i32
    %scan3A_188 = arith.constant 40 : i32
    %scan3A_189 = arith.addi %scan3A_187, %scan3A_188 : i32
    %scan3A_190 = arith.constant 1 : i32
    %scan3A_191 = scf.for %scan3A_206 = %scan3A_187 to %scan3A_189 step %scan3A_190 iter_args(%scan3A_207 = %scan3A_186) -> (i32)  : i32 {
      %mul3A_208 = arith.constant 16 : i32
      %mul3A_209 = arith.muli %scan3A_206, %mul3A_208 : i32
      %get3A = arith.index_cast %mul3A_209 : i32 to index
      %get3A_210 = tpu.vector_load %arg6[%get3A] {strides = array<i32>} : memref<640xf32, #tpu.memory_space<vmem>>, vector<16xf32>,
      %mul3A_211 = arith.constant 16 : i32
      %mul3A_212 = arith.muli %scan3A_206, %mul3A_211 : i32
      %get3A_213 = arith.index_cast %mul3A_212 : i32 to index
      %get3A_214 = tpu.vector_load %arg7[%get3A_213] {strides = array<i32>} : memref<640xf32, #tpu.memory_space<vmem>>, vector<16xf32>,
      %add3A_215 = arith.addf %get3A_210, %get3A_214 : vector<16xf32>
      %mul3A_216 = arith.constant 16 : i32
      %mul3A_217 = arith.muli %scan3A_206, %mul3A_216 : i32
      %swap3A = arith.index_cast %mul3A_217 : i32 to index
      %swap3A_218 = tpu.vector_load %arg6[%swap3A] {strides = array<i32>} : memref<640xf32, #tpu.memory_space<vmem>>, vector<16xf32>,
      tpu.vector_store %arg6[%swap3A], %add3A_215 {strides = array<i32>} : memref<640xf32, #tpu.memory_space<vmem>>, vector<16xf32>,
      %scan3A_219 = arith.constant 0 : i32
      scf.yield %scan3A_219 : i32
    }
    %scan3A_192 = arith.constant 40 : i32
    %mul3A_193 = arith.constant 640 : i32
    %mul3A_194 = arith.muli %arg1, %mul3A_193 : i32
    %add3A_195 = arith.constant 153600 : i32
    %add3A_196 = arith.addi %add3A_195, %mul3A_194 : i32
    "tpu.region"() ({
      %run_scoped3A = tpu.sem_alloc : memref<!tpu.dma_semaphore, #tpu.memory_space<semaphore_mem>>
      %dma_start3A = tpu.memref_slice %arg8[%add3A_196] : memref<163840xf32, #tpu.memory_space<vmem_shared>> -> memref<640xf32, #tpu.memory_space<vmem_shared>>
      %dma_start3A_206 = tpu.memref_slice %arg8[%add3A_196] : memref<163840xf32, #tpu.memory_space<vmem_shared>> -> memref<640xf32, #tpu.memory_space<vmem_shared>>
      tpu.enqueue_dma source(%dma_start3A_206 : memref<640xf32, #tpu.memory_space<vmem_shared>>) target(%arg7 : memref<640xf32, #tpu.memory_space<vmem>>) target_semaphore(%run_scoped3A : memref<!tpu.dma_semaphore, #tpu.memory_space<semaphore_mem>>)
      %dma_wait3A = tpu.memref_slice %arg8[%add3A_196] : memref<163840xf32, #tpu.memory_space<vmem_shared>> -> memref<640xf32, #tpu.memory_space<vmem_shared>>
      %dma_wait3A_207 = tpu.memref_slice %arg8[%add3A_196] : memref<163840xf32, #tpu.memory_space<vmem_shared>> -> memref<640xf32, #tpu.memory_space<vmem_shared>>
      tpu.wait_dma2 semaphore(%run_scoped3A : memref<!tpu.dma_semaphore, #tpu.memory_space<semaphore_mem>>) src(%dma_wait3A_207 : memref<640xf32, #tpu.memory_space<vmem_shared>>) dst(%arg7 : memref<640xf32, #tpu.memory_space<vmem>>)
      tpu.yield
    }) : () -> ()
    %scan3A_197 = arith.constant 0 : i32
    %scan3A_198 = arith.constant 0 : i32
    %scan3A_199 = arith.constant 40 : i32
    %scan3A_200 = arith.addi %scan3A_198, %scan3A_199 : i32
    %scan3A_201 = arith.constant 1 : i32
    %scan3A_202 = scf.for %scan3A_206 = %scan3A_198 to %scan3A_200 step %scan3A_201 iter_args(%scan3A_207 = %scan3A_197) -> (i32)  : i32 {
      %mul3A_208 = arith.constant 16 : i32
      %mul3A_209 = arith.muli %scan3A_206, %mul3A_208 : i32
      %get3A = arith.index_cast %mul3A_209 : i32 to index
      %get3A_210 = tpu.vector_load %arg6[%get3A] {strides = array<i32>} : memref<640xf32, #tpu.memory_space<vmem>>, vector<16xf32>,
      %mul3A_211 = arith.constant 16 : i32
      %mul3A_212 = arith.muli %scan3A_206, %mul3A_211 : i32
      %get3A_213 = arith.index_cast %mul3A_212 : i32 to index
      %get3A_214 = tpu.vector_load %arg7[%get3A_213] {strides = array<i32>} : memref<640xf32, #tpu.memory_space<vmem>>, vector<16xf32>,
      %add3A_215 = arith.addf %get3A_210, %get3A_214 : vector<16xf32>
      %mul3A_216 = arith.constant 16 : i32
      %mul3A_217 = arith.muli %scan3A_206, %mul3A_216 : i32
      %swap3A = arith.index_cast %mul3A_217 : i32 to index
      %swap3A_218 = tpu.vector_load %arg6[%swap3A] {strides = array<i32>} : memref<640xf32, #tpu.memory_space<vmem>>, vector<16xf32>,
      tpu.vector_store %arg6[%swap3A], %add3A_215 {strides = array<i32>} : memref<640xf32, #tpu.memory_space<vmem>>, vector<16xf32>,
      %scan3A_219 = arith.constant 0 : i32
      scf.yield %scan3A_219 : i32
    }
    %scan3A_203 = arith.constant 40 : i32
    %mul3A_204 = arith.constant 640 : i32
    %mul3A_205 = arith.muli %arg1, %mul3A_204 : i32
    "tpu.region"() ({
      %run_scoped3A = tpu.sem_alloc : memref<!tpu.dma_semaphore, #tpu.memory_space<semaphore_mem>>
      %dma_start3A = arith.constant 0 : i32
      %dma_start3A_206 = tpu.memref_slice %arg3[%arg0, %dma_start3A] : memref<2x10240xf32, #tpu.memory_space<hbm>> -> memref<1x10240xf32, #tpu.memory_space<hbm>>
      %dma_start3A_207 = tpu.memref_squeeze %dma_start3A_206 : memref<1x10240xf32, #tpu.memory_space<hbm>> -> memref<10240xf32, #tpu.memory_space<hbm>>
      %dma_start3A_208 = tpu.memref_slice %dma_start3A_207[%mul3A_205] : memref<10240xf32, #tpu.memory_space<hbm>> -> memref<640xf32, #tpu.memory_space<hbm>>
      %dma_start3A_209 = arith.constant 0 : i32
      %dma_start3A_210 = tpu.memref_slice %arg3[%arg0, %dma_start3A_209] : memref<2x10240xf32, #tpu.memory_space<hbm>> -> memref<1x10240xf32, #tpu.memory_space<hbm>>
      %dma_start3A_211 = tpu.memref_squeeze %dma_start3A_210 : memref<1x10240xf32, #tpu.memory_space<hbm>> -> memref<10240xf32, #tpu.memory_space<hbm>>
      %dma_start3A_212 = tpu.memref_slice %dma_start3A_211[%mul3A_205] : memref<10240xf32, #tpu.memory_space<hbm>> -> memref<640xf32, #tpu.memory_space<hbm>>
      tpu.enqueue_dma source(%arg6 : memref<640xf32, #tpu.memory_space<vmem>>) target(%dma_start3A_212 : memref<640xf32, #tpu.memory_space<hbm>>) target_semaphore(%run_scoped3A : memref<!tpu.dma_semaphore, #tpu.memory_space<semaphore_mem>>)
      %dma_wait3A = arith.constant 0 : i32
      %dma_wait3A_213 = tpu.memref_slice %arg3[%arg0, %dma_wait3A] : memref<2x10240xf32, #tpu.memory_space<hbm>> -> memref<1x10240xf32, #tpu.memory_space<hbm>>
      %dma_wait3A_214 = tpu.memref_squeeze %dma_wait3A_213 : memref<1x10240xf32, #tpu.memory_space<hbm>> -> memref<10240xf32, #tpu.memory_space<hbm>>
      %dma_wait3A_215 = tpu.memref_slice %dma_wait3A_214[%mul3A_205] : memref<10240xf32, #tpu.memory_space<hbm>> -> memref<640xf32, #tpu.memory_space<hbm>>
      %dma_wait3A_216 = arith.constant 0 : i32
      %dma_wait3A_217 = tpu.memref_slice %arg3[%arg0, %dma_wait3A_216] : memref<2x10240xf32, #tpu.memory_space<hbm>> -> memref<1x10240xf32, #tpu.memory_space<hbm>>
      %dma_wait3A_218 = tpu.memref_squeeze %dma_wait3A_217 : memref<1x10240xf32, #tpu.memory_space<hbm>> -> memref<10240xf32, #tpu.memory_space<hbm>>
      %dma_wait3A_219 = tpu.memref_slice %dma_wait3A_218[%mul3A_205] : memref<10240xf32, #tpu.memory_space<hbm>> -> memref<640xf32, #tpu.memory_space<hbm>>
      tpu.wait_dma2 semaphore(%run_scoped3A : memref<!tpu.dma_semaphore, #tpu.memory_space<semaphore_mem>>) src(%arg6 : memref<640xf32, #tpu.memory_space<vmem>>) dst(%dma_wait3A_219 : memref<640xf32, #tpu.memory_space<hbm>>)
      tpu.yield
    }) : () -> ()
    return
  }
}

module attributes {stable_mosaic.version = 14 : i64} {
  func.func @_tc_mid_body(%arg0: memref<2x10240x128xf32, #tpu.memory_space<vmem>>, %arg1: memref<10000x128xf32, #tpu.memory_space<vmem>>, %arg2: memref<10000x1xf32, #tpu.memory_space<vmem>>, %arg3: memref<128xf32, #tpu.memory_space<vmem>>, %arg4: memref<128xf32, #tpu.memory_space<vmem>>, %arg5: memref<128xf32, #tpu.memory_space<vmem>>, %arg6: memref<128x128xf32, #tpu.memory_space<vmem>>, %arg7: memref<10000x128xf32, #tpu.memory_space<vmem>>, %arg8: memref<10000x128xf32, #tpu.memory_space<vmem>>) attributes {dimension_semantics = [], scalar_prefetch = 0 : i64, scratch_operands = 0 : i64, tpu.core_type = #tpu.core_type<tc>} {
    %get3A = arith.constant 0 : index
    %get3A_0 = arith.constant 0 : index
    %get3A_1 = vector.load %arg2[%get3A, %get3A_0] : memref<10000x1xf32, #tpu.memory_space<vmem>>, vector<10000x1xf32>
    %get3A_2 = arith.constant 0 : index
    %get3A_3 = arith.constant 0 : index
    %get3A_4 = arith.constant 0 : index
    %get3A_5 = vector.load %arg0[%get3A_2, %get3A_3, %get3A_4] : memref<2x10240x128xf32, #tpu.memory_space<vmem>>, vector<1x10000x128xf32>
    %get3A_6 = vector.shape_cast %get3A_5 : vector<1x10000x128xf32> to vector<10000x128xf32>
    %get3A_7 = arith.constant 1 : index
    %get3A_8 = arith.constant 0 : index
    %get3A_9 = arith.constant 0 : index
    %get3A_10 = vector.load %arg0[%get3A_7, %get3A_8, %get3A_9] : memref<2x10240x128xf32, #tpu.memory_space<vmem>>, vector<1x10000x128xf32>
    %get3A_11 = vector.shape_cast %get3A_10 : vector<1x10000x128xf32> to vector<10000x128xf32>
    %add3A = arith.addf %get3A_6, %get3A_11 : vector<10000x128xf32>
    %get3A_12 = arith.constant 0 : index
    %get3A_13 = arith.constant 0 : index
    %get3A_14 = vector.load %arg1[%get3A_12, %get3A_13] : memref<10000x128xf32, #tpu.memory_space<vmem>>, vector<10000x128xf32>
    %add3A_15 = arith.addf %add3A, %get3A_14 : vector<10000x128xf32>
    %mul3A = vector.broadcast %get3A_1 : vector<10000x1xf32> to vector<10000x128xf32>
    %mul3A_16 = arith.mulf %add3A_15, %mul3A : vector<10000x128xf32>
    %get3A_17 = arith.constant 0 : index
    %get3A_18 = vector.load %arg3[%get3A_17] : memref<128xf32, #tpu.memory_space<vmem>>, vector<128xf32>
    %broadcast_in_dim3A = vector.shape_cast %get3A_18 : vector<128xf32> to vector<1x128xf32>
    %add3A_19 = vector.broadcast %broadcast_in_dim3A : vector<1x128xf32> to vector<10000x128xf32>
    %add3A_20 = arith.addf %mul3A_16, %add3A_19 : vector<10000x128xf32>
    %get3A_21 = arith.constant 0 : index
    %get3A_22 = vector.load %arg4[%get3A_21] : memref<128xf32, #tpu.memory_space<vmem>>, vector<128xf32>
    %get3A_23 = arith.constant 0 : index
    %get3A_24 = vector.load %arg5[%get3A_23] : memref<128xf32, #tpu.memory_space<vmem>>, vector<128xf32>
    %reduce_sum3A = arith.constant dense<0.000000e+00> : vector<128xf32>
    %reduce_sum3A_25 = vector.multi_reduction <add>, %add3A_20, %reduce_sum3A [0] : vector<10000x128xf32> to vector<128xf32>
    %div3A = arith.constant 1.000000e+04 : f32
    %div3A_26 = vector.broadcast %div3A : f32 to vector<128xf32>
    %div3A_27 = arith.divf %reduce_sum3A_25, %div3A_26 : vector<128xf32>
    %broadcast_in_dim3A_28 = vector.shape_cast %div3A_27 : vector<128xf32> to vector<1x128xf32>
    %sub3A = vector.broadcast %broadcast_in_dim3A_28 : vector<1x128xf32> to vector<10000x128xf32>
    %sub3A_29 = arith.subf %add3A_20, %sub3A : vector<10000x128xf32>
    %integer_pow3A = arith.mulf %sub3A_29, %sub3A_29 : vector<10000x128xf32>
    %reduce_sum3A_30 = arith.constant dense<0.000000e+00> : vector<128xf32>
    %reduce_sum3A_31 = vector.multi_reduction <add>, %integer_pow3A, %reduce_sum3A_30 [0] : vector<10000x128xf32> to vector<128xf32>
    %div3A_32 = arith.constant 1.000000e+04 : f32
    %div3A_33 = vector.broadcast %div3A_32 : f32 to vector<128xf32>
    %div3A_34 = arith.divf %reduce_sum3A_31, %div3A_33 : vector<128xf32>
    %broadcast_in_dim3A_35 = vector.shape_cast %div3A_27 : vector<128xf32> to vector<1x128xf32>
    %sub3A_36 = vector.broadcast %broadcast_in_dim3A_35 : vector<1x128xf32> to vector<10000x128xf32>
    %sub3A_37 = arith.subf %add3A_20, %sub3A_36 : vector<10000x128xf32>
    %add3A_38 = arith.constant 9.99999974E-6 : f32
    %add3A_39 = vector.broadcast %add3A_38 : f32 to vector<128xf32>
    %add3A_40 = arith.addf %div3A_34, %add3A_39 : vector<128xf32>
    %rsqrt3A = math.rsqrt %add3A_40 : vector<128xf32>
    %broadcast_in_dim3A_41 = vector.shape_cast %rsqrt3A : vector<128xf32> to vector<1x128xf32>
    %mul3A_42 = vector.broadcast %broadcast_in_dim3A_41 : vector<1x128xf32> to vector<10000x128xf32>
    %mul3A_43 = arith.mulf %sub3A_37, %mul3A_42 : vector<10000x128xf32>
    %broadcast_in_dim3A_44 = vector.shape_cast %get3A_22 : vector<128xf32> to vector<1x128xf32>
    %mul3A_45 = vector.broadcast %broadcast_in_dim3A_44 : vector<1x128xf32> to vector<10000x128xf32>
    %mul3A_46 = arith.mulf %mul3A_43, %mul3A_45 : vector<10000x128xf32>
    %broadcast_in_dim3A_47 = vector.shape_cast %get3A_24 : vector<128xf32> to vector<1x128xf32>
    %add3A_48 = vector.broadcast %broadcast_in_dim3A_47 : vector<1x128xf32> to vector<10000x128xf32>
    %add3A_49 = arith.addf %mul3A_46, %add3A_48 : vector<10000x128xf32>
    %max3A = arith.constant 0.000000e+00 : f32
    %max3A_50 = vector.broadcast %max3A : f32 to vector<10000x128xf32>
    %max3A_51 = arith.maximumf %add3A_49, %max3A_50 : vector<10000x128xf32>
    %swap3A = arith.constant 0 : index
    %swap3A_52 = arith.constant 0 : index
    %swap3A_53 = vector.load %arg7[%swap3A, %swap3A_52] : memref<10000x128xf32, #tpu.memory_space<vmem>>, vector<10000x128xf32>
    tpu.vector_store %arg7[%swap3A, %swap3A_52], %max3A_51 {strides = array<i32>} : memref<10000x128xf32, #tpu.memory_space<vmem>>, vector<10000x128xf32>,
    %get3A_54 = arith.constant 0 : index
    %get3A_55 = arith.constant 0 : index
    %get3A_56 = vector.load %arg6[%get3A_54, %get3A_55] : memref<128x128xf32, #tpu.memory_space<vmem>>, vector<128x128xf32>
    %dot_general3A = arith.constant dense<0.000000e+00> : vector<10000x128xf32>
    %dot_general3A_57 = tpu.matmul %max3A_51, %get3A_56, %dot_general3A {dimension_numbers = #tpu.dot_dimension_numbers<[1], [1], [0], [0], [0, 0, 1, 0], [], []>, transpose_lhs_hint = false} : vector<10000x128xf32>, vector<128x128xf32>, vector<10000x128xf32> -> vector<10000x128xf32>
    %mul3A_58 = vector.broadcast %get3A_1 : vector<10000x1xf32> to vector<10000x128xf32>
    %mul3A_59 = arith.mulf %dot_general3A_57, %mul3A_58 : vector<10000x128xf32>
    %swap3A_60 = arith.constant 0 : index
    %swap3A_61 = arith.constant 0 : index
    %swap3A_62 = vector.load %arg8[%swap3A_60, %swap3A_61] : memref<10000x128xf32, #tpu.memory_space<vmem>>, vector<10000x128xf32>
    tpu.vector_store %arg8[%swap3A_60, %swap3A_61], %mul3A_59 {strides = array<i32>} : memref<10000x128xf32, #tpu.memory_space<vmem>>, vector<10000x128xf32>,
    return
  }
}

module attributes {stable_mosaic.version = 14 : i64} {
  func.func @_tc1_body(%arg0: memref<10000x128xf32, #tpu.memory_space<vmem>>, %arg1: memref<128x128xf32, #tpu.memory_space<vmem>>, %arg2: memref<2x10240x1xf32, #tpu.memory_space<vmem>>, %arg3: memref<10000x128xf32, #tpu.memory_space<vmem>>, %arg4: memref<10000x1xf32, #tpu.memory_space<vmem>>) attributes {dimension_semantics = [], scalar_prefetch = 0 : i64, scratch_operands = 0 : i64, tpu.core_type = #tpu.core_type<tc>} {
    %get3A = arith.constant 0 : index
    %get3A_0 = arith.constant 0 : index
    %get3A_1 = arith.constant 0 : index
    %get3A_2 = vector.load %arg2[%get3A, %get3A_0, %get3A_1] : memref<2x10240x1xf32, #tpu.memory_space<vmem>>, vector<1x10240x1xf32>
    %get3A_3 = vector.shape_cast %get3A_2 : vector<1x10240x1xf32> to vector<10240x1xf32>
    %get3A_4 = arith.constant 1 : index
    %get3A_5 = arith.constant 0 : index
    %get3A_6 = arith.constant 0 : index
    %get3A_7 = vector.load %arg2[%get3A_4, %get3A_5, %get3A_6] : memref<2x10240x1xf32, #tpu.memory_space<vmem>>, vector<1x10240x1xf32>
    %get3A_8 = vector.shape_cast %get3A_7 : vector<1x10240x1xf32> to vector<10240x1xf32>
    %add3A = arith.addf %get3A_3, %get3A_8 : vector<10240x1xf32>
    %add3A_9 = arith.constant 1.000000e+00 : f32
    %add3A_10 = vector.broadcast %add3A_9 : f32 to vector<10240x1xf32>
    %add3A_11 = arith.addf %add3A, %add3A_10 : vector<10240x1xf32>
    %rsqrt3A = math.rsqrt %add3A_11 : vector<10240x1xf32>
    %slice3A = vector.extract_strided_slice %rsqrt3A {offsets = [0, 0], sizes = [10000, 1], strides = [1, 1]} : vector<10240x1xf32> to vector<10000x1xf32>
    %get3A_12 = arith.constant 0 : index
    %get3A_13 = arith.constant 0 : index
    %get3A_14 = vector.load %arg0[%get3A_12, %get3A_13] : memref<10000x128xf32, #tpu.memory_space<vmem>>, vector<10000x128xf32>
    %get3A_15 = arith.constant 0 : index
    %get3A_16 = arith.constant 0 : index
    %get3A_17 = vector.load %arg1[%get3A_15, %get3A_16] : memref<128x128xf32, #tpu.memory_space<vmem>>, vector<128x128xf32>
    %dot_general3A = arith.constant dense<0.000000e+00> : vector<10000x128xf32>
    %dot_general3A_18 = tpu.matmul %get3A_14, %get3A_17, %dot_general3A {dimension_numbers = #tpu.dot_dimension_numbers<[1], [1], [0], [0], [0, 0, 1, 0], [], []>, transpose_lhs_hint = false} : vector<10000x128xf32>, vector<128x128xf32>, vector<10000x128xf32> -> vector<10000x128xf32>
    %mul3A = vector.broadcast %slice3A : vector<10000x1xf32> to vector<10000x128xf32>
    %mul3A_19 = arith.mulf %dot_general3A_18, %mul3A : vector<10000x128xf32>
    %swap3A = arith.constant 0 : index
    %swap3A_20 = arith.constant 0 : index
    %swap3A_21 = vector.load %arg3[%swap3A, %swap3A_20] : memref<10000x128xf32, #tpu.memory_space<vmem>>, vector<10000x128xf32>
    tpu.vector_store %arg3[%swap3A, %swap3A_20], %mul3A_19 {strides = array<i32>} : memref<10000x128xf32, #tpu.memory_space<vmem>>, vector<10000x128xf32>,
    %swap3A_22 = arith.constant 0 : index
    %swap3A_23 = arith.constant 0 : index
    %swap3A_24 = vector.load %arg4[%swap3A_22, %swap3A_23] : memref<10000x1xf32, #tpu.memory_space<vmem>>, vector<10000x1xf32>
    tpu.vector_store %arg4[%swap3A_22, %swap3A_23], %slice3A {strides = array<i32>} : memref<10000x1xf32, #tpu.memory_space<vmem>>, vector<10000x1xf32>,
    return
  }
}

module attributes {stable_mosaic.version = 14 : i64} {
  func.func @_tc_out_body(%arg0: memref<2x10240x128xf32, #tpu.memory_space<vmem>>, %arg1: memref<10000x128xf32, #tpu.memory_space<vmem>>, %arg2: memref<10000x1xf32, #tpu.memory_space<vmem>>, %arg3: memref<128xf32, #tpu.memory_space<vmem>>, %arg4: memref<128xf32, #tpu.memory_space<vmem>>, %arg5: memref<128xf32, #tpu.memory_space<vmem>>, %arg6: memref<10000x128xf32, #tpu.memory_space<vmem>>, %arg7: memref<10000x128xf32, #tpu.memory_space<vmem>>, %arg8: memref<64x384xf32, #tpu.memory_space<vmem>>, %arg9: memref<64xf32, #tpu.memory_space<vmem>>, %arg10: memref<10000x64xf32, #tpu.memory_space<vmem>>) attributes {dimension_semantics = [], scalar_prefetch = 0 : i64, scratch_operands = 0 : i64, tpu.core_type = #tpu.core_type<tc>} {
    %get3A = arith.constant 0 : index
    %get3A_0 = arith.constant 0 : index
    %get3A_1 = vector.load %arg2[%get3A, %get3A_0] : memref<10000x1xf32, #tpu.memory_space<vmem>>, vector<10000x1xf32>
    %get3A_2 = arith.constant 0 : index
    %get3A_3 = arith.constant 0 : index
    %get3A_4 = arith.constant 0 : index
    %get3A_5 = vector.load %arg0[%get3A_2, %get3A_3, %get3A_4] : memref<2x10240x128xf32, #tpu.memory_space<vmem>>, vector<1x10000x128xf32>
    %get3A_6 = vector.shape_cast %get3A_5 : vector<1x10000x128xf32> to vector<10000x128xf32>
    %get3A_7 = arith.constant 1 : index
    %get3A_8 = arith.constant 0 : index
    %get3A_9 = arith.constant 0 : index
    %get3A_10 = vector.load %arg0[%get3A_7, %get3A_8, %get3A_9] : memref<2x10240x128xf32, #tpu.memory_space<vmem>>, vector<1x10000x128xf32>
    %get3A_11 = vector.shape_cast %get3A_10 : vector<1x10000x128xf32> to vector<10000x128xf32>
    %add3A = arith.addf %get3A_6, %get3A_11 : vector<10000x128xf32>
    %get3A_12 = arith.constant 0 : index
    %get3A_13 = arith.constant 0 : index
    %get3A_14 = vector.load %arg1[%get3A_12, %get3A_13] : memref<10000x128xf32, #tpu.memory_space<vmem>>, vector<10000x128xf32>
    %add3A_15 = arith.addf %add3A, %get3A_14 : vector<10000x128xf32>
    %mul3A = vector.broadcast %get3A_1 : vector<10000x1xf32> to vector<10000x128xf32>
    %mul3A_16 = arith.mulf %add3A_15, %mul3A : vector<10000x128xf32>
    %get3A_17 = arith.constant 0 : index
    %get3A_18 = vector.load %arg3[%get3A_17] : memref<128xf32, #tpu.memory_space<vmem>>, vector<128xf32>
    %broadcast_in_dim3A = vector.shape_cast %get3A_18 : vector<128xf32> to vector<1x128xf32>
    %add3A_19 = vector.broadcast %broadcast_in_dim3A : vector<1x128xf32> to vector<10000x128xf32>
    %add3A_20 = arith.addf %mul3A_16, %add3A_19 : vector<10000x128xf32>
    %get3A_21 = arith.constant 0 : index
    %get3A_22 = vector.load %arg4[%get3A_21] : memref<128xf32, #tpu.memory_space<vmem>>, vector<128xf32>
    %get3A_23 = arith.constant 0 : index
    %get3A_24 = vector.load %arg5[%get3A_23] : memref<128xf32, #tpu.memory_space<vmem>>, vector<128xf32>
    %reduce_sum3A = arith.constant dense<0.000000e+00> : vector<128xf32>
    %reduce_sum3A_25 = vector.multi_reduction <add>, %add3A_20, %reduce_sum3A [0] : vector<10000x128xf32> to vector<128xf32>
    %div3A = arith.constant 1.000000e+04 : f32
    %div3A_26 = vector.broadcast %div3A : f32 to vector<128xf32>
    %div3A_27 = arith.divf %reduce_sum3A_25, %div3A_26 : vector<128xf32>
    %broadcast_in_dim3A_28 = vector.shape_cast %div3A_27 : vector<128xf32> to vector<1x128xf32>
    %sub3A = vector.broadcast %broadcast_in_dim3A_28 : vector<1x128xf32> to vector<10000x128xf32>
    %sub3A_29 = arith.subf %add3A_20, %sub3A : vector<10000x128xf32>
    %integer_pow3A = arith.mulf %sub3A_29, %sub3A_29 : vector<10000x128xf32>
    %reduce_sum3A_30 = arith.constant dense<0.000000e+00> : vector<128xf32>
    %reduce_sum3A_31 = vector.multi_reduction <add>, %integer_pow3A, %reduce_sum3A_30 [0] : vector<10000x128xf32> to vector<128xf32>
    %div3A_32 = arith.constant 1.000000e+04 : f32
    %div3A_33 = vector.broadcast %div3A_32 : f32 to vector<128xf32>
    %div3A_34 = arith.divf %reduce_sum3A_31, %div3A_33 : vector<128xf32>
    %broadcast_in_dim3A_35 = vector.shape_cast %div3A_27 : vector<128xf32> to vector<1x128xf32>
    %sub3A_36 = vector.broadcast %broadcast_in_dim3A_35 : vector<1x128xf32> to vector<10000x128xf32>
    %sub3A_37 = arith.subf %add3A_20, %sub3A_36 : vector<10000x128xf32>
    %add3A_38 = arith.constant 9.99999974E-6 : f32
    %add3A_39 = vector.broadcast %add3A_38 : f32 to vector<128xf32>
    %add3A_40 = arith.addf %div3A_34, %add3A_39 : vector<128xf32>
    %rsqrt3A = math.rsqrt %add3A_40 : vector<128xf32>
    %broadcast_in_dim3A_41 = vector.shape_cast %rsqrt3A : vector<128xf32> to vector<1x128xf32>
    %mul3A_42 = vector.broadcast %broadcast_in_dim3A_41 : vector<1x128xf32> to vector<10000x128xf32>
    %mul3A_43 = arith.mulf %sub3A_37, %mul3A_42 : vector<10000x128xf32>
    %broadcast_in_dim3A_44 = vector.shape_cast %get3A_22 : vector<128xf32> to vector<1x128xf32>
    %mul3A_45 = vector.broadcast %broadcast_in_dim3A_44 : vector<1x128xf32> to vector<10000x128xf32>
    %mul3A_46 = arith.mulf %mul3A_43, %mul3A_45 : vector<10000x128xf32>
    %broadcast_in_dim3A_47 = vector.shape_cast %get3A_24 : vector<128xf32> to vector<1x128xf32>
    %add3A_48 = vector.broadcast %broadcast_in_dim3A_47 : vector<1x128xf32> to vector<10000x128xf32>
    %add3A_49 = arith.addf %mul3A_46, %add3A_48 : vector<10000x128xf32>
    %max3A = arith.constant 0.000000e+00 : f32
    %max3A_50 = vector.broadcast %max3A : f32 to vector<10000x128xf32>
    %max3A_51 = arith.maximumf %add3A_49, %max3A_50 : vector<10000x128xf32>
    %get3A_52 = arith.constant 0 : index
    %get3A_53 = arith.constant 0 : index
    %get3A_54 = vector.load %arg8[%get3A_52, %get3A_53] : memref<64x384xf32, #tpu.memory_space<vmem>>, vector<64x384xf32>
    %get3A_55 = arith.constant 0 : index
    %get3A_56 = arith.constant 0 : index
    %get3A_57 = vector.load %arg6[%get3A_55, %get3A_56] : memref<10000x128xf32, #tpu.memory_space<vmem>>, vector<10000x128xf32>
    %slice3A = vector.extract_strided_slice %get3A_54 {offsets = [0, 0], sizes = [64, 128], strides = [1, 1]} : vector<64x384xf32> to vector<64x128xf32>
    %dot_general3A = arith.constant dense<0.000000e+00> : vector<10000x64xf32>
    %dot_general3A_58 = tpu.matmul %get3A_57, %slice3A, %dot_general3A {dimension_numbers = #tpu.dot_dimension_numbers<[1], [1], [0], [0], [0, 0, 1, 0], [], []>, transpose_lhs_hint = false} : vector<10000x128xf32>, vector<64x128xf32>, vector<10000x64xf32> -> vector<10000x64xf32>
    %get3A_59 = arith.constant 0 : index
    %get3A_60 = arith.constant 0 : index
    %get3A_61 = vector.load %arg7[%get3A_59, %get3A_60] : memref<10000x128xf32, #tpu.memory_space<vmem>>, vector<10000x128xf32>
    %slice3A_62 = vector.extract_strided_slice %get3A_54 {offsets = [0, 128], sizes = [64, 128], strides = [1, 1]} : vector<64x384xf32> to vector<64x128xf32>
    %dot_general3A_63 = arith.constant dense<0.000000e+00> : vector<10000x64xf32>
    %dot_general3A_64 = tpu.matmul %get3A_61, %slice3A_62, %dot_general3A_63 {dimension_numbers = #tpu.dot_dimension_numbers<[1], [1], [0], [0], [0, 0, 1, 0], [], []>, transpose_lhs_hint = false} : vector<10000x128xf32>, vector<64x128xf32>, vector<10000x64xf32> -> vector<10000x64xf32>
    %add3A_65 = arith.addf %dot_general3A_58, %dot_general3A_64 : vector<10000x64xf32>
    %slice3A_66 = vector.extract_strided_slice %get3A_54 {offsets = [0, 256], sizes = [64, 128], strides = [1, 1]} : vector<64x384xf32> to vector<64x128xf32>
    %dot_general3A_67 = arith.constant dense<0.000000e+00> : vector<10000x64xf32>
    %dot_general3A_68 = tpu.matmul %max3A_51, %slice3A_66, %dot_general3A_67 {dimension_numbers = #tpu.dot_dimension_numbers<[1], [1], [0], [0], [0, 0, 1, 0], [], []>, transpose_lhs_hint = false} : vector<10000x128xf32>, vector<64x128xf32>, vector<10000x64xf32> -> vector<10000x64xf32>
    %add3A_69 = arith.addf %add3A_65, %dot_general3A_68 : vector<10000x64xf32>
    %get3A_70 = arith.constant 0 : index
    %get3A_71 = vector.load %arg9[%get3A_70] : memref<64xf32, #tpu.memory_space<vmem>>, vector<64xf32>
    %broadcast_in_dim3A_72 = vector.shape_cast %get3A_71 : vector<64xf32> to vector<1x64xf32>
    %add3A_73 = vector.broadcast %broadcast_in_dim3A_72 : vector<1x64xf32> to vector<10000x64xf32>
    %add3A_74 = arith.addf %add3A_69, %add3A_73 : vector<10000x64xf32>
    %swap3A = arith.constant 0 : index
    %swap3A_75 = arith.constant 0 : index
    %swap3A_76 = vector.load %arg10[%swap3A, %swap3A_75] : memref<10000x64xf32, #tpu.memory_space<vmem>>, vector<10000x64xf32>
    tpu.vector_store %arg10[%swap3A, %swap3A_75], %add3A_74 {strides = array<i32>} : memref<10000x64xf32, #tpu.memory_space<vmem>>, vector<10000x64xf32>,
    return
  }
}

</mosaic_0001>

<sc_bundles>
// kernel: kernel.10.cloned.1.call-start
scs
__scs_entry_jumppad:
0x0: {  	(pc) =	sbr.rel $0x88, $3  }
0x1: {  	(tag) =	ssettag $0x0;
	lr =	simm.s32 $0x1  }
0x2: {  	[smem:$0x3F91] =	sst lr;
	_ =	strace $0xD0000000  }
0x3: {  	_ = 	snop  }
0x4: {  	_ = 	snop  }
0x5: {  	_ = 	snop  }
0x6: {  	_ = 	snop  }
0x7: {  	_ = 	snop  }
__scs_overlays_trampoline_lowered:
0x8: {  	[smem:$0x3FA0] =	sst s0  }
0x9: {  	[smem:$0x3FA1] =	sst s1  }
0xa: {  	[smem:$0x3FA2] =	sst s2  }
0xb: {  	[smem:$0x3FA3] =	sst s3  }
0xc: {  	[smem:$0x3FA4] =	sst s4  }
0xd: {  	[smem:$0x3FA5] =	sst s5  }
0xe: {  	[smem:$0x3FA6] =	sst s6  }
0xf: {  	[smem:$0x3FA7] =	sst s7  }
0x10: {  	[smem:$0x3FA8] =	sst s8  }
0x11: {  	[smem:$0x3FA9] =	sst s9;
	s0 =	simm.s32 @!p0 $0x0  }
0x12: {  	s1 =	sld [smem:$0x3F8F];
	s0 =	simm.s32 @p0 $0x1  }
0x13: {  	[smem:$0x3FAA] =	sst s0;
	s0 =	simm.s32 @!p1 $0x0  }
0x14: {  	s2 =	sld [smem:$0x3F8E];
	s0 =	simm.s32 @p1 $0x1  }
0x15: {  	[smem:$0x3FAB] =	sst s0;
	s0 =	simm.s32 @!p2 $0x0  }
0x16: {  	s3 =	sld [smem:$0x3FDB];
	s0 =	simm.s32 @p2 $0x1  }
0x17: {  	s4 =	simm.s32 $0x1BF5;
	[smem:$0x3FAD] =	sst s0  }
0x18: {  	s0 =	sld [smem:$0x3F90];
	_ =	swait.ge [sflag:s4], $0x0  }
0x19: {  	s7 =	sld [smem:$0x3F91]  }
0x1a: {  	s8 =	sadd.s32 $0xFFFFE003, lr  }
0x1b: {  	s9 =	sadd.s32 $0xFFFFFEF7, lr;
	s5 =	simm.s32 $0xFFFFFFFF;
	p2 =	slt.u32 s8, $0xFFFFF086  }
0x1c: {  	p1 =	slt.u32 s9, $0xF7A;
	s5 =	simm.s32 @!p2 $0x0  }
0x1d: {  	s5 =	simm.s32 @p1 $0x1;
	p0 =	seq.s32 s7, s2  }
0x1e: {  	s7 =	smul.u32 @!p0 $0xF7A, s2;
	p2 =	seq.s32 @!p0 s5, $0x0  }
0x1f: {  	s9 =	smul.u32 $0xF7A, s1;
	s8 =	simm.s32 @!p0 $0x1BF5;
	p2 =	por !p2, p0  }
0x20: {  	[sflag:s8] =	ssyncset.s32 @!p0 $0xFFFFF086;
	s6 =	sadd.s32 @!p0 s3, s7;
	s7 =	simm.s32 @!p0 $0x108  }
0x21: {  	s3 =	sadd.s32 s3, s9;
	s6 =	sadd.s32 @!p0 $0x88, s6;
	s7 =	simm.s32 @p2 $0x1082  }
0x22: {  	[simem:s7], [sflag:s8] =	dma.local @!p0 [hbm:s6], $0xF7A  }
0x23: {  	s9 =	sor.u32 $0xD0000000, s2;
	s6 =	simm.s32 $0x108;
	_ =	swait.ge @!p0 [sflag:s8], $0x0  }
0x24: {  	s3 =	sadd.s32 $0x88, s3;
	s6 =	simm.s32 @!p1 $0x1082;
	[sflag:s4] =	ssyncset.s32 $0xFFFFF086  }
0x25: {  	[simem:s6], [sflag:s4] =	dma.local [hbm:s3], $0xF7A  }
0x26: {  	[smem:$0x3F91] =	sst s1;
	(tag) =	ssettag s2;
	_ =	strace s9  }
0x27: {  	s1 =	sld [smem:$0x3FA1]  }
0x28: {  	s2 =	sld [smem:$0x3FA2]  }
0x29: {  	s4 =	sld [smem:$0x3FA4]  }
0x2a: {  	p0 =	seq.s32 s5, $0x0;
	s5 =	sld [smem:$0x3FA5]  }
0x2b: {  	s6 =	sld [smem:$0x3FA6]  }
0x2c: {  	s7 =	sld [smem:$0x3FA7]  }
0x2d: {  	s3 =	simm.s32 $0x108;
	s8 =	sld [smem:$0x3FA8]  }
0x2e: {  	s3 =	simm.s32 @!p0 $0x1082;
	s9 =	sld [smem:$0x3FA9]  }
0x2f: {  	lr =	sadd.s32 s0, s3;
	s0 =	sld [smem:$0x3FA0]  }
0x30: {  	s3 =	sld [smem:$0x3FA3]  }
0x31: {  	[smem:$0x3FAC] =	sst s10  }
0x32: {  	s10 =	sld [smem:$0x3FAA];
	_ =	sdelay $0x3  }
0x33: {  	p0 =	seq.s32 s10, $0x1;
	s10 =	sld [smem:$0x3FAC];
	_ =	sdelay $0x3  }
0x34: {  	[smem:$0x3FAC] =	sst s10  }
0x35: {  	s10 =	sld [smem:$0x3FAB];
	_ =	sdelay $0x3  }
0x36: {  	p1 =	seq.s32 s10, $0x1;
	s10 =	sld [smem:$0x3FAC];
	_ =	sdelay $0x3  }
0x37: {  	[smem:$0x3FAC] =	sst s10  }
0x38: {  	s10 =	sld [smem:$0x3FAD]  }
0x39: {  	_ = 	snop;
	(pc) =	sbr.ind lr, $3  }
0x3a: {  	_ = 	snop  }
0x3b: {  	_ = 	snop  }
0x3c: {  	p2 =	seq.s32 s10, $0x1;
	s10 =	sld [smem:$0x3FAC]  }
0x3d: {  	_ =	shalt  }
0x3e: {  	_ =	shalt  }
0x3f: {  	_ =	shalt  }
0x40: {  	_ =	shalt  }
0x41: {  	_ =	shalt  }
0x42: {  	_ =	shalt  }
0x43: {  	_ =	shalt  }
0x44: {  	_ =	shalt  }
0x45: {  	_ =	shalt  }
0x46: {  	_ =	shalt  }
0x47: {  	_ =	shalt  }
0x48: {  	_ =	shalt  }
0x49: {  	_ =	shalt  }
0x4a: {  	_ =	shalt  }
0x4b: {  	_ =	shalt  }
0x4c: {  	_ =	shalt  }
0x4d: {  	_ =	shalt  }
0x4e: {  	_ =	shalt  }
0x4f: {  	_ =	shalt  }
0x50: {  	_ =	shalt  }
0x51: {  	_ =	shalt  }
0x52: {  	_ =	shalt  }
0x53: {  	_ =	shalt  }
0x54: {  	_ =	shalt  }
0x55: {  	_ =	shalt  }
0x56: {  	_ =	shalt  }
0x57: {  	_ =	shalt  }
0x58: {  	_ =	shalt  }
0x59: {  	_ =	shalt  }
0x5a: {  	_ =	shalt  }
0x5b: {  	_ =	shalt  }
0x5c: {  	_ =	shalt  }
0x5d: {  	_ =	shalt  }
0x5e: {  	_ =	shalt  }
0x5f: {  	_ =	shalt  }
0x60: {  	_ =	shalt  }
0x61: {  	_ =	shalt  }
0x62: {  	_ =	shalt  }
0x63: {  	_ =	shalt  }
0x64: {  	_ =	shalt  }
0x65: {  	_ =	shalt  }
0x66: {  	_ =	shalt  }
0x67: {  	_ =	shalt  }
0x68: {  	_ =	shalt  }
0x69: {  	_ =	shalt  }
0x6a: {  	_ =	shalt  }
0x6b: {  	_ =	shalt  }
0x6c: {  	_ =	shalt  }
0x6d: {  	_ =	shalt  }
0x6e: {  	_ =	shalt  }
0x6f: {  	_ =	shalt  }
0x70: {  	_ =	shalt  }
0x71: {  	_ =	shalt  }
0x72: {  	_ =	shalt  }
0x73: {  	_ =	shalt  }
0x74: {  	_ =	shalt  }
0x75: {  	_ =	shalt  }
0x76: {  	_ =	shalt  }
0x77: {  	_ =	shalt  }
0x78: {  	_ =	shalt  }
0x79: {  	_ =	shalt  }
0x7a: {  	_ =	shalt  }
0x7b: {  	_ =	shalt  }
0x7c: {  	_ =	shalt  }
0x7d: {  	_ =	shalt  }
0x7e: {  	_ =	shalt  }
0x7f: {  	_ =	shalt  }
0x80: {  	_ =	shalt  }
0x81: {  	_ =	shalt  }
0x82: {  	_ =	shalt  }
0x83: {  	_ =	shalt  }
0x84: {  	_ =	shalt  }
0x85: {  	_ =	shalt  }
0x86: {  	_ =	shalt  }
0x87: {  	_ =	shalt  }
.Lfunc_end0:
.L_simem_size_0:
called_computation_lowered:
.L_overlay_start_0:
0x88: {  	s2 =	sld [smem:$0x3FD9]  }
0x89: {  	s3 =	sld [smem:$0x3FFE];
	_ =	sdelay $0x1  }
0x8a: {  	s1 =	srdreg.scid  }
0x8b: {  	s0 =	sand.u32 $0x1, s1  }
0x8c: {  	s16 =	sshll.u32 s0, $0xA;
	s2 =	sadd.s32 s3, s2  }
0x8d: {  	s2 =	sadd.s32 s2, s16  }
0x8e: {  	[smem:$0x3FB8] =	sst s2  }
0x8f: {  	_ = 	snop  }
0x90: {  	(tm) =	ssettm $0x1  }
0x91: {  	s17 =	sld [smem:$0x3FFB];
	_ =	sdelay $0x3  }
0x92: {  	_ =	strace s17  }
0x93: {  	s2 =	sld [smem:$0x3FFC];
	_ =	sdelay $0x3  }
0x94: {  	_ =	strace s2  }
0x95: {  	s2 =	sld [smem:$0x3FFD];
	_ =	sdelay $0x3  }
0x96: {  	_ =	strace s2  }
0x97: {  	_ =	strace $0x8FFFFFFF  }
0x98: {  	s18 =	sld [smem:$0x3FDB];
	_ =	sdelay $0x1  }
0x99: {  	s19 =	simm.s32 $_scs_section_size  }
0x9a: {  	s4 =	simm.s32 $_size__tile_overlayer_lowered;
	s5 =	simm.s32 $_tile_overlayer_lowered  }
0x9b: {  	s22 =	simm.s32 $0x1BFF;
	s21 =	sshll.u32 s5, $0x1;
	s2 =	sadd.s32 s19, s18  }
0x9c: {  	s6 =	simm.s32 $0x0;
	s20 =	sshll.u32 s4, $0x1;
	s4 =	sadd.s32 s21, s2  }
0x9d: {  	[timem:s6], [sflag:s22] =	dma.local [hbm:s4], s20  }
0x9e: {  	_ =	swait.ge [sflag:s22], s20  }
0x9f: {  	s3 =	ssub.s32 $0x0, s20;
	[sflag:s22] =	ssyncset.done $0x0  }
0xa0: {  	[sflag:s22] =	ssyncadd.s32 s3;
	_ =	sdelay $0x1  }
0xa1: {  	s23 =	simm.s32 $0x1B8B  }
0xa2: {  	_ =	swait.ge [sflag:s23], $0x1  }
0xa3: {  	[sflag:s23] =	ssyncset.done $0x0  }
0xa4: {  	s25 =	simm.s32 $0x1B8E;
	s24 =	sld [smem:$0x3FFE];
	[sflag:s23] =	ssyncadd.s32 $0xFFFFFFFF  }
0xa5: {  	s26 =	simm.s32 $execute0_lowered;
	[smem:$0x3FD2] =	sst s25  }
0xa6: {  	s4 =	sshll.u32 s26, $0x1;
	_ =	strace $0x80000046;
	[dreg:$0x1] =	wrdreg $0xFFFFFFFF  }
0xa7: {  	s28 =	simm.s32 $_size_execute0_lowered;
	s2 =	sadd.s32 s2, s4;
	[dreg:$0x0] =	wrdreg $0x0  }
0xa8: {  	s4 =	sshll.u32 s28, $0x1;
	[dreg:$0x2] =	wrdreg s2  }
0xa9: {  	[dreg:$0x3] =	wrdreg s4  }
0xaa: {  	[dreg:$0x4] =	wrdreg $0xC0  }
0xab: {  	_ =	task [dreg:s6], $0x5FFFF  }
0xac: {  	[dreg:$0x1] =	wrdreg $0xFFFFFFFF  }
0xad: {  	[dreg:$0x0] =	wrdreg $0x60  }
0xae: {  	[dreg:$0x2] =	wrdreg s24  }
0xaf: {  	[dreg:$0x3] =	wrdreg $0x54800  }
0xb0: {  	[dreg:$0x4] =	wrdreg $0x9  }
0xb1: {  	_ =	task.clear_ibuf [dreg:s6], $0x5FFFF;
	_ =	strace $0x90000046  }
0xb2: {  	s29 =	simm.s32 $0x9;
	_ =	strace $0x80000048  }
0xb3: {  	_ =	swait.ge [sflag:s29], $0x1  }
0xb4: {  	[sflag:s29] =	ssyncadd.s32 $0xFFFFFFFF  }
0xb5: {  	_ =	strace $0x90000048  }
0xb6: {  	_ =	sfence  }
0xb7: {  	s30 =	sld [smem:$0x0];
	_ =	sdelay $0x2  }
0xb8: {  	s31 =	sshll.u32 s1, $0xD;
	s1 =	sshrl.u32 s1, $0x2  }
0xb9: {  	s3 =	sand.u32 $0x4000, s31;
	s1 =	sadd.s32 s1, s30  }
0xba: {  	s0 =	sor.u32 s3, s0;
	s1 =	sshll.u32 s1, $0x11  }
0xbb: {  	s0 =	sor.u32 s1, s0  }
0xbc: {  	s0 =	sadd.s32 $0x8F2B, s0  }
0xbd: {  	[sflag:s0] =	ssyncadd.remote.s32 $0x1  }
0xbe: {  	_ =	sfence.sel $0xFFFF  }
0xbf: {  	[dreg:$0x0] =	wrdreg $0xFFFFFFFF;
	(pc) =	sbr.abs _section_cstart, $3  }
0xc0: {  	[dreg:$0x1] =	wrdreg $0xFFFFFFFF  }
0xc1: {  	_ =	task.clear_ibuf [dreg:s6], $0x2FFFF;
	_ =	strace $0x9FFFFFFF  }
0xc2: {  	(tm) =	ssettm $0x7FFFFFFF  }
0xc3: {  	_ =	shalt  }
tec
execute0_lowered:
.L_overlay_start_1:
0x0: {  	(tag) =	ssettag $0x1  }
0x1: {  	s3 =	rddreg [dreg:$0x0]  }
0x2: {  	s0 =	srdreg.scid;
	s5 =	rddreg [dreg:$0x1]  }
0x3: {  	s1 =	stileid.u32;
	s2 =	simm.s32 $0x0;
	s23 =	simm.s32 $0x2780  }
0x4: {  	s28 =	simm.s32 $0x100;
	s29 =	simm.s32 $0x4F80;
	s8 =	smul.u32 $0xA00, s1  }
0x5: {  	s4 =	sand.u32 $0x1, s0;
	[smem:$0x7FF] =	sst s2;
	s9 =	smul.u32 $0xA000, s1  }
0x6: {  	s24 =	smul.u32 $0xA0, s1;
	s6 =	sshll.u32 s4, $0x4;
	_ =	strace $0x80000047  }
0x7: {  	s4 =	ssub.s32 $0x2, s4;
	s7 =	sor.u32 s1, s6;
	s21 =	sadd.s32 s6, s3  }
0x8: {  	s26 =	sshrl.u32 s4, $0x1;
	s30 =	sshrl.u32 s8, $0x2;
	s31 =	sshrl.u32 s9, $0x2  }
0x9: {  	s7 =	smul.u32 $0x4E2, s7;
	s22 =	ssub.s32 s4, s26;
	s25 =	sadd.s32 $0xDE00, s21  }
0xa: {  	s26 =	simm.s32 $0x80;
	s21 =	smax.u32 s22, $0x1;
	s22 =	simm.s32 $0x1  }
0xb: {  	s24 =	sadd.s32 s24, s25;
	s25 =	simm.s32 $0x5200;
	s7 =	sadd.s32 s7, s3  }
0xc: {  	s3 =	sadd.s32 s30, s5;
	s5 =	sadd.s32 s31, s5;
	s4 =	sadd.s32 $0x4000, s7  }
0xd: {  	s6 =	sadd.s32 $0x2800, s3;
	s7 =	sadd.s32 $0x5000, s3;
	s8 =	sadd.s32 $0x7800, s3  }
0xe: {  	s9 =	sadd.s32 $0xA000, s3;
	s10 =	sadd.s32 $0xC800, s3;
	s11 =	sadd.s32 $0xF000, s3  }
0xf: {  	s12 =	sadd.s32 $0x11800, s3;
	s13 =	sadd.s32 $0x14000, s3;
	s14 =	sadd.s32 $0x16800, s3  }
0x10: {  	s15 =	sadd.s32 $0x19000, s3;
	s16 =	sadd.s32 $0x1B800, s3;
	s17 =	sadd.s32 $0x1E000, s3  }
0x11: {  	v0 =	vimm.f32 $0.0e+00;
	v1 =	vimm.f32 $1.000000000e+00;
	s18 =	sadd.s32 $0x20800, s3;
	s19 =	sadd.s32 $0x23000, s3;
	s20 =	sadd.s32 $0x25800, s3  }
.LBB2_1:
0x12: {  	s30 =	simm.s32 $0x40;
	s31 =	simm.s32 $0x0  }
.LBB2_2:
0x13: {  	p0 =	sne.s32 s30, $0x9FC0;
	[tilespmem:s31+$0x2780] =	vst v0;
	s31 =	smov.u32 s30;
	s30 =	sadd.s32 $0x40, s30  }
.Ltmp0:
0x14: {  	(pc) =	sbr.rel @p0 .LBB2_2-.Ltmp0, $2  }
0x15: {  	_ =	sdelay $0x2  }
0x16: {  	s31 =	sshra.s32 s31, $0x2  }
0x17: {  	[tilespmem:s31+$0x2780] =	vst v0;
	s30 =	simm.s32 $0x0  }
0x18: {  	[tilespmem:s30], [sflag:$0x1] =	stream.linear.gather [hbm4b:s4+s30], $0x2710, $0x38;
	[tilespmem:$0x7C80] =	vst v63  }
0x19: {  	_ =	swait.ge [sflag:s22], $0x2710  }
0x1a: {  	[sflag:s22] =	ssyncset.done $0x0  }
0x1b: {  	s31 =	simm.s32 $0x0;
	s30 =	simm.s32 $0x40;
	[sflag:s22] =	ssyncadd.s32 $0xFFFFD8F0  }
.LBB2_4:
0x1c: {  	p0 =	sne.s32 s30, $0x9C00;
	v2 =	vld [tilespmem:s31+$0x0];
	_ =	sdelay $0x3  }
.Ltmp1:
0x1d: {  	(pc) =	sbr.rel @p0 .LBB2_4-.Ltmp1, $2  }
0x1e: {  	_ =	sdelay $0x2  }
0x1f: {  	s31 =	sshra.s32 s30, $0x2;
	s30 =	sadd.s32 $0x40, s30;
	[tilespmem:v2+s23+$0x0] =	vst.idx.add.f32.msk $0xffff, v1  }
0x20: {  	v2 =	vld [tilespmem:s31+$0x0];
	_ =	sdelay $0x7  }
0x21: {  	[tilespmem:v2+s23+$0x0] =	vst.idx.add.f32.msk $0xffff, v1  }
0x22: {  	[spmem:s5] =	stream.linear.scatter [tilespmem:s23], [sflag:$0x1], $0x2800, $0x38;
	[tilespmem:$0x7C80] =	vst v63  }
0x23: {  	_ =	swait.ge [sflag:s22], $0x2800  }
0x24: {  	[sflag:s22] =	ssyncset.done $0x0  }
0x25: {  	[sflag:s22] =	ssyncadd.s32 $0xFFFFD800  }
0x26: {  	[bflag:$0x0] =	sbarrier.arrive $0xFFFF  }
0x27: {  	[tilespmem:$0x4F80] =	vst v0  }
0x28: {  	[tilespmem:$0x4F90] =	vst v0  }
0x29: {  	[tilespmem:$0x4FA0] =	vst v0  }
0x2a: {  	[tilespmem:$0x4FB0] =	vst v0  }
0x2b: {  	[tilespmem:$0x4FC0] =	vst v0  }
0x2c: {  	[tilespmem:$0x4FD0] =	vst v0  }
0x2d: {  	[tilespmem:$0x4FE0] =	vst v0  }
0x2e: {  	[tilespmem:$0x4FF0] =	vst v0  }
0x2f: {  	[tilespmem:$0x5000] =	vst v0  }
0x30: {  	[tilespmem:$0x5010] =	vst v0  }
0x31: {  	[tilespmem:$0x5020] =	vst v0  }
0x32: {  	[tilespmem:$0x5030] =	vst v0  }
0x33: {  	[tilespmem:$0x5040] =	vst v0  }
0x34: {  	[tilespmem:$0x5050] =	vst v0  }
0x35: {  	[tilespmem:$0x5060] =	vst v0  }
0x36: {  	[tilespmem:$0x5070] =	vst v0  }
0x37: {  	[tilespmem:$0x5080] =	vst v0  }
0x38: {  	[tilespmem:$0x5090] =	vst v0  }
0x39: {  	[tilespmem:$0x50A0] =	vst v0  }
0x3a: {  	[tilespmem:$0x50B0] =	vst v0  }
0x3b: {  	[tilespmem:$0x50C0] =	vst v0  }
0x3c: {  	[tilespmem:$0x50D0] =	vst v0  }
0x3d: {  	[tilespmem:$0x50E0] =	vst v0  }
0x3e: {  	[tilespmem:$0x50F0] =	vst v0  }
0x3f: {  	[tilespmem:$0x5100] =	vst v0  }
0x40: {  	[tilespmem:$0x5110] =	vst v0  }
0x41: {  	[tilespmem:$0x5120] =	vst v0  }
0x42: {  	[tilespmem:$0x5130] =	vst v0  }
0x43: {  	[tilespmem:$0x5140] =	vst v0  }
0x44: {  	[tilespmem:$0x5150] =	vst v0  }
0x45: {  	[tilespmem:$0x5160] =	vst v0  }
0x46: {  	[tilespmem:$0x5170] =	vst v0  }
0x47: {  	[tilespmem:$0x5180] =	vst v0  }
0x48: {  	[tilespmem:$0x5190] =	vst v0  }
0x49: {  	[tilespmem:$0x51A0] =	vst v0  }
0x4a: {  	[tilespmem:$0x51B0] =	vst v0  }
0x4b: {  	[tilespmem:$0x51C0] =	vst v0  }
0x4c: {  	[tilespmem:$0x51D0] =	vst v0  }
0x4d: {  	[tilespmem:$0x51E0] =	vst v0  }
0x4e: {  	[tilespmem:$0x51F0] =	vst v0  }
0x4f: {  	[tilespmem:s25], [sflag:$0x1] =	stream.linear.gather [spmem:s3], $0x280, $0x38;
	[tilespmem:$0x7C80] =	vst v63  }
0x50: {  	_ =	swait.ge [sflag:s22], $0x280  }
0x51: {  	[sflag:s22] =	ssyncset.done $0x0  }
0x52: {  	s30 =	simm.s32 $0x0;
	[sflag:s22] =	ssyncadd.s32 $0xFFFFFD80  }
0x53: {  	s31 =	simm.s32 $0x40;
	v2 =	vld [tilespmem:s30+$0x5200]  }
.LBB2_6:
0x54: {  	p0 =	sne.s32 s31, $0x9C0;
	v3 =	vld [tilespmem:s30+$0x4F80];
	_ =	sdelay $0x2  }
.Ltmp2:
0x55: {  	(pc) =	sbr.rel @p0 .LBB2_6-.Ltmp2, $4  }
0x56: {  	_ = 	snop  }
0x57: {  	v3 =	vadd.f32 v2, v3  }
0x58: {  	s0 =	sshra.s32 s31, $0x2  }
0x59: {  	s31 =	sadd.s32 $0x40, s31;
	v2 =	vld [tilespmem:s0+$0x5200];
	[tilespmem:s30+$0x4F80] =	vst v3;
	s30 =	smov.u32 s0  }
0x5a: {  	v3 =	vld [tilespmem:s30+$0x4F80];
	_ =	sdelay $0x4  }
0x5b: {  	v2 =	vadd.f32 v2, v3;
	_ =	sdelay $0x1  }
0x5c: {  	[tilespmem:s30+$0x4F80] =	vst v2  }
0x5d: {  	[tilespmem:s25], [sflag:$0x1] =	stream.linear.gather [spmem:s6], $0x280, $0x38;
	[tilespmem:$0x7C80] =	vst v63  }
0x5e: {  	_ =	swait.ge [sflag:s22], $0x280  }
0x5f: {  	[sflag:s22] =	ssyncset.done $0x0  }
0x60: {  	s30 =	simm.s32 $0x0;
	[sflag:s22] =	ssyncadd.s32 $0xFFFFFD80  }
0x61: {  	s31 =	simm.s32 $0x40;
	v2 =	vld [tilespmem:s30+$0x5200]  }
.LBB2_8:
0x62: {  	p0 =	sne.s32 s31, $0x9C0;
	v3 =	vld [tilespmem:s30+$0x4F80];
	_ =	sdelay $0x2  }
.Ltmp3:
0x63: {  	(pc) =	sbr.rel @p0 .LBB2_8-.Ltmp3, $4  }
0x64: {  	_ = 	snop  }
0x65: {  	v3 =	vadd.f32 v2, v3  }
0x66: {  	s0 =	sshra.s32 s31, $0x2  }
0x67: {  	s31 =	sadd.s32 $0x40, s31;
	v2 =	vld [tilespmem:s0+$0x5200];
	[tilespmem:s30+$0x4F80] =	vst v3;
	s30 =	smov.u32 s0  }
0x68: {  	v3 =	vld [tilespmem:s30+$0x4F80];
	_ =	sdelay $0x4  }
0x69: {  	v2 =	vadd.f32 v2, v3;
	_ =	sdelay $0x1  }
0x6a: {  	[tilespmem:s30+$0x4F80] =	vst v2  }
0x6b: {  	[tilespmem:s25], [sflag:$0x1] =	stream.linear.gather [spmem:s7], $0x280, $0x38;
	[tilespmem:$0x7C80] =	vst v63  }
0x6c: {  	_ =	swait.ge [sflag:s22], $0x280  }
0x6d: {  	[sflag:s22] =	ssyncset.done $0x0  }
0x6e: {  	s30 =	simm.s32 $0x0;
	[sflag:s22] =	ssyncadd.s32 $0xFFFFFD80  }
0x6f: {  	s31 =	simm.s32 $0x40;
	v2 =	vld [tilespmem:s30+$0x5200]  }
.LBB2_10:
0x70: {  	p0 =	sne.s32 s31, $0x9C0;
	v3 =	vld [tilespmem:s30+$0x4F80];
	_ =	sdelay $0x2  }
.Ltmp4:
0x71: {  	(pc) =	sbr.rel @p0 .LBB2_10-.Ltmp4, $4  }
0x72: {  	_ = 	snop  }
0x73: {  	v3 =	vadd.f32 v2, v3  }
0x74: {  	s0 =	sshra.s32 s31, $0x2  }
0x75: {  	s31 =	sadd.s32 $0x40, s31;
	v2 =	vld [tilespmem:s0+$0x5200];
	[tilespmem:s30+$0x4F80] =	vst v3;
	s30 =	smov.u32 s0  }
0x76: {  	v3 =	vld [tilespmem:s30+$0x4F80];
	_ =	sdelay $0x4  }
0x77: {  	v2 =	vadd.f32 v2, v3;
	_ =	sdelay $0x1  }
0x78: {  	[tilespmem:s30+$0x4F80] =	vst v2  }
0x79: {  	[tilespmem:s25], [sflag:$0x1] =	stream.linear.gather [spmem:s8], $0x280, $0x38;
	[tilespmem:$0x7C80] =	vst v63  }
0x7a: {  	_ =	swait.ge [sflag:s22], $0x280  }
0x7b: {  	[sflag:s22] =	ssyncset.done $0x0  }
0x7c: {  	s30 =	simm.s32 $0x0;
	[sflag:s22] =	ssyncadd.s32 $0xFFFFFD80  }
0x7d: {  	s31 =	simm.s32 $0x40;
	v2 =	vld [tilespmem:s30+$0x5200]  }
.LBB2_12:
0x7e: {  	p0 =	sne.s32 s31, $0x9C0;
	v3 =	vld [tilespmem:s30+$0x4F80];
	_ =	sdelay $0x2  }
.Ltmp5:
0x7f: {  	(pc) =	sbr.rel @p0 .LBB2_12-.Ltmp5, $4  }
0x80: {  	_ = 	snop  }
0x81: {  	v3 =	vadd.f32 v2, v3  }
0x82: {  	s0 =	sshra.s32 s31, $0x2  }
0x83: {  	s31 =	sadd.s32 $0x40, s31;
	v2 =	vld [tilespmem:s0+$0x5200];
	[tilespmem:s30+$0x4F80] =	vst v3;
	s30 =	smov.u32 s0  }
0x84: {  	v3 =	vld [tilespmem:s30+$0x4F80];
	_ =	sdelay $0x4  }
0x85: {  	v2 =	vadd.f32 v2, v3;
	_ =	sdelay $0x1  }
0x86: {  	[tilespmem:s30+$0x4F80] =	vst v2  }
0x87: {  	[tilespmem:s25], [sflag:$0x1] =	stream.linear.gather [spmem:s9], $0x280, $0x38;
	[tilespmem:$0x7C80] =	vst v63  }
0x88: {  	_ =	swait.ge [sflag:s22], $0x280  }
0x89: {  	[sflag:s22] =	ssyncset.done $0x0  }
0x8a: {  	s30 =	simm.s32 $0x0;
	[sflag:s22] =	ssyncadd.s32 $0xFFFFFD80  }
0x8b: {  	s31 =	simm.s32 $0x40;
	v2 =	vld [tilespmem:s30+$0x5200]  }
.LBB2_14:
0x8c: {  	p0 =	sne.s32 s31, $0x9C0;
	v3 =	vld [tilespmem:s30+$0x4F80];
	_ =	sdelay $0x2  }
.Ltmp6:
0x8d: {  	(pc) =	sbr.rel @p0 .LBB2_14-.Ltmp6, $4  }
0x8e: {  	_ = 	snop  }
0x8f: {  	v3 =	vadd.f32 v2, v3  }
0x90: {  	s0 =	sshra.s32 s31, $0x2  }
0x91: {  	s31 =	sadd.s32 $0x40, s31;
	v2 =	vld [tilespmem:s0+$0x5200];
	[tilespmem:s30+$0x4F80] =	vst v3;
	s30 =	smov.u32 s0  }
0x92: {  	v3 =	vld [tilespmem:s30+$0x4F80];
	_ =	sdelay $0x4  }
0x93: {  	v2 =	vadd.f32 v2, v3;
	_ =	sdelay $0x1  }
0x94: {  	[tilespmem:s30+$0x4F80] =	vst v2  }
0x95: {  	[tilespmem:s25], [sflag:$0x1] =	stream.linear.gather [spmem:s10], $0x280, $0x38;
	[tilespmem:$0x7C80] =	vst v63  }
0x96: {  	_ =	swait.ge [sflag:s22], $0x280  }
0x97: {  	[sflag:s22] =	ssyncset.done $0x0  }
0x98: {  	s30 =	simm.s32 $0x0;
	[sflag:s22] =	ssyncadd.s32 $0xFFFFFD80  }
0x99: {  	s31 =	simm.s32 $0x40;
	v2 =	vld [tilespmem:s30+$0x5200]  }
.LBB2_16:
0x9a: {  	p0 =	sne.s32 s31, $0x9C0;
	v3 =	vld [tilespmem:s30+$0x4F80];
	_ =	sdelay $0x2  }
.Ltmp7:
0x9b: {  	(pc) =	sbr.rel @p0 .LBB2_16-.Ltmp7, $4  }
0x9c: {  	_ = 	snop  }
0x9d: {  	v3 =	vadd.f32 v2, v3  }
0x9e: {  	s0 =	sshra.s32 s31, $0x2  }
0x9f: {  	s31 =	sadd.s32 $0x40, s31;
	v2 =	vld [tilespmem:s0+$0x5200];
	[tilespmem:s30+$0x4F80] =	vst v3;
	s30 =	smov.u32 s0  }
0xa0: {  	v3 =	vld [tilespmem:s30+$0x4F80];
	_ =	sdelay $0x4  }
0xa1: {  	v2 =	vadd.f32 v2, v3;
	_ =	sdelay $0x1  }
0xa2: {  	[tilespmem:s30+$0x4F80] =	vst v2  }
0xa3: {  	[tilespmem:s25], [sflag:$0x1] =	stream.linear.gather [spmem:s11], $0x280, $0x38;
	[tilespmem:$0x7C80] =	vst v63  }
0xa4: {  	_ =	swait.ge [sflag:s22], $0x280  }
0xa5: {  	[sflag:s22] =	ssyncset.done $0x0  }
0xa6: {  	s30 =	simm.s32 $0x0;
	[sflag:s22] =	ssyncadd.s32 $0xFFFFFD80  }
0xa7: {  	s31 =	simm.s32 $0x40;
	v2 =	vld [tilespmem:s30+$0x5200]  }
.LBB2_18:
0xa8: {  	p0 =	sne.s32 s31, $0x9C0;
	v3 =	vld [tilespmem:s30+$0x4F80];
	_ =	sdelay $0x2  }
.Ltmp8:
0xa9: {  	(pc) =	sbr.rel @p0 .LBB2_18-.Ltmp8, $4  }
0xaa: {  	_ = 	snop  }
0xab: {  	v3 =	vadd.f32 v2, v3  }
0xac: {  	s0 =	sshra.s32 s31, $0x2  }
0xad: {  	s31 =	sadd.s32 $0x40, s31;
	v2 =	vld [tilespmem:s0+$0x5200];
	[tilespmem:s30+$0x4F80] =	vst v3;
	s30 =	smov.u32 s0  }
0xae: {  	v3 =	vld [tilespmem:s30+$0x4F80];
	_ =	sdelay $0x4  }
0xaf: {  	v2 =	vadd.f32 v2, v3;
	_ =	sdelay $0x1  }
0xb0: {  	[tilespmem:s30+$0x4F80] =	vst v2  }
0xb1: {  	[tilespmem:s25], [sflag:$0x1] =	stream.linear.gather [spmem:s12], $0x280, $0x38;
	[tilespmem:$0x7C80] =	vst v63  }
0xb2: {  	_ =	swait.ge [sflag:s22], $0x280  }
0xb3: {  	[sflag:s22] =	ssyncset.done $0x0  }
0xb4: {  	s30 =	simm.s32 $0x0;
	[sflag:s22] =	ssyncadd.s32 $0xFFFFFD80  }
0xb5: {  	s31 =	simm.s32 $0x40;
	v2 =	vld [tilespmem:s30+$0x5200]  }
.LBB2_20:
0xb6: {  	p0 =	sne.s32 s31, $0x9C0;
	v3 =	vld [tilespmem:s30+$0x4F80];
	_ =	sdelay $0x2  }
.Ltmp9:
0xb7: {  	(pc) =	sbr.rel @p0 .LBB2_20-.Ltmp9, $4  }
0xb8: {  	_ = 	snop  }
0xb9: {  	v3 =	vadd.f32 v2, v3  }
0xba: {  	s0 =	sshra.s32 s31, $0x2  }
0xbb: {  	s31 =	sadd.s32 $0x40, s31;
	v2 =	vld [tilespmem:s0+$0x5200];
	[tilespmem:s30+$0x4F80] =	vst v3;
	s30 =	smov.u32 s0  }
0xbc: {  	v3 =	vld [tilespmem:s30+$0x4F80];
	_ =	sdelay $0x4  }
0xbd: {  	v2 =	vadd.f32 v2, v3;
	_ =	sdelay $0x1  }
0xbe: {  	[tilespmem:s30+$0x4F80] =	vst v2  }
0xbf: {  	[tilespmem:s25], [sflag:$0x1] =	stream.linear.gather [spmem:s13], $0x280, $0x38;
	[tilespmem:$0x7C80] =	vst v63  }
0xc0: {  	_ =	swait.ge [sflag:s22], $0x280  }
0xc1: {  	[sflag:s22] =	ssyncset.done $0x0  }
0xc2: {  	s30 =	simm.s32 $0x0;
	[sflag:s22] =	ssyncadd.s32 $0xFFFFFD80  }
0xc3: {  	s31 =	simm.s32 $0x40;
	v2 =	vld [tilespmem:s30+$0x5200]  }
.LBB2_22:
0xc4: {  	p0 =	sne.s32 s31, $0x9C0;
	v3 =	vld [tilespmem:s30+$0x4F80];
	_ =	sdelay $0x2  }
.Ltmp10:
0xc5: {  	(pc) =	sbr.rel @p0 .LBB2_22-.Ltmp10, $4  }
0xc6: {  	_ = 	snop  }
0xc7: {  	v3 =	vadd.f32 v2, v3  }
0xc8: {  	s0 =	sshra.s32 s31, $0x2  }
0xc9: {  	s31 =	sadd.s32 $0x40, s31;
	v2 =	vld [tilespmem:s0+$0x5200];
	[tilespmem:s30+$0x4F80] =	vst v3;
	s30 =	smov.u32 s0  }
0xca: {  	v3 =	vld [tilespmem:s30+$0x4F80];
	_ =	sdelay $0x4  }
0xcb: {  	v2 =	vadd.f32 v2, v3;
	_ =	sdelay $0x1  }
0xcc: {  	[tilespmem:s30+$0x4F80] =	vst v2  }
0xcd: {  	[tilespmem:s25], [sflag:$0x1] =	stream.linear.gather [spmem:s14], $0x280, $0x38;
	[tilespmem:$0x7C80] =	vst v63  }
0xce: {  	_ =	swait.ge [sflag:s22], $0x280  }
0xcf: {  	[sflag:s22] =	ssyncset.done $0x0  }
0xd0: {  	s30 =	simm.s32 $0x0;
	[sflag:s22] =	ssyncadd.s32 $0xFFFFFD80  }
0xd1: {  	s31 =	simm.s32 $0x40;
	v2 =	vld [tilespmem:s30+$0x5200]  }
.LBB2_24:
0xd2: {  	p0 =	sne.s32 s31, $0x9C0;
	v3 =	vld [tilespmem:s30+$0x4F80];
	_ =	sdelay $0x2  }
.Ltmp11:
0xd3: {  	(pc) =	sbr.rel @p0 .LBB2_24-.Ltmp11, $4  }
0xd4: {  	_ = 	snop  }
0xd5: {  	v3 =	vadd.f32 v2, v3  }
0xd6: {  	s0 =	sshra.s32 s31, $0x2  }
0xd7: {  	s31 =	sadd.s32 $0x40, s31;
	v2 =	vld [tilespmem:s0+$0x5200];
	[tilespmem:s30+$0x4F80] =	vst v3;
	s30 =	smov.u32 s0  }
0xd8: {  	v3 =	vld [tilespmem:s30+$0x4F80];
	_ =	sdelay $0x4  }
0xd9: {  	v2 =	vadd.f32 v2, v3;
	_ =	sdelay $0x1  }
0xda: {  	[tilespmem:s30+$0x4F80] =	vst v2  }
0xdb: {  	[tilespmem:s25], [sflag:$0x1] =	stream.linear.gather [spmem:s15], $0x280, $0x38;
	[tilespmem:$0x7C80] =	vst v63  }
0xdc: {  	_ =	swait.ge [sflag:s22], $0x280  }
0xdd: {  	[sflag:s22] =	ssyncset.done $0x0  }
0xde: {  	s30 =	simm.s32 $0x0;
	[sflag:s22] =	ssyncadd.s32 $0xFFFFFD80  }
0xdf: {  	s31 =	simm.s32 $0x40;
	v2 =	vld [tilespmem:s30+$0x5200]  }
.LBB2_26:
0xe0: {  	p0 =	sne.s32 s31, $0x9C0;
	v3 =	vld [tilespmem:s30+$0x4F80];
	_ =	sdelay $0x2  }
.Ltmp12:
0xe1: {  	(pc) =	sbr.rel @p0 .LBB2_26-.Ltmp12, $4  }
0xe2: {  	_ = 	snop  }
0xe3: {  	v3 =	vadd.f32 v2, v3  }
0xe4: {  	s0 =	sshra.s32 s31, $0x2  }
0xe5: {  	s31 =	sadd.s32 $0x40, s31;
	v2 =	vld [tilespmem:s0+$0x5200];
	[tilespmem:s30+$0x4F80] =	vst v3;
	s30 =	smov.u32 s0  }
0xe6: {  	v3 =	vld [tilespmem:s30+$0x4F80];
	_ =	sdelay $0x4  }
0xe7: {  	v2 =	vadd.f32 v2, v3;
	_ =	sdelay $0x1  }
0xe8: {  	[tilespmem:s30+$0x4F80] =	vst v2  }
0xe9: {  	[tilespmem:s25], [sflag:$0x1] =	stream.linear.gather [spmem:s16], $0x280, $0x38;
	[tilespmem:$0x7C80] =	vst v63  }
0xea: {  	_ =	swait.ge [sflag:s22], $0x280  }
0xeb: {  	[sflag:s22] =	ssyncset.done $0x0  }
0xec: {  	s30 =	simm.s32 $0x0;
	[sflag:s22] =	ssyncadd.s32 $0xFFFFFD80  }
0xed: {  	s31 =	simm.s32 $0x40;
	v2 =	vld [tilespmem:s30+$0x5200]  }
.LBB2_28:
0xee: {  	p0 =	sne.s32 s31, $0x9C0;
	v3 =	vld [tilespmem:s30+$0x4F80];
	_ =	sdelay $0x2  }
.Ltmp13:
0xef: {  	(pc) =	sbr.rel @p0 .LBB2_28-.Ltmp13, $4  }
0xf0: {  	_ = 	snop  }
0xf1: {  	v3 =	vadd.f32 v2, v3  }
0xf2: {  	s0 =	sshra.s32 s31, $0x2  }
0xf3: {  	s31 =	sadd.s32 $0x40, s31;
	v2 =	vld [tilespmem:s0+$0x5200];
	[tilespmem:s30+$0x4F80] =	vst v3;
	s30 =	smov.u32 s0  }
0xf4: {  	v3 =	vld [tilespmem:s30+$0x4F80];
	_ =	sdelay $0x4  }
0xf5: {  	v2 =	vadd.f32 v2, v3;
	_ =	sdelay $0x1  }
0xf6: {  	[tilespmem:s30+$0x4F80] =	vst v2  }
0xf7: {  	[tilespmem:s25], [sflag:$0x1] =	stream.linear.gather [spmem:s17], $0x280, $0x38;
	[tilespmem:$0x7C80] =	vst v63  }
0xf8: {  	_ =	swait.ge [sflag:s22], $0x280  }
0xf9: {  	[sflag:s22] =	ssyncset.done $0x0  }
0xfa: {  	s30 =	simm.s32 $0x0;
	[sflag:s22] =	ssyncadd.s32 $0xFFFFFD80  }
0xfb: {  	s31 =	simm.s32 $0x40;
	v2 =	vld [tilespmem:s30+$0x5200]  }
.LBB2_30:
0xfc: {  	p0 =	sne.s32 s31, $0x9C0;
	v3 =	vld [tilespmem:s30+$0x4F80];
	_ =	sdelay $0x2  }
.Ltmp14:
0xfd: {  	(pc) =	sbr.rel @p0 .LBB2_30-.Ltmp14, $4  }
0xfe: {  	_ = 	snop  }
0xff: {  	v3 =	vadd.f32 v2, v3  }
0x100: {  	s0 =	sshra.s32 s31, $0x2  }
0x101: {  	s31 =	sadd.s32 $0x40, s31;
	v2 =	vld [tilespmem:s0+$0x5200];
	[tilespmem:s30+$0x4F80] =	vst v3;
	s30 =	smov.u32 s0  }
0x102: {  	v3 =	vld [tilespmem:s30+$0x4F80];
	_ =	sdelay $0x4  }
0x103: {  	v2 =	vadd.f32 v2, v3;
	_ =	sdelay $0x1  }
0x104: {  	[tilespmem:s30+$0x4F80] =	vst v2  }
0x105: {  	[tilespmem:s25], [sflag:$0x1] =	stream.linear.gather [spmem:s18], $0x280, $0x38;
	[tilespmem:$0x7C80] =	vst v63  }
0x106: {  	_ =	swait.ge [sflag:s22], $0x280  }
0x107: {  	[sflag:s22] =	ssyncset.done $0x0  }
0x108: {  	s30 =	simm.s32 $0x0;
	[sflag:s22] =	ssyncadd.s32 $0xFFFFFD80  }
0x109: {  	s31 =	simm.s32 $0x40;
	v2 =	vld [tilespmem:s30+$0x5200]  }
.LBB2_32:
0x10a: {  	p0 =	sne.s32 s31, $0x9C0;
	v3 =	vld [tilespmem:s30+$0x4F80];
	_ =	sdelay $0x2  }
.Ltmp15:
0x10b: {  	(pc) =	sbr.rel @p0 .LBB2_32-.Ltmp15, $4  }
0x10c: {  	_ = 	snop  }
0x10d: {  	v3 =	vadd.f32 v2, v3  }
0x10e: {  	s0 =	sshra.s32 s31, $0x2  }
0x10f: {  	s31 =	sadd.s32 $0x40, s31;
	v2 =	vld [tilespmem:s0+$0x5200];
	[tilespmem:s30+$0x4F80] =	vst v3;
	s30 =	smov.u32 s0  }
0x110: {  	v3 =	vld [tilespmem:s30+$0x4F80];
	_ =	sdelay $0x4  }
0x111: {  	v2 =	vadd.f32 v2, v3;
	_ =	sdelay $0x1  }
0x112: {  	[tilespmem:s30+$0x4F80] =	vst v2  }
0x113: {  	[tilespmem:s25], [sflag:$0x1] =	stream.linear.gather [spmem:s19], $0x280, $0x38;
	[tilespmem:$0x7C80] =	vst v63  }
0x114: {  	_ =	swait.ge [sflag:s22], $0x280  }
0x115: {  	[sflag:s22] =	ssyncset.done $0x0  }
0x116: {  	s30 =	simm.s32 $0x0;
	[sflag:s22] =	ssyncadd.s32 $0xFFFFFD80  }
0x117: {  	s31 =	simm.s32 $0x40;
	v2 =	vld [tilespmem:s30+$0x5200]  }
.LBB2_34:
0x118: {  	p0 =	sne.s32 s31, $0x9C0;
	v3 =	vld [tilespmem:s30+$0x4F80];
	_ =	sdelay $0x2  }
.Ltmp16:
0x119: {  	(pc) =	sbr.rel @p0 .LBB2_34-.Ltmp16, $4  }
0x11a: {  	_ = 	snop  }
0x11b: {  	v3 =	vadd.f32 v2, v3  }
0x11c: {  	s0 =	sshra.s32 s31, $0x2  }
0x11d: {  	s31 =	sadd.s32 $0x40, s31;
	v2 =	vld [tilespmem:s0+$0x5200];
	[tilespmem:s30+$0x4F80] =	vst v3;
	s30 =	smov.u32 s0  }
0x11e: {  	v3 =	vld [tilespmem:s30+$0x4F80];
	_ =	sdelay $0x4  }
0x11f: {  	v2 =	vadd.f32 v2, v3;
	_ =	sdelay $0x1  }
0x120: {  	[tilespmem:s30+$0x4F80] =	vst v2  }
0x121: {  	[tilespmem:s25], [sflag:$0x1] =	stream.linear.gather [spmem:s20], $0x280, $0x38;
	[tilespmem:$0x7C80] =	vst v63  }
0x122: {  	_ =	swait.ge [sflag:s22], $0x280  }
0x123: {  	[sflag:s22] =	ssyncset.done $0x0  }
0x124: {  	s30 =	simm.s32 $0x0;
	[sflag:s22] =	ssyncadd.s32 $0xFFFFFD80  }
0x125: {  	s31 =	simm.s32 $0x40;
	v2 =	vld [tilespmem:s30+$0x5200]  }
.LBB2_36:
0x126: {  	p0 =	sne.s32 s31, $0x9C0;
	v3 =	vld [tilespmem:s30+$0x4F80];
	_ =	sdelay $0x2  }
.Ltmp17:
0x127: {  	(pc) =	sbr.rel @p0 .LBB2_36-.Ltmp17, $4  }
0x128: {  	_ = 	snop  }
0x129: {  	v3 =	vadd.f32 v2, v3  }
0x12a: {  	s0 =	sshra.s32 s31, $0x2  }
0x12b: {  	s31 =	sadd.s32 $0x40, s31;
	v2 =	vld [tilespmem:s0+$0x5200];
	[tilespmem:s30+$0x4F80] =	vst v3;
	s30 =	smov.u32 s0  }
0x12c: {  	v3 =	vld [tilespmem:s30+$0x4F80];
	_ =	sdelay $0x4  }
0x12d: {  	s2 =	sadd.s32 $0x1, s2;
	v2 =	vadd.f32 v2, v3  }
0x12e: {  	p0 =	sne.s32 s2, s21  }
.Ltmp18:
0x12f: {  	[tilespmem:s30+$0x4F80] =	vst v2;
	(pc) =	sbr.rel @p0 .LBB2_1-.Ltmp18, $4  }
0x130: {  	[hbm4b:s24+s26] =	stream.strided.scatter [tilespmem:s29], [sflag:$0x1], $0x280, s28, s26, $0x38;
	[tilespmem:$0x7C80] =	vst v63  }
0x131: {  	_ =	swait.ge [sflag:s22], $0x280  }
0x132: {  	[sflag:s22] =	ssyncset.done $0x0  }
0x133: {  	[sflag:s22] =	ssyncadd.s32 $0xFFFFFD80  }
0x134: {  	_ =	sfence.sel $0x180000  }
0x135: {  	[bflag:$0x0] =	sbarrier.arrive $0xFFFF  }
0x136: {  	_ =	strace $0x90000047  }
0x137: {  	[bflag:$0x2] =	sbarrier.arrive $0xFFFF  }
0x138: {  	p0 =	sne.s32 s1, $0x0;
	s0 =	rddreg [dreg:$0x2]  }
0x139: {  	s0 =	sadd.s32 @!p0 $0x100000, s0  }
0x13a: {  	[sflag:s0] =	ssyncadd.tile.s32 @!p0 $0x1;
	_ =	shalt  }
.Lfunc_end2:
_tile_overlayer_lowered:
.L_overlay_start_2:
0x13b: {  	(tag) =	ssettag $0x2  }
0x13c: {  	s0 =	rddreg [dreg:$0x0];
	s2 =	stileid.u32  }
0x13d: {  	s1 =	rddreg [dreg:$0x1];
	p0 =	sne.s32 s2, $0x0  }
0x13e: {  	s3 =	rddreg [dreg:$0x2];
	[bflag:$0x3] =	sbarrier.arrive $0xFFFF;
	s2 =	simm.s32 @!p0 $0x1C01  }
0x13f: {  	[timem:s3], [sflag:s2] =	dma.local @!p0 [hbm:s0], s1  }
0x140: {  	s0 =	simm.s32 @!p0 $0x1  }
0x141: {  	_ =	swait.ge @!p0 [sflag:s0], s1  }
0x142: {  	s1 =	ssub.s32 @!p0 $0x0, s1;
	[sflag:s0] =	ssyncset.done @!p0 $0x0  }
0x143: {  	[sflag:s0] =	ssyncadd.s32 @!p0 s1  }
0x144: {  	[bflag:$0x3] =	sbarrier.arrive $0xFFFF  }
0x145: {  	_ =	shalt  }

// kernel: kernel.13.cloned.1.call-start
scs
__scs_entry_jumppad:
0x0: {  	(pc) =	sbr.rel $0x88, $3  }
0x1: {  	(tag) =	ssettag $0x0;
	lr =	simm.s32 $0x1  }
0x2: {  	[smem:$0x3F91] =	sst lr;
	_ =	strace $0xD0000000  }
0x3: {  	_ = 	snop  }
0x4: {  	_ = 	snop  }
0x5: {  	_ = 	snop  }
0x6: {  	_ = 	snop  }
0x7: {  	_ = 	snop  }
__scs_overlays_trampoline_lowered:
0x8: {  	[smem:$0x3FA0] =	sst s0  }
0x9: {  	[smem:$0x3FA1] =	sst s1  }
0xa: {  	[smem:$0x3FA2] =	sst s2  }
0xb: {  	[smem:$0x3FA3] =	sst s3  }
0xc: {  	[smem:$0x3FA4] =	sst s4  }
0xd: {  	[smem:$0x3FA5] =	sst s5  }
0xe: {  	[smem:$0x3FA6] =	sst s6  }
0xf: {  	[smem:$0x3FA7] =	sst s7  }
0x10: {  	[smem:$0x3FA8] =	sst s8  }
0x11: {  	[smem:$0x3FA9] =	sst s9;
	s0 =	simm.s32 @!p0 $0x0  }
0x12: {  	s1 =	sld [smem:$0x3F8F];
	s0 =	simm.s32 @p0 $0x1  }
0x13: {  	[smem:$0x3FAA] =	sst s0;
	s0 =	simm.s32 @!p1 $0x0  }
0x14: {  	s2 =	sld [smem:$0x3F8E];
	s0 =	simm.s32 @p1 $0x1  }
0x15: {  	[smem:$0x3FAB] =	sst s0;
	s0 =	simm.s32 @!p2 $0x0  }
0x16: {  	s3 =	sld [smem:$0x3FDB];
	s0 =	simm.s32 @p2 $0x1  }
0x17: {  	s4 =	simm.s32 $0x1BF5;
	[smem:$0x3FAD] =	sst s0  }
0x18: {  	s0 =	sld [smem:$0x3F90];
	_ =	swait.ge [sflag:s4], $0x0  }
0x19: {  	s7 =	sld [smem:$0x3F91]  }
0x1a: {  	s8 =	sadd.s32 $0xFFFFE003, lr  }
0x1b: {  	s9 =	sadd.s32 $0xFFFFFEF7, lr;
	s5 =	simm.s32 $0xFFFFFFFF;
	p2 =	slt.u32 s8, $0xFFFFF086  }
0x1c: {  	p1 =	slt.u32 s9, $0xF7A;
	s5 =	simm.s32 @!p2 $0x0  }
0x1d: {  	s5 =	simm.s32 @p1 $0x1;
	p0 =	seq.s32 s7, s2  }
0x1e: {  	s7 =	smul.u32 @!p0 $0xF7A, s2;
	p2 =	seq.s32 @!p0 s5, $0x0  }
0x1f: {  	s9 =	smul.u32 $0xF7A, s1;
	s8 =	simm.s32 @!p0 $0x1BF5;
	p2 =	por !p2, p0  }
0x20: {  	[sflag:s8] =	ssyncset.s32 @!p0 $0xFFFFF086;
	s6 =	sadd.s32 @!p0 s3, s7;
	s7 =	simm.s32 @!p0 $0x108  }
0x21: {  	s3 =	sadd.s32 s3, s9;
	s6 =	sadd.s32 @!p0 $0x88, s6;
	s7 =	simm.s32 @p2 $0x1082  }
0x22: {  	[simem:s7], [sflag:s8] =	dma.local @!p0 [hbm:s6], $0xF7A  }
0x23: {  	s9 =	sor.u32 $0xD0000000, s2;
	s6 =	simm.s32 $0x108;
	_ =	swait.ge @!p0 [sflag:s8], $0x0  }
0x24: {  	s3 =	sadd.s32 $0x88, s3;
	s6 =	simm.s32 @!p1 $0x1082;
	[sflag:s4] =	ssyncset.s32 $0xFFFFF086  }
0x25: {  	[simem:s6], [sflag:s4] =	dma.local [hbm:s3], $0xF7A  }
0x26: {  	[smem:$0x3F91] =	sst s1;
	(tag) =	ssettag s2;
	_ =	strace s9  }
0x27: {  	s1 =	sld [smem:$0x3FA1]  }
0x28: {  	s2 =	sld [smem:$0x3FA2]  }
0x29: {  	s4 =	sld [smem:$0x3FA4]  }
0x2a: {  	p0 =	seq.s32 s5, $0x0;
	s5 =	sld [smem:$0x3FA5]  }
0x2b: {  	s6 =	sld [smem:$0x3FA6]  }
0x2c: {  	s7 =	sld [smem:$0x3FA7]  }
0x2d: {  	s3 =	simm.s32 $0x108;
	s8 =	sld [smem:$0x3FA8]  }
0x2e: {  	s3 =	simm.s32 @!p0 $0x1082;
	s9 =	sld [smem:$0x3FA9]  }
0x2f: {  	lr =	sadd.s32 s0, s3;
	s0 =	sld [smem:$0x3FA0]  }
0x30: {  	s3 =	sld [smem:$0x3FA3]  }
0x31: {  	[smem:$0x3FAC] =	sst s10  }
0x32: {  	s10 =	sld [smem:$0x3FAA];
	_ =	sdelay $0x3  }
0x33: {  	p0 =	seq.s32 s10, $0x1;
	s10 =	sld [smem:$0x3FAC];
	_ =	sdelay $0x3  }
0x34: {  	[smem:$0x3FAC] =	sst s10  }
0x35: {  	s10 =	sld [smem:$0x3FAB];
	_ =	sdelay $0x3  }
0x36: {  	p1 =	seq.s32 s10, $0x1;
	s10 =	sld [smem:$0x3FAC];
	_ =	sdelay $0x3  }
0x37: {  	[smem:$0x3FAC] =	sst s10  }
0x38: {  	s10 =	sld [smem:$0x3FAD]  }
0x39: {  	_ = 	snop;
	(pc) =	sbr.ind lr, $3  }
0x3a: {  	_ = 	snop  }
0x3b: {  	_ = 	snop  }
0x3c: {  	p2 =	seq.s32 s10, $0x1;
	s10 =	sld [smem:$0x3FAC]  }
0x3d: {  	_ =	shalt  }
0x3e: {  	_ =	shalt  }
0x3f: {  	_ =	shalt  }
0x40: {  	_ =	shalt  }
0x41: {  	_ =	shalt  }
0x42: {  	_ =	shalt  }
0x43: {  	_ =	shalt  }
0x44: {  	_ =	shalt  }
0x45: {  	_ =	shalt  }
0x46: {  	_ =	shalt  }
0x47: {  	_ =	shalt  }
0x48: {  	_ =	shalt  }
0x49: {  	_ =	shalt  }
0x4a: {  	_ =	shalt  }
0x4b: {  	_ =	shalt  }
0x4c: {  	_ =	shalt  }
0x4d: {  	_ =	shalt  }
0x4e: {  	_ =	shalt  }
0x4f: {  	_ =	shalt  }
0x50: {  	_ =	shalt  }
0x51: {  	_ =	shalt  }
0x52: {  	_ =	shalt  }
0x53: {  	_ =	shalt  }
0x54: {  	_ =	shalt  }
0x55: {  	_ =	shalt  }
0x56: {  	_ =	shalt  }
0x57: {  	_ =	shalt  }
0x58: {  	_ =	shalt  }
0x59: {  	_ =	shalt  }
0x5a: {  	_ =	shalt  }
0x5b: {  	_ =	shalt  }
0x5c: {  	_ =	shalt  }
0x5d: {  	_ =	shalt  }
0x5e: {  	_ =	shalt  }
0x5f: {  	_ =	shalt  }
0x60: {  	_ =	shalt  }
0x61: {  	_ =	shalt  }
0x62: {  	_ =	shalt  }
0x63: {  	_ =	shalt  }
0x64: {  	_ =	shalt  }
0x65: {  	_ =	shalt  }
0x66: {  	_ =	shalt  }
0x67: {  	_ =	shalt  }
0x68: {  	_ =	shalt  }
0x69: {  	_ =	shalt  }
0x6a: {  	_ =	shalt  }
0x6b: {  	_ =	shalt  }
0x6c: {  	_ =	shalt  }
0x6d: {  	_ =	shalt  }
0x6e: {  	_ =	shalt  }
0x6f: {  	_ =	shalt  }
0x70: {  	_ =	shalt  }
0x71: {  	_ =	shalt  }
0x72: {  	_ =	shalt  }
0x73: {  	_ =	shalt  }
0x74: {  	_ =	shalt  }
0x75: {  	_ =	shalt  }
0x76: {  	_ =	shalt  }
0x77: {  	_ =	shalt  }
0x78: {  	_ =	shalt  }
0x79: {  	_ =	shalt  }
0x7a: {  	_ =	shalt  }
0x7b: {  	_ =	shalt  }
0x7c: {  	_ =	shalt  }
0x7d: {  	_ =	shalt  }
0x7e: {  	_ =	shalt  }
0x7f: {  	_ =	shalt  }
0x80: {  	_ =	shalt  }
0x81: {  	_ =	shalt  }
0x82: {  	_ =	shalt  }
0x83: {  	_ =	shalt  }
0x84: {  	_ =	shalt  }
0x85: {  	_ =	shalt  }
0x86: {  	_ =	shalt  }
0x87: {  	_ =	shalt  }
.Lfunc_end0:
.L_simem_size_0:
called_computation.1_lowered:
.L_overlay_start_0:
0x88: {  	s2 =	sld [smem:$0x3FD9]  }
0x89: {  	s3 =	sld [smem:$0x3FFE];
	_ =	sdelay $0x1  }
0x8a: {  	s1 =	srdreg.scid  }
0x8b: {  	s0 =	sand.u32 $0x1, s1  }
0x8c: {  	s17 =	sshll.u32 s0, $0xA;
	s2 =	sadd.s32 s3, s2  }
0x8d: {  	s2 =	sadd.s32 s2, s17  }
0x8e: {  	[smem:$0x3FB8] =	sst s2  }
0x8f: {  	_ = 	snop  }
0x90: {  	s2 =	sld [smem:$0x3FD0];
	(tm) =	ssettm $0x1  }
0x91: {  	s18 =	sld [smem:$0x3FFB];
	_ =	sdelay $0x3  }
0x92: {  	_ =	strace s18  }
0x93: {  	s3 =	sld [smem:$0x3FFC];
	_ =	sdelay $0x3  }
0x94: {  	_ =	strace s3  }
0x95: {  	s3 =	sld [smem:$0x3FFD];
	_ =	sdelay $0x3  }
0x96: {  	_ =	strace s3  }
0x97: {  	_ =	strace $0x8FFFFFFF  }
0x98: {  	s19 =	sld [smem:$0x3FDB];
	_ =	sdelay $0x1  }
0x99: {  	s4 =	simm.s32 $_scs_section_size  }
0x9a: {  	s5 =	simm.s32 $_size__tile_overlayer_lowered;
	s6 =	simm.s32 $_tile_overlayer_lowered  }
0x9b: {  	s22 =	simm.s32 $0x1BFF;
	s21 =	sshll.u32 s6, $0x1;
	s3 =	sadd.s32 s4, s19  }
0x9c: {  	s7 =	simm.s32 $0x0;
	s20 =	sshll.u32 s5, $0x1;
	s5 =	sadd.s32 s21, s3  }
0x9d: {  	[timem:s7], [sflag:s22] =	dma.local [hbm:s5], s20  }
0x9e: {  	_ =	swait.ge [sflag:s22], s20  }
0x9f: {  	s4 =	ssub.s32 $0x0, s20;
	[sflag:s22] =	ssyncset.done $0x0  }
0xa0: {  	[sflag:s22] =	ssyncadd.s32 s4;
	_ =	sdelay $0x1  }
0xa1: {  	s23 =	simm.s32 $0x1B8B  }
0xa2: {  	_ =	swait.ge [sflag:s23], $0x1  }
0xa3: {  	[sflag:s23] =	ssyncset.done $0x0  }
0xa4: {  	s25 =	simm.s32 $0x1B8E;
	s24 =	sld [smem:$0x3FFE];
	[sflag:s23] =	ssyncadd.s32 $0xFFFFFFFF  }
0xa5: {  	s26 =	simm.s32 $execute0_lowered;
	[smem:$0x3FD2] =	sst s25  }
0xa6: {  	s5 =	sshll.u32 s26, $0x1;
	_ =	strace $0x80000049;
	[dreg:$0x1] =	wrdreg $0xFFFFFFFF  }
0xa7: {  	s28 =	simm.s32 $_size_execute0_lowered;
	s3 =	sadd.s32 s3, s5;
	[dreg:$0x0] =	wrdreg $0x0  }
0xa8: {  	s5 =	sshll.u32 s28, $0x1;
	[dreg:$0x2] =	wrdreg s3  }
0xa9: {  	[dreg:$0x3] =	wrdreg s5  }
0xaa: {  	[dreg:$0x4] =	wrdreg $0xC0  }
0xab: {  	_ =	task [dreg:s7], $0x5FFFF  }
0xac: {  	[dreg:$0x1] =	wrdreg $0xFFFFFFFF  }
0xad: {  	[dreg:$0x0] =	wrdreg $0x60  }
0xae: {  	[dreg:$0x2] =	wrdreg s24  }
0xaf: {  	[dreg:$0x3] =	wrdreg s2  }
0xb0: {  	[dreg:$0x4] =	wrdreg $0x69000  }
0xb1: {  	[dreg:$0x5] =	wrdreg $0x9  }
0xb2: {  	_ =	task.clear_ibuf [dreg:s7], $0x6FFFF;
	_ =	strace $0x90000049  }
0xb3: {  	s29 =	simm.s32 $0x9;
	_ =	strace $0x8000004B  }
0xb4: {  	_ =	swait.ge [sflag:s29], $0x1  }
0xb5: {  	[sflag:s29] =	ssyncadd.s32 $0xFFFFFFFF  }
0xb6: {  	_ =	strace $0x9000004B  }
0xb7: {  	_ =	sfence  }
0xb8: {  	s30 =	sld [smem:$0x0];
	_ =	sdelay $0x2  }
0xb9: {  	s31 =	sshll.u32 s1, $0xD;
	s1 =	sshrl.u32 s1, $0x2  }
0xba: {  	s3 =	sand.u32 $0x4000, s31;
	s1 =	sadd.s32 s1, s30  }
0xbb: {  	s0 =	sor.u32 s3, s0;
	s1 =	sshll.u32 s1, $0x11  }
0xbc: {  	s0 =	sor.u32 s1, s0  }
0xbd: {  	s0 =	sadd.s32 $0x8F2B, s0  }
0xbe: {  	[sflag:s0] =	ssyncadd.remote.s32 $0x1  }
0xbf: {  	_ =	sfence.sel $0xFFFF  }
0xc0: {  	[dreg:$0x0] =	wrdreg $0xFFFFFFFF;
	(pc) =	sbr.abs _section_cstart, $3  }
0xc1: {  	[dreg:$0x1] =	wrdreg $0xFFFFFFFF  }
0xc2: {  	_ =	task.clear_ibuf [dreg:s7], $0x2FFFF;
	_ =	strace $0x9FFFFFFF  }
0xc3: {  	(tm) =	ssettm $0x7FFFFFFF  }
tec
execute0_lowered:
.L_overlay_start_1:
0x0: {  	(tag) =	ssettag $0x1  }
0x1: {  	s0 =	rddreg [dreg:$0x0];
	s19 =	stileid.u32  }
0x2: {  	s12 =	rddreg [dreg:$0x1];
	s7 =	smul.u32 $0x2710, s19  }
0x3: {  	s1 =	rddreg [dreg:$0x2];
	s21 =	smul.u32 $0x50000, s19  }
0x4: {  	s2 =	srdreg.scid;
	s3 =	simm.s32 $0x0;
	s14 =	smul.u32 $0x280, s19  }
0x5: {  	s28 =	simm.s32 $0x1;
	s5 =	sand.u32 $0x1, s2;
	s16 =	smul.u32 $0x2800, s19  }
0x6: {  	s29 =	simm.s32 $0x0;
	[smem:$0x7FF] =	sst s3;
	s6 =	smul.u32 $0x27100, s5  }
0x7: {  	s4 =	sadd.s32 $0xDE00, s0;
	s20 =	smul.u32 $0x28000, s5;
	s5 =	ssub.s32 $0x2, s5  }
0x8: {  	_ =	strace $0x8000004A;
	s22 =	sshrl.u32 s5, $0x1;
	s23 =	sshrl.u32 s21, $0x2  }
0x9: {  	s15 =	sadd.s32 $0x80, s14;
	s25 =	sadd.s32 $0x100, s14;
	s19 =	sadd.s32 $0x180, s14  }
0xa: {  	s14 =	sadd.s32 $0x200, s14;
	s6 =	sadd.s32 s7, s6;
	s7 =	ssub.s32 s5, s22  }
0xb: {  	s5 =	sadd.s32 s23, s1;
	s17 =	sshll.u32 s15, $0x7;
	s18 =	sshll.u32 s15, $0x4  }
0xc: {  	s26 =	sshll.u32 s25, $0x7;
	s30 =	sshll.u32 s19, $0x7;
	s31 =	sshll.u32 s14, $0x7  }
0xd: {  	s19 =	sshll.u32 s19, $0x4;
	s21 =	sshll.u32 s14, $0x4;
	s14 =	simm.s32 $0x2  }
0xe: {  	s15 =	simm.s32 $0x80;
	s13 =	sshrl.u32 s6, $0x3;
	s24 =	smax.u32 s7, $0x1  }
0xf: {  	s7 =	sadd.s32 $0x4000, s5;
	s8 =	sadd.s32 $0x8000, s5;
	s9 =	sadd.s32 $0xC000, s5  }
0x10: {  	s10 =	sadd.s32 $0x10000, s5;
	s22 =	sadd.s32 s17, s1;
	s23 =	sadd.s32 s26, s1  }
0x11: {  	s26 =	simm.s32 $0x100;
	s11 =	sadd.s32 s13, s0;
	s0 =	sadd.s32 s20, s0  }
0x12: {  	[dreg:$0x4] =	wrdreg s24;
	s20 =	sshll.u32 s25, $0x4;
	s24 =	sadd.s32 s30, s1  }
0x13: {  	s25 =	sadd.s32 s31, s1;
	s12 =	sadd.s32 s13, s12;
	s13 =	simm.s32 $0x2900  }
0x14: {  	s22 =	sshrl.u32 s22, $0x3;
	s23 =	sshrl.u32 s23, $0x3;
	s0 =	sadd.s32 $0x35000, s0  }
0x15: {  	s11 =	sadd.s32 $0x4000, s11;
	s24 =	sshrl.u32 s24, $0x3;
	s25 =	sshrl.u32 s25, $0x3  }
0x16: {  	s16 =	sadd.s32 s16, s0;
	s17 =	sadd.s32 s18, s0;
	s18 =	sadd.s32 s20, s0  }
0x17: {  	v0 =	vimm.f32 $0.0e+00;
	s19 =	sadd.s32 s19, s0;
	s20 =	sadd.s32 s21, s0;
	s21 =	simm.s32 $0x50  }
.LBB2_1:
0x18: {  	s0 =	sand.u32 $0xFE00, s3  }
0x19: {  	s31 =	sand.u32 $0x70, s3;
	s0 =	sshrl.u32 s0, $0x2  }
0x1a: {  	s30 =	simm.s32 $0x40;
	s0 =	sor.u32 s31, s0;
	s31 =	simm.s32 $0x0  }
.LBB2_2:
0x1b: {  	p0 =	sne.s32 s30, $0xFFC0  }
0x1c: {  	[tilespmem:s0+$0x2900] =	vst v0;
	s31 =	sadd.s32 $0x10, s31;
	s0 =	smov.u32 s30;
	s30 =	sadd.s32 $0x40, s30  }
.Ltmp0:
0x1d: {  	(pc) =	sbr.rel @p0 .LBB2_2-.Ltmp0, $4  }
0x1e: {  	_ = 	snop  }
0x1f: {  	s0 =	sand.u32 $0xFE00, s0  }
0x20: {  	s2 =	sand.u32 $0x70, s31;
	s0 =	sshrl.u32 s0, $0x2  }
0x21: {  	s0 =	sor.u32 s2, s0  }
0x22: {  	[tilespmem:s0+$0x2900] =	vst v0  }
0x23: {  	[spmem:s5] =	stream.linear.scatter [tilespmem:s13], [sflag:$0x2], $0x4000, $0x38;
	[tilespmem:$0x1A900] =	vst v63  }
0x24: {  	_ =	swait.ge [sflag:s14], $0x4000  }
0x25: {  	[sflag:s14] =	ssyncset.done $0x0  }
0x26: {  	[sflag:s14] =	ssyncadd.s32 $0xFFFFC000  }
0x27: {  	[spmem:s7] =	stream.linear.scatter [tilespmem:s13], [sflag:$0x2], $0x4000, $0x38;
	[tilespmem:$0x1A900] =	vst v63  }
0x28: {  	_ =	swait.ge [sflag:s14], $0x4000  }
0x29: {  	[sflag:s14] =	ssyncset.done $0x0  }
0x2a: {  	[sflag:s14] =	ssyncadd.s32 $0xFFFFC000  }
0x2b: {  	[spmem:s8] =	stream.linear.scatter [tilespmem:s13], [sflag:$0x2], $0x4000, $0x38;
	[tilespmem:$0x1A900] =	vst v63  }
0x2c: {  	_ =	swait.ge [sflag:s14], $0x4000  }
0x2d: {  	[sflag:s14] =	ssyncset.done $0x0  }
0x2e: {  	[sflag:s14] =	ssyncadd.s32 $0xFFFFC000  }
0x2f: {  	[spmem:s9] =	stream.linear.scatter [tilespmem:s13], [sflag:$0x2], $0x4000, $0x38;
	[tilespmem:$0x1A900] =	vst v63  }
0x30: {  	_ =	swait.ge [sflag:s14], $0x4000  }
0x31: {  	[sflag:s14] =	ssyncset.done $0x0  }
0x32: {  	[sflag:s14] =	ssyncadd.s32 $0xFFFFC000  }
0x33: {  	[spmem:s10] =	stream.linear.scatter [tilespmem:s13], [sflag:$0x2], $0x4000, $0x38;
	[tilespmem:$0x1A900] =	vst v63  }
0x34: {  	_ =	swait.ge [sflag:s14], $0x4000  }
0x35: {  	[sflag:s14] =	ssyncset.done $0x0  }
0x36: {  	[sflag:s14] =	ssyncadd.s32 $0xFFFFC000  }
0x37: {  	s2 =	sadd.s32 $0x0, s12;
	[bflag:$0x0] =	sbarrier.arrive $0xFFFF  }
0x38: {  	[tilespmem:s3], [sflag:$0x2] =	stream.linear.gather [hbm4b:s2+s3], $0x50, $0x38;
	[tilespmem:$0x1A900] =	vst v63  }
0x39: {  	_ =	swait.ge [sflag:s14], $0x50  }
0x3a: {  	[sflag:s14] =	ssyncset.done $0x0  }
0x3b: {  	s6 =	sadd.s32 $0x0, s11;
	[sflag:s14] =	ssyncadd.s32 $0xFFFFFFB0  }
0x3c: {  	[tilespmem:s15], [sflag:$0x2] =	stream.linear.gather [hbm4b:s6+s3], $0x50, $0x38;
	[tilespmem:$0x1A900] =	vst v63  }
0x3d: {  	_ =	swait.ge [sflag:s14], $0x50  }
0x3e: {  	[sflag:s14] =	ssyncset.done $0x0  }
0x3f: {  	[sflag:s14] =	ssyncadd.s32 $0xFFFFFFB0  }
0x40: {  	[tilespmem:s26], [sflag:$0x1] =	stream.indirect.gather [hbm4b:s4+s21], $0x80, s3, s21, $0xb8;
	[tilespmem:$0x1A900] =	vst v63  }
0x41: {  	_ =	swait.ge [sflag:s28], $0x2800  }
0x42: {  	[sflag:s28] =	ssyncset.done $0x0  }
0x43: {  	[sflag:s28] =	ssyncadd.s32 $0xFFFFD800  }
0x44: {  	[spmem:s1] =	stream.indirect.scatter.add.f32 [tilespmem:s26], [sflag:$0x2], $0x80, s15, s21, $0xb8;
	[tilespmem:$0x1A900] =	vst v63  }
0x45: {  	_ =	swait.ge [sflag:s14], $0x2800  }
0x46: {  	s30 =	simm.s32 $0xA;
	s31 =	simm.s32 $0x14;
	[sflag:s14] =	ssyncset.done $0x0  }
.LBB2_4:
0x47: {  	s0 =	sadd.s32 s30, s12  }
0x48: {  	[sflag:s14] =	ssyncadd.s32 $0xFFFFD800;
	s2 =	smov.u32 s31;
	s6 =	sadd.s32 $0xA, s31  }
0x49: {  	[tilespmem:s3], [sflag:$0x2] =	stream.linear.gather [hbm4b:s0+s3], $0x50, $0x38;
	[tilespmem:$0x1A900] =	vst v63  }
0x4a: {  	p0 =	sne.s32 s31, $0x4D8;
	_ =	swait.ge [sflag:s14], $0x50  }
0x4b: {  	[sflag:s14] =	ssyncset.done $0x0  }
0x4c: {  	s0 =	sadd.s32 s30, s11;
	s30 =	smov.u32 s2;
	[sflag:s14] =	ssyncadd.s32 $0xFFFFFFB0  }
0x4d: {  	[tilespmem:s15], [sflag:$0x2] =	stream.linear.gather [hbm4b:s0+s3], $0x50, $0x38;
	[tilespmem:$0x1A900] =	vst v63  }
0x4e: {  	_ =	swait.ge [sflag:s14], $0x50  }
0x4f: {  	[sflag:s14] =	ssyncset.done $0x0  }
0x50: {  	[sflag:s14] =	ssyncadd.s32 $0xFFFFFFB0  }
0x51: {  	[tilespmem:s26], [sflag:$0x1] =	stream.indirect.gather [hbm4b:s4+s21], $0x80, s3, s21, $0xb8;
	[tilespmem:$0x1A900] =	vst v63  }
0x52: {  	_ =	swait.ge [sflag:s28], $0x2800  }
.Ltmp1:
0x53: {  	[sflag:s28] =	ssyncset.done $0x0;
	(pc) =	sbr.rel @p0 .LBB2_4-.Ltmp1, $4  }
0x54: {  	[sflag:s28] =	ssyncadd.s32 $0xFFFFD800  }
0x55: {  	[spmem:s1] =	stream.indirect.scatter.add.f32 [tilespmem:s26], [sflag:$0x2], $0x80, s15, s21, $0xb8;
	[tilespmem:$0x1A900] =	vst v63  }
0x56: {  	_ =	swait.ge [sflag:s14], $0x2800  }
0x57: {  	s31 =	smov.u32 s6;
	[sflag:s14] =	ssyncset.done $0x0  }
0x58: {  	s0 =	sadd.s32 s30, s12;
	[sflag:s14] =	ssyncadd.s32 $0xFFFFD800  }
0x59: {  	[tilespmem:s3], [sflag:$0x2] =	stream.linear.gather [hbm4b:s0+s3], $0x50, $0x38;
	[tilespmem:$0x1A900] =	vst v63  }
0x5a: {  	_ =	swait.ge [sflag:s14], $0x50  }
0x5b: {  	[sflag:s14] =	ssyncset.done $0x0  }
0x5c: {  	s6 =	sadd.s32 s30, s11;
	[sflag:s14] =	ssyncadd.s32 $0xFFFFFFB0  }
0x5d: {  	[tilespmem:s15], [sflag:$0x2] =	stream.linear.gather [hbm4b:s6+s3], $0x50, $0x38;
	[tilespmem:$0x1A900] =	vst v63  }
0x5e: {  	_ =	swait.ge [sflag:s14], $0x50  }
0x5f: {  	[sflag:s14] =	ssyncset.done $0x0  }
0x60: {  	[sflag:s14] =	ssyncadd.s32 $0xFFFFFFB0  }
0x61: {  	[tilespmem:s26], [sflag:$0x1] =	stream.indirect.gather [hbm4b:s4+s21], $0x80, s3, s21, $0xb8;
	[tilespmem:$0x1A900] =	vst v63  }
0x62: {  	_ =	swait.ge [sflag:s28], $0x2800  }
0x63: {  	[sflag:s28] =	ssyncset.done $0x0  }
0x64: {  	[sflag:s28] =	ssyncadd.s32 $0xFFFFD800  }
0x65: {  	[spmem:s1] =	stream.indirect.scatter.add.f32 [tilespmem:s26], [sflag:$0x2], $0x80, s15, s21, $0xb8;
	[tilespmem:$0x1A900] =	vst v63  }
0x66: {  	_ =	swait.ge [sflag:s14], $0x2800  }
0x67: {  	s30 =	stileid.u32;
	[sflag:s14] =	ssyncset.done $0x0  }
0x68: {  	s0 =	sshll.u32 s30, $0x6;
	[sflag:s14] =	ssyncadd.s32 $0xFFFFD800  }
0x69: {  	s2 =	sshrl.u32 s5, $0x3;
	s0 =	sor.u32 $0x1C02, s0;
	[bflag:$0x0] =	sbarrier.arrive $0xFFFF  }
0x6a: {  	[hbm:s16], [sflag:s0] =	dma.local [spmem:s2], $0x800  }
0x6b: {  	_ =	swait.ge [sflag:s14], $0x800  }
0x6c: {  	[sflag:s14] =	ssyncset.done $0x0  }
0x6d: {  	[sflag:s14] =	ssyncadd.s32 $0xFFFFF800  }
0x6e: {  	[hbm:s17], [sflag:s0] =	dma.local [spmem:s22], $0x800  }
0x6f: {  	_ =	swait.ge [sflag:s14], $0x800  }
0x70: {  	[sflag:s14] =	ssyncset.done $0x0  }
0x71: {  	[sflag:s14] =	ssyncadd.s32 $0xFFFFF800  }
0x72: {  	[hbm:s18], [sflag:s0] =	dma.local [spmem:s23], $0x800  }
0x73: {  	_ =	swait.ge [sflag:s14], $0x800  }
0x74: {  	[sflag:s14] =	ssyncset.done $0x0  }
0x75: {  	[sflag:s14] =	ssyncadd.s32 $0xFFFFF800  }
0x76: {  	[hbm:s19], [sflag:s0] =	dma.local [spmem:s24], $0x800  }
0x77: {  	_ =	swait.ge [sflag:s14], $0x800  }
0x78: {  	[sflag:s14] =	ssyncset.done $0x0  }
0x79: {  	[sflag:s14] =	ssyncadd.s32 $0xFFFFF800  }
0x7a: {  	[hbm:s20], [sflag:s0] =	dma.local [spmem:s25], $0x800  }
0x7b: {  	_ =	swait.ge [sflag:s14], $0x800  }
0x7c: {  	s29 =	sadd.s32 $0x1, s29;
	s31 =	rddreg [dreg:$0x4]  }
0x7d: {  	p0 =	sne.s32 s29, s31  }
.Ltmp2:
0x7e: {  	_ = 	snop;
	(pc) =	sbr.rel @p0 .LBB2_1-.Ltmp2, $3  }
0x7f: {  	_ =	sdelay $0x1  }
0x80: {  	[sflag:s14] =	ssyncset.done $0x0  }
0x81: {  	[sflag:s14] =	ssyncadd.s32 $0xFFFFF800  }
0x82: {  	_ =	sfence.sel $0x180000  }
0x83: {  	[bflag:$0x0] =	sbarrier.arrive $0xFFFF  }
0x84: {  	_ =	strace $0x9000004A  }
0x85: {  	s0 =	stileid.u32;
	[bflag:$0x2] =	sbarrier.arrive $0xFFFF  }
0x86: {  	p0 =	sne.s32 s0, $0x0;
	s0 =	rddreg [dreg:$0x3]  }
0x87: {  	s0 =	sadd.s32 @!p0 $0x100000, s0  }
0x88: {  	[sflag:s0] =	ssyncadd.tile.s32 @!p0 $0x1;
	_ =	shalt  }
.Lfunc_end2:
_tile_overlayer_lowered:
.L_overlay_start_2:
0x89: {  	(tag) =	ssettag $0x2  }
0x8a: {  	s0 =	rddreg [dreg:$0x0];
	s2 =	stileid.u32  }
0x8b: {  	s1 =	rddreg [dreg:$0x1];
	p0 =	sne.s32 s2, $0x0  }
0x8c: {  	s3 =	rddreg [dreg:$0x2];
	[bflag:$0x3] =	sbarrier.arrive $0xFFFF;
	s2 =	simm.s32 @!p0 $0x1C02  }
0x8d: {  	[timem:s3], [sflag:s2] =	dma.local @!p0 [hbm:s0], s1  }
0x8e: {  	s0 =	simm.s32 @!p0 $0x2  }
0x8f: {  	_ =	swait.ge @!p0 [sflag:s0], s1  }
0x90: {  	s1 =	ssub.s32 @!p0 $0x0, s1;
	[sflag:s0] =	ssyncset.done @!p0 $0x0  }
0x91: {  	[sflag:s0] =	ssyncadd.s32 @!p0 s1  }
0x92: {  	[bflag:$0x3] =	sbarrier.arrive $0xFFFF  }
0x93: {  	_ =	shalt  }

// kernel: kernel.16.cloned.1.call-start
scs
__scs_entry_jumppad:
0x0: {  	(pc) =	sbr.rel $0x88, $3  }
0x1: {  	(tag) =	ssettag $0x0;
	lr =	simm.s32 $0x1  }
0x2: {  	[smem:$0x3F91] =	sst lr;
	_ =	strace $0xD0000000  }
0x3: {  	_ = 	snop  }
0x4: {  	_ = 	snop  }
0x5: {  	_ = 	snop  }
0x6: {  	_ = 	snop  }
0x7: {  	_ = 	snop  }
__scs_overlays_trampoline_lowered:
0x8: {  	[smem:$0x3FA0] =	sst s0  }
0x9: {  	[smem:$0x3FA1] =	sst s1  }
0xa: {  	[smem:$0x3FA2] =	sst s2  }
0xb: {  	[smem:$0x3FA3] =	sst s3  }
0xc: {  	[smem:$0x3FA4] =	sst s4  }
0xd: {  	[smem:$0x3FA5] =	sst s5  }
0xe: {  	[smem:$0x3FA6] =	sst s6  }
0xf: {  	[smem:$0x3FA7] =	sst s7  }
0x10: {  	[smem:$0x3FA8] =	sst s8  }
0x11: {  	[smem:$0x3FA9] =	sst s9;
	s0 =	simm.s32 @!p0 $0x0  }
0x12: {  	s1 =	sld [smem:$0x3F8F];
	s0 =	simm.s32 @p0 $0x1  }
0x13: {  	[smem:$0x3FAA] =	sst s0;
	s0 =	simm.s32 @!p1 $0x0  }
0x14: {  	s2 =	sld [smem:$0x3F8E];
	s0 =	simm.s32 @p1 $0x1  }
0x15: {  	[smem:$0x3FAB] =	sst s0;
	s0 =	simm.s32 @!p2 $0x0  }
0x16: {  	s3 =	sld [smem:$0x3FDB];
	s0 =	simm.s32 @p2 $0x1  }
0x17: {  	s4 =	simm.s32 $0x1BF5;
	[smem:$0x3FAD] =	sst s0  }
0x18: {  	s0 =	sld [smem:$0x3F90];
	_ =	swait.ge [sflag:s4], $0x0  }
0x19: {  	s7 =	sld [smem:$0x3F91]  }
0x1a: {  	s8 =	sadd.s32 $0xFFFFE003, lr  }
0x1b: {  	s9 =	sadd.s32 $0xFFFFFEF7, lr;
	s5 =	simm.s32 $0xFFFFFFFF;
	p2 =	slt.u32 s8, $0xFFFFF086  }
0x1c: {  	p1 =	slt.u32 s9, $0xF7A;
	s5 =	simm.s32 @!p2 $0x0  }
0x1d: {  	s5 =	simm.s32 @p1 $0x1;
	p0 =	seq.s32 s7, s2  }
0x1e: {  	s7 =	smul.u32 @!p0 $0xF7A, s2;
	p2 =	seq.s32 @!p0 s5, $0x0  }
0x1f: {  	s9 =	smul.u32 $0xF7A, s1;
	s8 =	simm.s32 @!p0 $0x1BF5;
	p2 =	por !p2, p0  }
0x20: {  	[sflag:s8] =	ssyncset.s32 @!p0 $0xFFFFF086;
	s6 =	sadd.s32 @!p0 s3, s7;
	s7 =	simm.s32 @!p0 $0x108  }
0x21: {  	s3 =	sadd.s32 s3, s9;
	s6 =	sadd.s32 @!p0 $0x88, s6;
	s7 =	simm.s32 @p2 $0x1082  }
0x22: {  	[simem:s7], [sflag:s8] =	dma.local @!p0 [hbm:s6], $0xF7A  }
0x23: {  	s9 =	sor.u32 $0xD0000000, s2;
	s6 =	simm.s32 $0x108;
	_ =	swait.ge @!p0 [sflag:s8], $0x0  }
0x24: {  	s3 =	sadd.s32 $0x88, s3;
	s6 =	simm.s32 @!p1 $0x1082;
	[sflag:s4] =	ssyncset.s32 $0xFFFFF086  }
0x25: {  	[simem:s6], [sflag:s4] =	dma.local [hbm:s3], $0xF7A  }
0x26: {  	[smem:$0x3F91] =	sst s1;
	(tag) =	ssettag s2;
	_ =	strace s9  }
0x27: {  	s1 =	sld [smem:$0x3FA1]  }
0x28: {  	s2 =	sld [smem:$0x3FA2]  }
0x29: {  	s4 =	sld [smem:$0x3FA4]  }
0x2a: {  	p0 =	seq.s32 s5, $0x0;
	s5 =	sld [smem:$0x3FA5]  }
0x2b: {  	s6 =	sld [smem:$0x3FA6]  }
0x2c: {  	s7 =	sld [smem:$0x3FA7]  }
0x2d: {  	s3 =	simm.s32 $0x108;
	s8 =	sld [smem:$0x3FA8]  }
0x2e: {  	s3 =	simm.s32 @!p0 $0x1082;
	s9 =	sld [smem:$0x3FA9]  }
0x2f: {  	lr =	sadd.s32 s0, s3;
	s0 =	sld [smem:$0x3FA0]  }
0x30: {  	s3 =	sld [smem:$0x3FA3]  }
0x31: {  	[smem:$0x3FAC] =	sst s10  }
0x32: {  	s10 =	sld [smem:$0x3FAA];
	_ =	sdelay $0x3  }
0x33: {  	p0 =	seq.s32 s10, $0x1;
	s10 =	sld [smem:$0x3FAC];
	_ =	sdelay $0x3  }
0x34: {  	[smem:$0x3FAC] =	sst s10  }
0x35: {  	s10 =	sld [smem:$0x3FAB];
	_ =	sdelay $0x3  }
0x36: {  	p1 =	seq.s32 s10, $0x1;
	s10 =	sld [smem:$0x3FAC];
	_ =	sdelay $0x3  }
0x37: {  	[smem:$0x3FAC] =	sst s10  }
0x38: {  	s10 =	sld [smem:$0x3FAD]  }
0x39: {  	_ = 	snop;
	(pc) =	sbr.ind lr, $3  }
0x3a: {  	_ = 	snop  }
0x3b: {  	_ = 	snop  }
0x3c: {  	p2 =	seq.s32 s10, $0x1;
	s10 =	sld [smem:$0x3FAC]  }
0x3d: {  	_ =	shalt  }
0x3e: {  	_ =	shalt  }
0x3f: {  	_ =	shalt  }
0x40: {  	_ =	shalt  }
0x41: {  	_ =	shalt  }
0x42: {  	_ =	shalt  }
0x43: {  	_ =	shalt  }
0x44: {  	_ =	shalt  }
0x45: {  	_ =	shalt  }
0x46: {  	_ =	shalt  }
0x47: {  	_ =	shalt  }
0x48: {  	_ =	shalt  }
0x49: {  	_ =	shalt  }
0x4a: {  	_ =	shalt  }
0x4b: {  	_ =	shalt  }
0x4c: {  	_ =	shalt  }
0x4d: {  	_ =	shalt  }
0x4e: {  	_ =	shalt  }
0x4f: {  	_ =	shalt  }
0x50: {  	_ =	shalt  }
0x51: {  	_ =	shalt  }
0x52: {  	_ =	shalt  }
0x53: {  	_ =	shalt  }
0x54: {  	_ =	shalt  }
0x55: {  	_ =	shalt  }
0x56: {  	_ =	shalt  }
0x57: {  	_ =	shalt  }
0x58: {  	_ =	shalt  }
0x59: {  	_ =	shalt  }
0x5a: {  	_ =	shalt  }
0x5b: {  	_ =	shalt  }
0x5c: {  	_ =	shalt  }
0x5d: {  	_ =	shalt  }
0x5e: {  	_ =	shalt  }
0x5f: {  	_ =	shalt  }
0x60: {  	_ =	shalt  }
0x61: {  	_ =	shalt  }
0x62: {  	_ =	shalt  }
0x63: {  	_ =	shalt  }
0x64: {  	_ =	shalt  }
0x65: {  	_ =	shalt  }
0x66: {  	_ =	shalt  }
0x67: {  	_ =	shalt  }
0x68: {  	_ =	shalt  }
0x69: {  	_ =	shalt  }
0x6a: {  	_ =	shalt  }
0x6b: {  	_ =	shalt  }
0x6c: {  	_ =	shalt  }
0x6d: {  	_ =	shalt  }
0x6e: {  	_ =	shalt  }
0x6f: {  	_ =	shalt  }
0x70: {  	_ =	shalt  }
0x71: {  	_ =	shalt  }
0x72: {  	_ =	shalt  }
0x73: {  	_ =	shalt  }
0x74: {  	_ =	shalt  }
0x75: {  	_ =	shalt  }
0x76: {  	_ =	shalt  }
0x77: {  	_ =	shalt  }
0x78: {  	_ =	shalt  }
0x79: {  	_ =	shalt  }
0x7a: {  	_ =	shalt  }
0x7b: {  	_ =	shalt  }
0x7c: {  	_ =	shalt  }
0x7d: {  	_ =	shalt  }
0x7e: {  	_ =	shalt  }
0x7f: {  	_ =	shalt  }
0x80: {  	_ =	shalt  }
0x81: {  	_ =	shalt  }
0x82: {  	_ =	shalt  }
0x83: {  	_ =	shalt  }
0x84: {  	_ =	shalt  }
0x85: {  	_ =	shalt  }
0x86: {  	_ =	shalt  }
0x87: {  	_ =	shalt  }
.Lfunc_end0:
.L_simem_size_0:
called_computation.2_lowered:
.L_overlay_start_0:
0x88: {  	s2 =	sld [smem:$0x3FD9]  }
0x89: {  	s3 =	sld [smem:$0x3FFE];
	_ =	sdelay $0x1  }
0x8a: {  	s1 =	srdreg.scid  }
0x8b: {  	s0 =	sand.u32 $0x1, s1  }
0x8c: {  	s17 =	sshll.u32 s0, $0xA;
	s2 =	sadd.s32 s3, s2  }
0x8d: {  	s2 =	sadd.s32 s2, s17  }
0x8e: {  	[smem:$0x3FB8] =	sst s2  }
0x8f: {  	_ = 	snop  }
0x90: {  	s2 =	sld [smem:$0x3FD0];
	(tm) =	ssettm $0x1  }
0x91: {  	s18 =	sld [smem:$0x3FFB];
	_ =	sdelay $0x3  }
0x92: {  	_ =	strace s18  }
0x93: {  	s3 =	sld [smem:$0x3FFC];
	_ =	sdelay $0x3  }
0x94: {  	_ =	strace s3  }
0x95: {  	s3 =	sld [smem:$0x3FFD];
	_ =	sdelay $0x3  }
0x96: {  	_ =	strace s3  }
0x97: {  	_ =	strace $0x8FFFFFFF  }
0x98: {  	s19 =	sld [smem:$0x3FDB];
	_ =	sdelay $0x1  }
0x99: {  	s4 =	simm.s32 $_scs_section_size  }
0x9a: {  	s5 =	simm.s32 $_size__tile_overlayer_lowered;
	s6 =	simm.s32 $_tile_overlayer_lowered  }
0x9b: {  	s22 =	simm.s32 $0x1BFF;
	s21 =	sshll.u32 s6, $0x1;
	s3 =	sadd.s32 s4, s19  }
0x9c: {  	s7 =	simm.s32 $0x0;
	s20 =	sshll.u32 s5, $0x1;
	s5 =	sadd.s32 s21, s3  }
0x9d: {  	[timem:s7], [sflag:s22] =	dma.local [hbm:s5], s20  }
0x9e: {  	_ =	swait.ge [sflag:s22], s20  }
0x9f: {  	s4 =	ssub.s32 $0x0, s20;
	[sflag:s22] =	ssyncset.done $0x0  }
0xa0: {  	[sflag:s22] =	ssyncadd.s32 s4;
	_ =	sdelay $0x1  }
0xa1: {  	s23 =	simm.s32 $0x1B8B  }
0xa2: {  	_ =	swait.ge [sflag:s23], $0x1  }
0xa3: {  	[sflag:s23] =	ssyncset.done $0x0  }
0xa4: {  	s25 =	simm.s32 $0x1B8E;
	s24 =	sld [smem:$0x3FFE];
	[sflag:s23] =	ssyncadd.s32 $0xFFFFFFFF  }
0xa5: {  	s26 =	simm.s32 $execute0_lowered;
	[smem:$0x3FD2] =	sst s25  }
0xa6: {  	s5 =	sshll.u32 s26, $0x1;
	_ =	strace $0x8000004C;
	[dreg:$0x1] =	wrdreg $0xFFFFFFFF  }
0xa7: {  	s28 =	simm.s32 $_size_execute0_lowered;
	s3 =	sadd.s32 s3, s5;
	[dreg:$0x0] =	wrdreg $0x0  }
0xa8: {  	s5 =	sshll.u32 s28, $0x1;
	[dreg:$0x2] =	wrdreg s3  }
0xa9: {  	[dreg:$0x3] =	wrdreg s5  }
0xaa: {  	[dreg:$0x4] =	wrdreg $0xC0  }
0xab: {  	_ =	task [dreg:s7], $0x5FFFF  }
0xac: {  	[dreg:$0x1] =	wrdreg $0xFFFFFFFF  }
0xad: {  	[dreg:$0x0] =	wrdreg $0x60  }
0xae: {  	[dreg:$0x2] =	wrdreg s24  }
0xaf: {  	[dreg:$0x3] =	wrdreg s2  }
0xb0: {  	[dreg:$0x4] =	wrdreg $0x69000  }
0xb1: {  	[dreg:$0x5] =	wrdreg $0x9  }
0xb2: {  	_ =	task.clear_ibuf [dreg:s7], $0x6FFFF;
	_ =	strace $0x9000004C  }
0xb3: {  	s29 =	simm.s32 $0x9;
	_ =	strace $0x8000004E  }
0xb4: {  	_ =	swait.ge [sflag:s29], $0x1  }
0xb5: {  	[sflag:s29] =	ssyncadd.s32 $0xFFFFFFFF  }
0xb6: {  	_ =	strace $0x9000004E  }
0xb7: {  	_ =	sfence  }
0xb8: {  	s30 =	sld [smem:$0x0];
	_ =	sdelay $0x2  }
0xb9: {  	s31 =	sshll.u32 s1, $0xD;
	s1 =	sshrl.u32 s1, $0x2  }
0xba: {  	s3 =	sand.u32 $0x4000, s31;
	s1 =	sadd.s32 s1, s30  }
0xbb: {  	s0 =	sor.u32 s3, s0;
	s1 =	sshll.u32 s1, $0x11  }
0xbc: {  	s0 =	sor.u32 s1, s0  }
0xbd: {  	s0 =	sadd.s32 $0x8F2B, s0  }
0xbe: {  	[sflag:s0] =	ssyncadd.remote.s32 $0x1  }
0xbf: {  	_ =	sfence.sel $0xFFFF  }
0xc0: {  	[dreg:$0x0] =	wrdreg $0xFFFFFFFF;
	(pc) =	sbr.abs _section_cstart, $3  }
0xc1: {  	[dreg:$0x1] =	wrdreg $0xFFFFFFFF  }
0xc2: {  	_ =	task.clear_ibuf [dreg:s7], $0x2FFFF;
	_ =	strace $0x9FFFFFFF  }
0xc3: {  	(tm) =	ssettm $0x7FFFFFFF  }
tec
execute0_lowered:
.L_overlay_start_1:
0x0: {  	(tag) =	ssettag $0x1  }
0x1: {  	s0 =	rddreg [dreg:$0x0];
	s19 =	stileid.u32  }
0x2: {  	s12 =	rddreg [dreg:$0x1];
	s7 =	smul.u32 $0x2710, s19  }
0x3: {  	s1 =	rddreg [dreg:$0x2];
	s21 =	smul.u32 $0x50000, s19  }
0x4: {  	s2 =	srdreg.scid;
	s3 =	simm.s32 $0x0;
	s14 =	smul.u32 $0x280, s19  }
0x5: {  	s28 =	simm.s32 $0x1;
	s5 =	sand.u32 $0x1, s2;
	s16 =	smul.u32 $0x2800, s19  }
0x6: {  	s29 =	simm.s32 $0x0;
	[smem:$0x7FF] =	sst s3;
	s6 =	smul.u32 $0x27100, s5  }
0x7: {  	s4 =	sadd.s32 $0xDE00, s0;
	s20 =	smul.u32 $0x28000, s5;
	s5 =	ssub.s32 $0x2, s5  }
0x8: {  	_ =	strace $0x8000004D;
	s22 =	sshrl.u32 s5, $0x1;
	s23 =	sshrl.u32 s21, $0x2  }
0x9: {  	s15 =	sadd.s32 $0x80, s14;
	s25 =	sadd.s32 $0x100, s14;
	s19 =	sadd.s32 $0x180, s14  }
0xa: {  	s14 =	sadd.s32 $0x200, s14;
	s6 =	sadd.s32 s7, s6;
	s7 =	ssub.s32 s5, s22  }
0xb: {  	s5 =	sadd.s32 s23, s1;
	s17 =	sshll.u32 s15, $0x7;
	s18 =	sshll.u32 s15, $0x4  }
0xc: {  	s26 =	sshll.u32 s25, $0x7;
	s30 =	sshll.u32 s19, $0x7;
	s31 =	sshll.u32 s14, $0x7  }
0xd: {  	s19 =	sshll.u32 s19, $0x4;
	s21 =	sshll.u32 s14, $0x4;
	s14 =	simm.s32 $0x2  }
0xe: {  	s15 =	simm.s32 $0x80;
	s13 =	sshrl.u32 s6, $0x3;
	s24 =	smax.u32 s7, $0x1  }
0xf: {  	s7 =	sadd.s32 $0x4000, s5;
	s8 =	sadd.s32 $0x8000, s5;
	s9 =	sadd.s32 $0xC000, s5  }
0x10: {  	s10 =	sadd.s32 $0x10000, s5;
	s22 =	sadd.s32 s17, s1;
	s23 =	sadd.s32 s26, s1  }
0x11: {  	s26 =	simm.s32 $0x100;
	s11 =	sadd.s32 s13, s0;
	s0 =	sadd.s32 s20, s0  }
0x12: {  	[dreg:$0x4] =	wrdreg s24;
	s20 =	sshll.u32 s25, $0x4;
	s24 =	sadd.s32 s30, s1  }
0x13: {  	s25 =	sadd.s32 s31, s1;
	s12 =	sadd.s32 s13, s12;
	s13 =	simm.s32 $0x2900  }
0x14: {  	s22 =	sshrl.u32 s22, $0x3;
	s23 =	sshrl.u32 s23, $0x3;
	s0 =	sadd.s32 $0x35000, s0  }
0x15: {  	s11 =	sadd.s32 $0x4000, s11;
	s24 =	sshrl.u32 s24, $0x3;
	s25 =	sshrl.u32 s25, $0x3  }
0x16: {  	s16 =	sadd.s32 s16, s0;
	s17 =	sadd.s32 s18, s0;
	s18 =	sadd.s32 s20, s0  }
0x17: {  	v0 =	vimm.f32 $0.0e+00;
	s19 =	sadd.s32 s19, s0;
	s20 =	sadd.s32 s21, s0;
	s21 =	simm.s32 $0x50  }
.LBB2_1:
0x18: {  	s0 =	sand.u32 $0xFE00, s3  }
0x19: {  	s31 =	sand.u32 $0x70, s3;
	s0 =	sshrl.u32 s0, $0x2  }
0x1a: {  	s30 =	simm.s32 $0x40;
	s0 =	sor.u32 s31, s0;
	s31 =	simm.s32 $0x0  }
.LBB2_2:
0x1b: {  	p0 =	sne.s32 s30, $0xFFC0  }
0x1c: {  	[tilespmem:s0+$0x2900] =	vst v0;
	s31 =	sadd.s32 $0x10, s31;
	s0 =	smov.u32 s30;
	s30 =	sadd.s32 $0x40, s30  }
.Ltmp0:
0x1d: {  	(pc) =	sbr.rel @p0 .LBB2_2-.Ltmp0, $4  }
0x1e: {  	_ = 	snop  }
0x1f: {  	s0 =	sand.u32 $0xFE00, s0  }
0x20: {  	s2 =	sand.u32 $0x70, s31;
	s0 =	sshrl.u32 s0, $0x2  }
0x21: {  	s0 =	sor.u32 s2, s0  }
0x22: {  	[tilespmem:s0+$0x2900] =	vst v0  }
0x23: {  	[spmem:s5] =	stream.linear.scatter [tilespmem:s13], [sflag:$0x2], $0x4000, $0x38;
	[tilespmem:$0x1A900] =	vst v63  }
0x24: {  	_ =	swait.ge [sflag:s14], $0x4000  }
0x25: {  	[sflag:s14] =	ssyncset.done $0x0  }
0x26: {  	[sflag:s14] =	ssyncadd.s32 $0xFFFFC000  }
0x27: {  	[spmem:s7] =	stream.linear.scatter [tilespmem:s13], [sflag:$0x2], $0x4000, $0x38;
	[tilespmem:$0x1A900] =	vst v63  }
0x28: {  	_ =	swait.ge [sflag:s14], $0x4000  }
0x29: {  	[sflag:s14] =	ssyncset.done $0x0  }
0x2a: {  	[sflag:s14] =	ssyncadd.s32 $0xFFFFC000  }
0x2b: {  	[spmem:s8] =	stream.linear.scatter [tilespmem:s13], [sflag:$0x2], $0x4000, $0x38;
	[tilespmem:$0x1A900] =	vst v63  }
0x2c: {  	_ =	swait.ge [sflag:s14], $0x4000  }
0x2d: {  	[sflag:s14] =	ssyncset.done $0x0  }
0x2e: {  	[sflag:s14] =	ssyncadd.s32 $0xFFFFC000  }
0x2f: {  	[spmem:s9] =	stream.linear.scatter [tilespmem:s13], [sflag:$0x2], $0x4000, $0x38;
	[tilespmem:$0x1A900] =	vst v63  }
0x30: {  	_ =	swait.ge [sflag:s14], $0x4000  }
0x31: {  	[sflag:s14] =	ssyncset.done $0x0  }
0x32: {  	[sflag:s14] =	ssyncadd.s32 $0xFFFFC000  }
0x33: {  	[spmem:s10] =	stream.linear.scatter [tilespmem:s13], [sflag:$0x2], $0x4000, $0x38;
	[tilespmem:$0x1A900] =	vst v63  }
0x34: {  	_ =	swait.ge [sflag:s14], $0x4000  }
0x35: {  	[sflag:s14] =	ssyncset.done $0x0  }
0x36: {  	[sflag:s14] =	ssyncadd.s32 $0xFFFFC000  }
0x37: {  	s2 =	sadd.s32 $0x0, s12;
	[bflag:$0x0] =	sbarrier.arrive $0xFFFF  }
0x38: {  	[tilespmem:s3], [sflag:$0x2] =	stream.linear.gather [hbm4b:s2+s3], $0x50, $0x38;
	[tilespmem:$0x1A900] =	vst v63  }
0x39: {  	_ =	swait.ge [sflag:s14], $0x50  }
0x3a: {  	[sflag:s14] =	ssyncset.done $0x0  }
0x3b: {  	s6 =	sadd.s32 $0x0, s11;
	[sflag:s14] =	ssyncadd.s32 $0xFFFFFFB0  }
0x3c: {  	[tilespmem:s15], [sflag:$0x2] =	stream.linear.gather [hbm4b:s6+s3], $0x50, $0x38;
	[tilespmem:$0x1A900] =	vst v63  }
0x3d: {  	_ =	swait.ge [sflag:s14], $0x50  }
0x3e: {  	[sflag:s14] =	ssyncset.done $0x0  }
0x3f: {  	[sflag:s14] =	ssyncadd.s32 $0xFFFFFFB0  }
0x40: {  	[tilespmem:s26], [sflag:$0x1] =	stream.indirect.gather [hbm4b:s4+s21], $0x80, s3, s21, $0xb8;
	[tilespmem:$0x1A900] =	vst v63  }
0x41: {  	_ =	swait.ge [sflag:s28], $0x2800  }
0x42: {  	[sflag:s28] =	ssyncset.done $0x0  }
0x43: {  	[sflag:s28] =	ssyncadd.s32 $0xFFFFD800  }
0x44: {  	[spmem:s1] =	stream.indirect.scatter.add.f32 [tilespmem:s26], [sflag:$0x2], $0x80, s15, s21, $0xb8;
	[tilespmem:$0x1A900] =	vst v63  }
0x45: {  	_ =	swait.ge [sflag:s14], $0x2800  }
0x46: {  	s30 =	simm.s32 $0xA;
	s31 =	simm.s32 $0x14;
	[sflag:s14] =	ssyncset.done $0x0  }
.LBB2_4:
0x47: {  	s0 =	sadd.s32 s30, s12  }
0x48: {  	[sflag:s14] =	ssyncadd.s32 $0xFFFFD800;
	s2 =	smov.u32 s31;
	s6 =	sadd.s32 $0xA, s31  }
0x49: {  	[tilespmem:s3], [sflag:$0x2] =	stream.linear.gather [hbm4b:s0+s3], $0x50, $0x38;
	[tilespmem:$0x1A900] =	vst v63  }
0x4a: {  	p0 =	sne.s32 s31, $0x4D8;
	_ =	swait.ge [sflag:s14], $0x50  }
0x4b: {  	[sflag:s14] =	ssyncset.done $0x0  }
0x4c: {  	s0 =	sadd.s32 s30, s11;
	s30 =	smov.u32 s2;
	[sflag:s14] =	ssyncadd.s32 $0xFFFFFFB0  }
0x4d: {  	[tilespmem:s15], [sflag:$0x2] =	stream.linear.gather [hbm4b:s0+s3], $0x50, $0x38;
	[tilespmem:$0x1A900] =	vst v63  }
0x4e: {  	_ =	swait.ge [sflag:s14], $0x50  }
0x4f: {  	[sflag:s14] =	ssyncset.done $0x0  }
0x50: {  	[sflag:s14] =	ssyncadd.s32 $0xFFFFFFB0  }
0x51: {  	[tilespmem:s26], [sflag:$0x1] =	stream.indirect.gather [hbm4b:s4+s21], $0x80, s3, s21, $0xb8;
	[tilespmem:$0x1A900] =	vst v63  }
0x52: {  	_ =	swait.ge [sflag:s28], $0x2800  }
.Ltmp1:
0x53: {  	[sflag:s28] =	ssyncset.done $0x0;
	(pc) =	sbr.rel @p0 .LBB2_4-.Ltmp1, $4  }
0x54: {  	[sflag:s28] =	ssyncadd.s32 $0xFFFFD800  }
0x55: {  	[spmem:s1] =	stream.indirect.scatter.add.f32 [tilespmem:s26], [sflag:$0x2], $0x80, s15, s21, $0xb8;
	[tilespmem:$0x1A900] =	vst v63  }
0x56: {  	_ =	swait.ge [sflag:s14], $0x2800  }
0x57: {  	s31 =	smov.u32 s6;
	[sflag:s14] =	ssyncset.done $0x0  }
0x58: {  	s0 =	sadd.s32 s30, s12;
	[sflag:s14] =	ssyncadd.s32 $0xFFFFD800  }
0x59: {  	[tilespmem:s3], [sflag:$0x2] =	stream.linear.gather [hbm4b:s0+s3], $0x50, $0x38;
	[tilespmem:$0x1A900] =	vst v63  }
0x5a: {  	_ =	swait.ge [sflag:s14], $0x50  }
0x5b: {  	[sflag:s14] =	ssyncset.done $0x0  }
0x5c: {  	s6 =	sadd.s32 s30, s11;
	[sflag:s14] =	ssyncadd.s32 $0xFFFFFFB0  }
0x5d: {  	[tilespmem:s15], [sflag:$0x2] =	stream.linear.gather [hbm4b:s6+s3], $0x50, $0x38;
	[tilespmem:$0x1A900] =	vst v63  }
0x5e: {  	_ =	swait.ge [sflag:s14], $0x50  }
0x5f: {  	[sflag:s14] =	ssyncset.done $0x0  }
0x60: {  	[sflag:s14] =	ssyncadd.s32 $0xFFFFFFB0  }
0x61: {  	[tilespmem:s26], [sflag:$0x1] =	stream.indirect.gather [hbm4b:s4+s21], $0x80, s3, s21, $0xb8;
	[tilespmem:$0x1A900] =	vst v63  }
0x62: {  	_ =	swait.ge [sflag:s28], $0x2800  }
0x63: {  	[sflag:s28] =	ssyncset.done $0x0  }
0x64: {  	[sflag:s28] =	ssyncadd.s32 $0xFFFFD800  }
0x65: {  	[spmem:s1] =	stream.indirect.scatter.add.f32 [tilespmem:s26], [sflag:$0x2], $0x80, s15, s21, $0xb8;
	[tilespmem:$0x1A900] =	vst v63  }
0x66: {  	_ =	swait.ge [sflag:s14], $0x2800  }
0x67: {  	s30 =	stileid.u32;
	[sflag:s14] =	ssyncset.done $0x0  }
0x68: {  	s0 =	sshll.u32 s30, $0x6;
	[sflag:s14] =	ssyncadd.s32 $0xFFFFD800  }
0x69: {  	s2 =	sshrl.u32 s5, $0x3;
	s0 =	sor.u32 $0x1C02, s0;
	[bflag:$0x0] =	sbarrier.arrive $0xFFFF  }
0x6a: {  	[hbm:s16], [sflag:s0] =	dma.local [spmem:s2], $0x800  }
0x6b: {  	_ =	swait.ge [sflag:s14], $0x800  }
0x6c: {  	[sflag:s14] =	ssyncset.done $0x0  }
0x6d: {  	[sflag:s14] =	ssyncadd.s32 $0xFFFFF800  }
0x6e: {  	[hbm:s17], [sflag:s0] =	dma.local [spmem:s22], $0x800  }
0x6f: {  	_ =	swait.ge [sflag:s14], $0x800  }
0x70: {  	[sflag:s14] =	ssyncset.done $0x0  }
0x71: {  	[sflag:s14] =	ssyncadd.s32 $0xFFFFF800  }
0x72: {  	[hbm:s18], [sflag:s0] =	dma.local [spmem:s23], $0x800  }
0x73: {  	_ =	swait.ge [sflag:s14], $0x800  }
0x74: {  	[sflag:s14] =	ssyncset.done $0x0  }
0x75: {  	[sflag:s14] =	ssyncadd.s32 $0xFFFFF800  }
0x76: {  	[hbm:s19], [sflag:s0] =	dma.local [spmem:s24], $0x800  }
0x77: {  	_ =	swait.ge [sflag:s14], $0x800  }
0x78: {  	[sflag:s14] =	ssyncset.done $0x0  }
0x79: {  	[sflag:s14] =	ssyncadd.s32 $0xFFFFF800  }
0x7a: {  	[hbm:s20], [sflag:s0] =	dma.local [spmem:s25], $0x800  }
0x7b: {  	_ =	swait.ge [sflag:s14], $0x800  }
0x7c: {  	s29 =	sadd.s32 $0x1, s29;
	s31 =	rddreg [dreg:$0x4]  }
0x7d: {  	p0 =	sne.s32 s29, s31  }
.Ltmp2:
0x7e: {  	_ = 	snop;
	(pc) =	sbr.rel @p0 .LBB2_1-.Ltmp2, $3  }
0x7f: {  	_ =	sdelay $0x1  }
0x80: {  	[sflag:s14] =	ssyncset.done $0x0  }
0x81: {  	[sflag:s14] =	ssyncadd.s32 $0xFFFFF800  }
0x82: {  	_ =	sfence.sel $0x180000  }
0x83: {  	[bflag:$0x0] =	sbarrier.arrive $0xFFFF  }
0x84: {  	_ =	strace $0x9000004D  }
0x85: {  	s0 =	stileid.u32;
	[bflag:$0x2] =	sbarrier.arrive $0xFFFF  }
0x86: {  	p0 =	sne.s32 s0, $0x0;
	s0 =	rddreg [dreg:$0x3]  }
0x87: {  	s0 =	sadd.s32 @!p0 $0x100000, s0  }
0x88: {  	[sflag:s0] =	ssyncadd.tile.s32 @!p0 $0x1;
	_ =	shalt  }
.Lfunc_end2:
_tile_overlayer_lowered:
.L_overlay_start_2:
0x89: {  	(tag) =	ssettag $0x2  }
0x8a: {  	s0 =	rddreg [dreg:$0x0];
	s2 =	stileid.u32  }
0x8b: {  	s1 =	rddreg [dreg:$0x1];
	p0 =	sne.s32 s2, $0x0  }
0x8c: {  	s3 =	rddreg [dreg:$0x2];
	[bflag:$0x3] =	sbarrier.arrive $0xFFFF;
	s2 =	simm.s32 @!p0 $0x1C02  }
0x8d: {  	[timem:s3], [sflag:s2] =	dma.local @!p0 [hbm:s0], s1  }
0x8e: {  	s0 =	simm.s32 @!p0 $0x2  }
0x8f: {  	_ =	swait.ge @!p0 [sflag:s0], s1  }
0x90: {  	s1 =	ssub.s32 @!p0 $0x0, s1;
	[sflag:s0] =	ssyncset.done @!p0 $0x0  }
0x91: {  	[sflag:s0] =	ssyncadd.s32 @!p0 s1  }
0x92: {  	[bflag:$0x3] =	sbarrier.arrive $0xFFFF  }
0x93: {  	_ =	shalt  }

// kernel: kernel.19.cloned.1.call-start
scs
__scs_entry_jumppad:
0x0: {  	(pc) =	sbr.rel $0x88, $3  }
0x1: {  	(tag) =	ssettag $0x0;
	lr =	simm.s32 $0x1  }
0x2: {  	[smem:$0x3F91] =	sst lr;
	_ =	strace $0xD0000000  }
0x3: {  	_ = 	snop  }
0x4: {  	_ = 	snop  }
0x5: {  	_ = 	snop  }
0x6: {  	_ = 	snop  }
0x7: {  	_ = 	snop  }
__scs_overlays_trampoline_lowered:
0x8: {  	[smem:$0x3FA0] =	sst s0  }
0x9: {  	[smem:$0x3FA1] =	sst s1  }
0xa: {  	[smem:$0x3FA2] =	sst s2  }
0xb: {  	[smem:$0x3FA3] =	sst s3  }
0xc: {  	[smem:$0x3FA4] =	sst s4  }
0xd: {  	[smem:$0x3FA5] =	sst s5  }
0xe: {  	[smem:$0x3FA6] =	sst s6  }
0xf: {  	[smem:$0x3FA7] =	sst s7  }
0x10: {  	[smem:$0x3FA8] =	sst s8  }
0x11: {  	[smem:$0x3FA9] =	sst s9;
	s0 =	simm.s32 @!p0 $0x0  }
0x12: {  	s1 =	sld [smem:$0x3F8F];
	s0 =	simm.s32 @p0 $0x1  }
0x13: {  	[smem:$0x3FAA] =	sst s0;
	s0 =	simm.s32 @!p1 $0x0  }
0x14: {  	s2 =	sld [smem:$0x3F8E];
	s0 =	simm.s32 @p1 $0x1  }
0x15: {  	[smem:$0x3FAB] =	sst s0;
	s0 =	simm.s32 @!p2 $0x0  }
0x16: {  	s3 =	sld [smem:$0x3FDB];
	s0 =	simm.s32 @p2 $0x1  }
0x17: {  	s4 =	simm.s32 $0x1BF5;
	[smem:$0x3FAD] =	sst s0  }
0x18: {  	s0 =	sld [smem:$0x3F90];
	_ =	swait.ge [sflag:s4], $0x0  }
0x19: {  	s7 =	sld [smem:$0x3F91]  }
0x1a: {  	s8 =	sadd.s32 $0xFFFFE003, lr  }
0x1b: {  	s9 =	sadd.s32 $0xFFFFFEF7, lr;
	s5 =	simm.s32 $0xFFFFFFFF;
	p2 =	slt.u32 s8, $0xFFFFF086  }
0x1c: {  	p1 =	slt.u32 s9, $0xF7A;
	s5 =	simm.s32 @!p2 $0x0  }
0x1d: {  	s5 =	simm.s32 @p1 $0x1;
	p0 =	seq.s32 s7, s2  }
0x1e: {  	s7 =	smul.u32 @!p0 $0xF7A, s2;
	p2 =	seq.s32 @!p0 s5, $0x0  }
0x1f: {  	s9 =	smul.u32 $0xF7A, s1;
	s8 =	simm.s32 @!p0 $0x1BF5;
	p2 =	por !p2, p0  }
0x20: {  	[sflag:s8] =	ssyncset.s32 @!p0 $0xFFFFF086;
	s6 =	sadd.s32 @!p0 s3, s7;
	s7 =	simm.s32 @!p0 $0x108  }
0x21: {  	s3 =	sadd.s32 s3, s9;
	s6 =	sadd.s32 @!p0 $0x88, s6;
	s7 =	simm.s32 @p2 $0x1082  }
0x22: {  	[simem:s7], [sflag:s8] =	dma.local @!p0 [hbm:s6], $0xF7A  }
0x23: {  	s9 =	sor.u32 $0xD0000000, s2;
	s6 =	simm.s32 $0x108;
	_ =	swait.ge @!p0 [sflag:s8], $0x0  }
0x24: {  	s3 =	sadd.s32 $0x88, s3;
	s6 =	simm.s32 @!p1 $0x1082;
	[sflag:s4] =	ssyncset.s32 $0xFFFFF086  }
0x25: {  	[simem:s6], [sflag:s4] =	dma.local [hbm:s3], $0xF7A  }
0x26: {  	[smem:$0x3F91] =	sst s1;
	(tag) =	ssettag s2;
	_ =	strace s9  }
0x27: {  	s1 =	sld [smem:$0x3FA1]  }
0x28: {  	s2 =	sld [smem:$0x3FA2]  }
0x29: {  	s4 =	sld [smem:$0x3FA4]  }
0x2a: {  	p0 =	seq.s32 s5, $0x0;
	s5 =	sld [smem:$0x3FA5]  }
0x2b: {  	s6 =	sld [smem:$0x3FA6]  }
0x2c: {  	s7 =	sld [smem:$0x3FA7]  }
0x2d: {  	s3 =	simm.s32 $0x108;
	s8 =	sld [smem:$0x3FA8]  }
0x2e: {  	s3 =	simm.s32 @!p0 $0x1082;
	s9 =	sld [smem:$0x3FA9]  }
0x2f: {  	lr =	sadd.s32 s0, s3;
	s0 =	sld [smem:$0x3FA0]  }
0x30: {  	s3 =	sld [smem:$0x3FA3]  }
0x31: {  	[smem:$0x3FAC] =	sst s10  }
0x32: {  	s10 =	sld [smem:$0x3FAA];
	_ =	sdelay $0x3  }
0x33: {  	p0 =	seq.s32 s10, $0x1;
	s10 =	sld [smem:$0x3FAC];
	_ =	sdelay $0x3  }
0x34: {  	[smem:$0x3FAC] =	sst s10  }
0x35: {  	s10 =	sld [smem:$0x3FAB];
	_ =	sdelay $0x3  }
0x36: {  	p1 =	seq.s32 s10, $0x1;
	s10 =	sld [smem:$0x3FAC];
	_ =	sdelay $0x3  }
0x37: {  	[smem:$0x3FAC] =	sst s10  }
0x38: {  	s10 =	sld [smem:$0x3FAD]  }
0x39: {  	_ = 	snop;
	(pc) =	sbr.ind lr, $3  }
0x3a: {  	_ = 	snop  }
0x3b: {  	_ = 	snop  }
0x3c: {  	p2 =	seq.s32 s10, $0x1;
	s10 =	sld [smem:$0x3FAC]  }
0x3d: {  	_ =	shalt  }
0x3e: {  	_ =	shalt  }
0x3f: {  	_ =	shalt  }
0x40: {  	_ =	shalt  }
0x41: {  	_ =	shalt  }
0x42: {  	_ =	shalt  }
0x43: {  	_ =	shalt  }
0x44: {  	_ =	shalt  }
0x45: {  	_ =	shalt  }
0x46: {  	_ =	shalt  }
0x47: {  	_ =	shalt  }
0x48: {  	_ =	shalt  }
0x49: {  	_ =	shalt  }
0x4a: {  	_ =	shalt  }
0x4b: {  	_ =	shalt  }
0x4c: {  	_ =	shalt  }
0x4d: {  	_ =	shalt  }
0x4e: {  	_ =	shalt  }
0x4f: {  	_ =	shalt  }
0x50: {  	_ =	shalt  }
0x51: {  	_ =	shalt  }
0x52: {  	_ =	shalt  }
0x53: {  	_ =	shalt  }
0x54: {  	_ =	shalt  }
0x55: {  	_ =	shalt  }
0x56: {  	_ =	shalt  }
0x57: {  	_ =	shalt  }
0x58: {  	_ =	shalt  }
0x59: {  	_ =	shalt  }
0x5a: {  	_ =	shalt  }
0x5b: {  	_ =	shalt  }
0x5c: {  	_ =	shalt  }
0x5d: {  	_ =	shalt  }
0x5e: {  	_ =	shalt  }
0x5f: {  	_ =	shalt  }
0x60: {  	_ =	shalt  }
0x61: {  	_ =	shalt  }
0x62: {  	_ =	shalt  }
0x63: {  	_ =	shalt  }
0x64: {  	_ =	shalt  }
0x65: {  	_ =	shalt  }
0x66: {  	_ =	shalt  }
0x67: {  	_ =	shalt  }
0x68: {  	_ =	shalt  }
0x69: {  	_ =	shalt  }
0x6a: {  	_ =	shalt  }
0x6b: {  	_ =	shalt  }
0x6c: {  	_ =	shalt  }
0x6d: {  	_ =	shalt  }
0x6e: {  	_ =	shalt  }
0x6f: {  	_ =	shalt  }
0x70: {  	_ =	shalt  }
0x71: {  	_ =	shalt  }
0x72: {  	_ =	shalt  }
0x73: {  	_ =	shalt  }
0x74: {  	_ =	shalt  }
0x75: {  	_ =	shalt  }
0x76: {  	_ =	shalt  }
0x77: {  	_ =	shalt  }
0x78: {  	_ =	shalt  }
0x79: {  	_ =	shalt  }
0x7a: {  	_ =	shalt  }
0x7b: {  	_ =	shalt  }
0x7c: {  	_ =	shalt  }
0x7d: {  	_ =	shalt  }
0x7e: {  	_ =	shalt  }
0x7f: {  	_ =	shalt  }
0x80: {  	_ =	shalt  }
0x81: {  	_ =	shalt  }
0x82: {  	_ =	shalt  }
0x83: {  	_ =	shalt  }
0x84: {  	_ =	shalt  }
0x85: {  	_ =	shalt  }
0x86: {  	_ =	shalt  }
0x87: {  	_ =	shalt  }
.Lfunc_end0:
.L_simem_size_0:
called_computation.3_lowered:
.L_overlay_start_0:
0x88: {  	s2 =	sld [smem:$0x3FD9]  }
0x89: {  	s3 =	sld [smem:$0x3FFE];
	_ =	sdelay $0x1  }
0x8a: {  	s1 =	srdreg.scid  }
0x8b: {  	s0 =	sand.u32 $0x1, s1  }
0x8c: {  	s17 =	sshll.u32 s0, $0xA;
	s2 =	sadd.s32 s3, s2  }
0x8d: {  	s2 =	sadd.s32 s2, s17  }
0x8e: {  	[smem:$0x3FB8] =	sst s2  }
0x8f: {  	_ = 	snop  }
0x90: {  	s2 =	sld [smem:$0x3FD0];
	(tm) =	ssettm $0x1  }
0x91: {  	s18 =	sld [smem:$0x3FFB];
	_ =	sdelay $0x3  }
0x92: {  	_ =	strace s18  }
0x93: {  	s3 =	sld [smem:$0x3FFC];
	_ =	sdelay $0x3  }
0x94: {  	_ =	strace s3  }
0x95: {  	s3 =	sld [smem:$0x3FFD];
	_ =	sdelay $0x3  }
0x96: {  	_ =	strace s3  }
0x97: {  	_ =	strace $0x8FFFFFFF  }
0x98: {  	s19 =	sld [smem:$0x3FDB];
	_ =	sdelay $0x1  }
0x99: {  	s4 =	simm.s32 $_scs_section_size  }
0x9a: {  	s5 =	simm.s32 $_size__tile_overlayer_lowered;
	s6 =	simm.s32 $_tile_overlayer_lowered  }
0x9b: {  	s22 =	simm.s32 $0x1BFF;
	s21 =	sshll.u32 s6, $0x1;
	s3 =	sadd.s32 s4, s19  }
0x9c: {  	s7 =	simm.s32 $0x0;
	s20 =	sshll.u32 s5, $0x1;
	s5 =	sadd.s32 s21, s3  }
0x9d: {  	[timem:s7], [sflag:s22] =	dma.local [hbm:s5], s20  }
0x9e: {  	_ =	swait.ge [sflag:s22], s20  }
0x9f: {  	s4 =	ssub.s32 $0x0, s20;
	[sflag:s22] =	ssyncset.done $0x0  }
0xa0: {  	[sflag:s22] =	ssyncadd.s32 s4;
	_ =	sdelay $0x1  }
0xa1: {  	s23 =	simm.s32 $0x1B8B  }
0xa2: {  	_ =	swait.ge [sflag:s23], $0x1  }
0xa3: {  	[sflag:s23] =	ssyncset.done $0x0  }
0xa4: {  	s25 =	simm.s32 $0x1B8E;
	s24 =	sld [smem:$0x3FFE];
	[sflag:s23] =	ssyncadd.s32 $0xFFFFFFFF  }
0xa5: {  	s26 =	simm.s32 $execute0_lowered;
	[smem:$0x3FD2] =	sst s25  }
0xa6: {  	s5 =	sshll.u32 s26, $0x1;
	_ =	strace $0x8000004F;
	[dreg:$0x1] =	wrdreg $0xFFFFFFFF  }
0xa7: {  	s28 =	simm.s32 $_size_execute0_lowered;
	s3 =	sadd.s32 s3, s5;
	[dreg:$0x0] =	wrdreg $0x0  }
0xa8: {  	s5 =	sshll.u32 s28, $0x1;
	[dreg:$0x2] =	wrdreg s3  }
0xa9: {  	[dreg:$0x3] =	wrdreg s5  }
0xaa: {  	[dreg:$0x4] =	wrdreg $0xC0  }
0xab: {  	_ =	task [dreg:s7], $0x5FFFF  }
0xac: {  	[dreg:$0x1] =	wrdreg $0xFFFFFFFF  }
0xad: {  	[dreg:$0x0] =	wrdreg $0x60  }
0xae: {  	[dreg:$0x2] =	wrdreg s24  }
0xaf: {  	[dreg:$0x3] =	wrdreg s2  }
0xb0: {  	[dreg:$0x4] =	wrdreg $0x69000  }
0xb1: {  	[dreg:$0x5] =	wrdreg $0x9  }
0xb2: {  	_ =	task.clear_ibuf [dreg:s7], $0x6FFFF;
	_ =	strace $0x9000004F  }
0xb3: {  	s29 =	simm.s32 $0x9;
	_ =	strace $0x80000051  }
0xb4: {  	_ =	swait.ge [sflag:s29], $0x1  }
0xb5: {  	[sflag:s29] =	ssyncadd.s32 $0xFFFFFFFF  }
0xb6: {  	_ =	strace $0x90000051  }
0xb7: {  	_ =	sfence  }
0xb8: {  	s30 =	sld [smem:$0x0];
	_ =	sdelay $0x2  }
0xb9: {  	s31 =	sshll.u32 s1, $0xD;
	s1 =	sshrl.u32 s1, $0x2  }
0xba: {  	s3 =	sand.u32 $0x4000, s31;
	s1 =	sadd.s32 s1, s30  }
0xbb: {  	s0 =	sor.u32 s3, s0;
	s1 =	sshll.u32 s1, $0x11  }
0xbc: {  	s0 =	sor.u32 s1, s0  }
0xbd: {  	s0 =	sadd.s32 $0x8F2B, s0  }
0xbe: {  	[sflag:s0] =	ssyncadd.remote.s32 $0x1  }
0xbf: {  	_ =	sfence.sel $0xFFFF  }
0xc0: {  	[dreg:$0x0] =	wrdreg $0xFFFFFFFF;
	(pc) =	sbr.abs _section_cstart, $3  }
0xc1: {  	[dreg:$0x1] =	wrdreg $0xFFFFFFFF  }
0xc2: {  	_ =	task.clear_ibuf [dreg:s7], $0x2FFFF;
	_ =	strace $0x9FFFFFFF  }
0xc3: {  	(tm) =	ssettm $0x7FFFFFFF  }
tec
execute0_lowered:
.L_overlay_start_1:
0x0: {  	(tag) =	ssettag $0x1  }
0x1: {  	s0 =	rddreg [dreg:$0x0];
	s19 =	stileid.u32  }
0x2: {  	s12 =	rddreg [dreg:$0x1];
	s7 =	smul.u32 $0x2710, s19  }
0x3: {  	s1 =	rddreg [dreg:$0x2];
	s21 =	smul.u32 $0x50000, s19  }
0x4: {  	s2 =	srdreg.scid;
	s3 =	simm.s32 $0x0;
	s14 =	smul.u32 $0x280, s19  }
0x5: {  	s28 =	simm.s32 $0x1;
	s5 =	sand.u32 $0x1, s2;
	s16 =	smul.u32 $0x2800, s19  }
0x6: {  	s29 =	simm.s32 $0x0;
	[smem:$0x7FF] =	sst s3;
	s6 =	smul.u32 $0x27100, s5  }
0x7: {  	s4 =	sadd.s32 $0xDE00, s0;
	s20 =	smul.u32 $0x28000, s5;
	s5 =	ssub.s32 $0x2, s5  }
0x8: {  	_ =	strace $0x80000050;
	s22 =	sshrl.u32 s5, $0x1;
	s23 =	sshrl.u32 s21, $0x2  }
0x9: {  	s15 =	sadd.s32 $0x80, s14;
	s25 =	sadd.s32 $0x100, s14;
	s19 =	sadd.s32 $0x180, s14  }
0xa: {  	s14 =	sadd.s32 $0x200, s14;
	s6 =	sadd.s32 s7, s6;
	s7 =	ssub.s32 s5, s22  }
0xb: {  	s5 =	sadd.s32 s23, s1;
	s17 =	sshll.u32 s15, $0x7;
	s18 =	sshll.u32 s15, $0x4  }
0xc: {  	s26 =	sshll.u32 s25, $0x7;
	s30 =	sshll.u32 s19, $0x7;
	s31 =	sshll.u32 s14, $0x7  }
0xd: {  	s19 =	sshll.u32 s19, $0x4;
	s21 =	sshll.u32 s14, $0x4;
	s14 =	simm.s32 $0x2  }
0xe: {  	s15 =	simm.s32 $0x80;
	s13 =	sshrl.u32 s6, $0x3;
	s24 =	smax.u32 s7, $0x1  }
0xf: {  	s7 =	sadd.s32 $0x4000, s5;
	s8 =	sadd.s32 $0x8000, s5;
	s9 =	sadd.s32 $0xC000, s5  }
0x10: {  	s10 =	sadd.s32 $0x10000, s5;
	s22 =	sadd.s32 s17, s1;
	s23 =	sadd.s32 s26, s1  }
0x11: {  	s26 =	simm.s32 $0x100;
	s11 =	sadd.s32 s13, s0;
	s0 =	sadd.s32 s20, s0  }
0x12: {  	[dreg:$0x4] =	wrdreg s24;
	s20 =	sshll.u32 s25, $0x4;
	s24 =	sadd.s32 s30, s1  }
0x13: {  	s25 =	sadd.s32 s31, s1;
	s12 =	sadd.s32 s13, s12;
	s13 =	simm.s32 $0x2900  }
0x14: {  	s22 =	sshrl.u32 s22, $0x3;
	s23 =	sshrl.u32 s23, $0x3;
	s0 =	sadd.s32 $0x5C200, s0  }
0x15: {  	s11 =	sadd.s32 $0x4000, s11;
	s24 =	sshrl.u32 s24, $0x3;
	s25 =	sshrl.u32 s25, $0x3  }
0x16: {  	s16 =	sadd.s32 s16, s0;
	s17 =	sadd.s32 s18, s0;
	s18 =	sadd.s32 s20, s0  }
0x17: {  	v0 =	vimm.f32 $0.0e+00;
	s19 =	sadd.s32 s19, s0;
	s20 =	sadd.s32 s21, s0;
	s21 =	simm.s32 $0x50  }
.LBB2_1:
0x18: {  	s0 =	sand.u32 $0xFE00, s3  }
0x19: {  	s31 =	sand.u32 $0x70, s3;
	s0 =	sshrl.u32 s0, $0x2  }
0x1a: {  	s30 =	simm.s32 $0x40;
	s0 =	sor.u32 s31, s0;
	s31 =	simm.s32 $0x0  }
.LBB2_2:
0x1b: {  	p0 =	sne.s32 s30, $0xFFC0  }
0x1c: {  	[tilespmem:s0+$0x2900] =	vst v0;
	s31 =	sadd.s32 $0x10, s31;
	s0 =	smov.u32 s30;
	s30 =	sadd.s32 $0x40, s30  }
.Ltmp0:
0x1d: {  	(pc) =	sbr.rel @p0 .LBB2_2-.Ltmp0, $4  }
0x1e: {  	_ = 	snop  }
0x1f: {  	s0 =	sand.u32 $0xFE00, s0  }
0x20: {  	s2 =	sand.u32 $0x70, s31;
	s0 =	sshrl.u32 s0, $0x2  }
0x21: {  	s0 =	sor.u32 s2, s0  }
0x22: {  	[tilespmem:s0+$0x2900] =	vst v0  }
0x23: {  	[spmem:s5] =	stream.linear.scatter [tilespmem:s13], [sflag:$0x2], $0x4000, $0x38;
	[tilespmem:$0x1A900] =	vst v63  }
0x24: {  	_ =	swait.ge [sflag:s14], $0x4000  }
0x25: {  	[sflag:s14] =	ssyncset.done $0x0  }
0x26: {  	[sflag:s14] =	ssyncadd.s32 $0xFFFFC000  }
0x27: {  	[spmem:s7] =	stream.linear.scatter [tilespmem:s13], [sflag:$0x2], $0x4000, $0x38;
	[tilespmem:$0x1A900] =	vst v63  }
0x28: {  	_ =	swait.ge [sflag:s14], $0x4000  }
0x29: {  	[sflag:s14] =	ssyncset.done $0x0  }
0x2a: {  	[sflag:s14] =	ssyncadd.s32 $0xFFFFC000  }
0x2b: {  	[spmem:s8] =	stream.linear.scatter [tilespmem:s13], [sflag:$0x2], $0x4000, $0x38;
	[tilespmem:$0x1A900] =	vst v63  }
0x2c: {  	_ =	swait.ge [sflag:s14], $0x4000  }
0x2d: {  	[sflag:s14] =	ssyncset.done $0x0  }
0x2e: {  	[sflag:s14] =	ssyncadd.s32 $0xFFFFC000  }
0x2f: {  	[spmem:s9] =	stream.linear.scatter [tilespmem:s13], [sflag:$0x2], $0x4000, $0x38;
	[tilespmem:$0x1A900] =	vst v63  }
0x30: {  	_ =	swait.ge [sflag:s14], $0x4000  }
0x31: {  	[sflag:s14] =	ssyncset.done $0x0  }
0x32: {  	[sflag:s14] =	ssyncadd.s32 $0xFFFFC000  }
0x33: {  	[spmem:s10] =	stream.linear.scatter [tilespmem:s13], [sflag:$0x2], $0x4000, $0x38;
	[tilespmem:$0x1A900] =	vst v63  }
0x34: {  	_ =	swait.ge [sflag:s14], $0x4000  }
0x35: {  	[sflag:s14] =	ssyncset.done $0x0  }
0x36: {  	[sflag:s14] =	ssyncadd.s32 $0xFFFFC000  }
0x37: {  	s2 =	sadd.s32 $0x0, s12;
	[bflag:$0x0] =	sbarrier.arrive $0xFFFF  }
0x38: {  	[tilespmem:s3], [sflag:$0x2] =	stream.linear.gather [hbm4b:s2+s3], $0x50, $0x38;
	[tilespmem:$0x1A900] =	vst v63  }
0x39: {  	_ =	swait.ge [sflag:s14], $0x50  }
0x3a: {  	[sflag:s14] =	ssyncset.done $0x0  }
0x3b: {  	s6 =	sadd.s32 $0x0, s11;
	[sflag:s14] =	ssyncadd.s32 $0xFFFFFFB0  }
0x3c: {  	[tilespmem:s15], [sflag:$0x2] =	stream.linear.gather [hbm4b:s6+s3], $0x50, $0x38;
	[tilespmem:$0x1A900] =	vst v63  }
0x3d: {  	_ =	swait.ge [sflag:s14], $0x50  }
0x3e: {  	[sflag:s14] =	ssyncset.done $0x0  }
0x3f: {  	[sflag:s14] =	ssyncadd.s32 $0xFFFFFFB0  }
0x40: {  	[tilespmem:s26], [sflag:$0x1] =	stream.indirect.gather [hbm4b:s4+s21], $0x80, s3, s21, $0xb8;
	[tilespmem:$0x1A900] =	vst v63  }
0x41: {  	_ =	swait.ge [sflag:s28], $0x2800  }
0x42: {  	[sflag:s28] =	ssyncset.done $0x0  }
0x43: {  	[sflag:s28] =	ssyncadd.s32 $0xFFFFD800  }
0x44: {  	[spmem:s1] =	stream.indirect.scatter.add.f32 [tilespmem:s26], [sflag:$0x2], $0x80, s15, s21, $0xb8;
	[tilespmem:$0x1A900] =	vst v63  }
0x45: {  	_ =	swait.ge [sflag:s14], $0x2800  }
0x46: {  	s30 =	simm.s32 $0xA;
	s31 =	simm.s32 $0x14;
	[sflag:s14] =	ssyncset.done $0x0  }
.LBB2_4:
0x47: {  	s0 =	sadd.s32 s30, s12  }
0x48: {  	[sflag:s14] =	ssyncadd.s32 $0xFFFFD800;
	s2 =	smov.u32 s31;
	s6 =	sadd.s32 $0xA, s31  }
0x49: {  	[tilespmem:s3], [sflag:$0x2] =	stream.linear.gather [hbm4b:s0+s3], $0x50, $0x38;
	[tilespmem:$0x1A900] =	vst v63  }
0x4a: {  	p0 =	sne.s32 s31, $0x4D8;
	_ =	swait.ge [sflag:s14], $0x50  }
0x4b: {  	[sflag:s14] =	ssyncset.done $0x0  }
0x4c: {  	s0 =	sadd.s32 s30, s11;
	s30 =	smov.u32 s2;
	[sflag:s14] =	ssyncadd.s32 $0xFFFFFFB0  }
0x4d: {  	[tilespmem:s15], [sflag:$0x2] =	stream.linear.gather [hbm4b:s0+s3], $0x50, $0x38;
	[tilespmem:$0x1A900] =	vst v63  }
0x4e: {  	_ =	swait.ge [sflag:s14], $0x50  }
0x4f: {  	[sflag:s14] =	ssyncset.done $0x0  }
0x50: {  	[sflag:s14] =	ssyncadd.s32 $0xFFFFFFB0  }
0x51: {  	[tilespmem:s26], [sflag:$0x1] =	stream.indirect.gather [hbm4b:s4+s21], $0x80, s3, s21, $0xb8;
	[tilespmem:$0x1A900] =	vst v63  }
0x52: {  	_ =	swait.ge [sflag:s28], $0x2800  }
.Ltmp1:
0x53: {  	[sflag:s28] =	ssyncset.done $0x0;
	(pc) =	sbr.rel @p0 .LBB2_4-.Ltmp1, $4  }
0x54: {  	[sflag:s28] =	ssyncadd.s32 $0xFFFFD800  }
0x55: {  	[spmem:s1] =	stream.indirect.scatter.add.f32 [tilespmem:s26], [sflag:$0x2], $0x80, s15, s21, $0xb8;
	[tilespmem:$0x1A900] =	vst v63  }
0x56: {  	_ =	swait.ge [sflag:s14], $0x2800  }
0x57: {  	s31 =	smov.u32 s6;
	[sflag:s14] =	ssyncset.done $0x0  }
0x58: {  	s0 =	sadd.s32 s30, s12;
	[sflag:s14] =	ssyncadd.s32 $0xFFFFD800  }
0x59: {  	[tilespmem:s3], [sflag:$0x2] =	stream.linear.gather [hbm4b:s0+s3], $0x50, $0x38;
	[tilespmem:$0x1A900] =	vst v63  }
0x5a: {  	_ =	swait.ge [sflag:s14], $0x50  }
0x5b: {  	[sflag:s14] =	ssyncset.done $0x0  }
0x5c: {  	s6 =	sadd.s32 s30, s11;
	[sflag:s14] =	ssyncadd.s32 $0xFFFFFFB0  }
0x5d: {  	[tilespmem:s15], [sflag:$0x2] =	stream.linear.gather [hbm4b:s6+s3], $0x50, $0x38;
	[tilespmem:$0x1A900] =	vst v63  }
0x5e: {  	_ =	swait.ge [sflag:s14], $0x50  }
0x5f: {  	[sflag:s14] =	ssyncset.done $0x0  }
0x60: {  	[sflag:s14] =	ssyncadd.s32 $0xFFFFFFB0  }
0x61: {  	[tilespmem:s26], [sflag:$0x1] =	stream.indirect.gather [hbm4b:s4+s21], $0x80, s3, s21, $0xb8;
	[tilespmem:$0x1A900] =	vst v63  }
0x62: {  	_ =	swait.ge [sflag:s28], $0x2800  }
0x63: {  	[sflag:s28] =	ssyncset.done $0x0  }
0x64: {  	[sflag:s28] =	ssyncadd.s32 $0xFFFFD800  }
0x65: {  	[spmem:s1] =	stream.indirect.scatter.add.f32 [tilespmem:s26], [sflag:$0x2], $0x80, s15, s21, $0xb8;
	[tilespmem:$0x1A900] =	vst v63  }
0x66: {  	_ =	swait.ge [sflag:s14], $0x2800  }
0x67: {  	s30 =	stileid.u32;
	[sflag:s14] =	ssyncset.done $0x0  }
0x68: {  	s0 =	sshll.u32 s30, $0x6;
	[sflag:s14] =	ssyncadd.s32 $0xFFFFD800  }
0x69: {  	s2 =	sshrl.u32 s5, $0x3;
	s0 =	sor.u32 $0x1C02, s0;
	[bflag:$0x0] =	sbarrier.arrive $0xFFFF  }
0x6a: {  	[hbm:s16], [sflag:s0] =	dma.local [spmem:s2], $0x800  }
0x6b: {  	_ =	swait.ge [sflag:s14], $0x800  }
0x6c: {  	[sflag:s14] =	ssyncset.done $0x0  }
0x6d: {  	[sflag:s14] =	ssyncadd.s32 $0xFFFFF800  }
0x6e: {  	[hbm:s17], [sflag:s0] =	dma.local [spmem:s22], $0x800  }
0x6f: {  	_ =	swait.ge [sflag:s14], $0x800  }
0x70: {  	[sflag:s14] =	ssyncset.done $0x0  }
0x71: {  	[sflag:s14] =	ssyncadd.s32 $0xFFFFF800  }
0x72: {  	[hbm:s18], [sflag:s0] =	dma.local [spmem:s23], $0x800  }
0x73: {  	_ =	swait.ge [sflag:s14], $0x800  }
0x74: {  	[sflag:s14] =	ssyncset.done $0x0  }
0x75: {  	[sflag:s14] =	ssyncadd.s32 $0xFFFFF800  }
0x76: {  	[hbm:s19], [sflag:s0] =	dma.local [spmem:s24], $0x800  }
0x77: {  	_ =	swait.ge [sflag:s14], $0x800  }
0x78: {  	[sflag:s14] =	ssyncset.done $0x0  }
0x79: {  	[sflag:s14] =	ssyncadd.s32 $0xFFFFF800  }
0x7a: {  	[hbm:s20], [sflag:s0] =	dma.local [spmem:s25], $0x800  }
0x7b: {  	_ =	swait.ge [sflag:s14], $0x800  }
0x7c: {  	s29 =	sadd.s32 $0x1, s29;
	s31 =	rddreg [dreg:$0x4]  }
0x7d: {  	p0 =	sne.s32 s29, s31  }
.Ltmp2:
0x7e: {  	_ = 	snop;
	(pc) =	sbr.rel @p0 .LBB2_1-.Ltmp2, $3  }
0x7f: {  	_ =	sdelay $0x1  }
0x80: {  	[sflag:s14] =	ssyncset.done $0x0  }
0x81: {  	[sflag:s14] =	ssyncadd.s32 $0xFFFFF800  }
0x82: {  	_ =	sfence.sel $0x180000  }
0x83: {  	[bflag:$0x0] =	sbarrier.arrive $0xFFFF  }
0x84: {  	_ =	strace $0x90000050  }
0x85: {  	s0 =	stileid.u32;
	[bflag:$0x2] =	sbarrier.arrive $0xFFFF  }
0x86: {  	p0 =	sne.s32 s0, $0x0;
	s0 =	rddreg [dreg:$0x3]  }
0x87: {  	s0 =	sadd.s32 @!p0 $0x100000, s0  }
0x88: {  	[sflag:s0] =	ssyncadd.tile.s32 @!p0 $0x1;
	_ =	shalt  }
.Lfunc_end2:
_tile_overlayer_lowered:
.L_overlay_start_2:
0x89: {  	(tag) =	ssettag $0x2  }
0x8a: {  	s0 =	rddreg [dreg:$0x0];
	s2 =	stileid.u32  }
0x8b: {  	s1 =	rddreg [dreg:$0x1];
	p0 =	sne.s32 s2, $0x0  }
0x8c: {  	s3 =	rddreg [dreg:$0x2];
	[bflag:$0x3] =	sbarrier.arrive $0xFFFF;
	s2 =	simm.s32 @!p0 $0x1C02  }
0x8d: {  	[timem:s3], [sflag:s2] =	dma.local @!p0 [hbm:s0], s1  }
0x8e: {  	s0 =	simm.s32 @!p0 $0x2  }
0x8f: {  	_ =	swait.ge @!p0 [sflag:s0], s1  }
0x90: {  	s1 =	ssub.s32 @!p0 $0x0, s1;
	[sflag:s0] =	ssyncset.done @!p0 $0x0  }
0x91: {  	[sflag:s0] =	ssyncadd.s32 @!p0 s1  }
0x92: {  	[bflag:$0x3] =	sbarrier.arrive $0xFFFF  }
0x93: {  	_ =	shalt  }

</sc_bundles>
